<compile_context>
chip_gen: v7x
topology: tpu7x:2x2x1
jax: 0.10.2.dev20260603
libtpu: 0.0.44.dev20260713+nightly
codegen_flags: <defaults>
</compile_context>

<pallas_src>
import functools

import jax
import jax.numpy as jnp
from jax import lax
from jax.experimental import pallas as pl
from jax.experimental.pallas import tpu as pltpu
from jax.experimental.pallas import tpu_sc as plsc

N = 10000
NP = 10240
E = 320000
EP = 327680
D = 128
DH = 64
A = 1024
NC = 2
NS = 16
NW = NC * NS
ET = EP // NW
CH = 128
NCH = ET // CH
RPT = NP // NS
L = 16

_f32 = jnp.float32
_i32 = jnp.int32
_mesh = plsc.VectorSubcoreMesh(core_axis_name="c", subcore_axis_name="s")
_sc_params = pltpu.CompilerParams(use_tc_tiling_on_sc=False)
_MASK = (1 << 14) - 1


def _unpack(pki, srci, dsti, want_src):

    def body(k, carry):
        for j in range(CH // L):
            v = pki[k, pl.ds(j * L, L)]
            if want_src:
                srci[k, pl.ds(j * L, L)] = v & _MASK
            dsti[k, pl.ds(j * L, L)] = lax.shift_right_logical(v, 14)
        return carry

    lax.fori_loop(0, NCH, body, 0)



@functools.partial(
    pl.kernel,
    out_type=(jax.ShapeDtypeStruct((NP, 16), _f32),
              jax.ShapeDtypeStruct((NP, 16), _f32)),
    mesh=_mesh,
    compiler_params=_sc_params,
    scratch_types=[
        pltpu.VMEM((NCH, CH), _i32),
        pltpu.VMEM((NCH, CH), _i32),
        pltpu.VMEM((CH, 16), _f32),
        pltpu.VMEM_SHARED((NP, 16), _f32),
    ],
)
def _deg_kernel(pk2, ones16, out0, out1, pki, dsti, ones_v, acc):
    c = lax.axis_index("c")
    s = lax.axis_index("s")
    wid = s * NC + c
    r0 = s * RPT
    pltpu.sync_copy(pk2.at[pl.ds(wid * NCH, NCH)], pki)
    pltpu.sync_copy(ones16.at[pl.ds(0, CH)], ones_v)
    pltpu.sync_copy(ones16.at[pl.ds(r0, RPT)], acc.at[pl.ds(r0, RPT)])
    _unpack(pki, None, dsti, want_src=False)
    plsc.subcore_barrier()

    def body(k, carry):
        pltpu.sync_copy(ones_v, acc.at[dsti.at[k]], add=True)
        return carry

    lax.fori_loop(0, NCH, body, 0)
    plsc.subcore_barrier()

    @pl.when(c == 0)
    def _():
        pltpu.sync_copy(acc.at[pl.ds(r0, RPT)], out0.at[pl.ds(r0, RPT)])

    @pl.when(c == 1)
    def _():
        pltpu.sync_copy(acc.at[pl.ds(r0, RPT)], out1.at[pl.ds(r0, RPT)])


@functools.partial(
    pl.kernel,
    out_type=tuple(jax.ShapeDtypeStruct((NP, DH), _f32) for _ in range(4)),
    mesh=_mesh,
    compiler_params=_sc_params,
    scratch_types=[
        pltpu.VMEM((NCH, CH), _i32),
        pltpu.VMEM((NCH, CH), _i32),
        pltpu.VMEM((NCH, CH), _i32),
        pltpu.VMEM((CH, DH), _f32),
        pltpu.VMEM((CH, DH), _f32),
        pltpu.VMEM_SHARED((NP, DH), _f32),
        pltpu.SemaphoreType.DMA,
        pltpu.SemaphoreType.DMA,
    ],
)
def _edge_kernel(ylo, yhi, pk2, zc, o0lo, o0hi, o1lo, o1hi,
                 pki, srci, dsti, rows_a, rows_b, acc, sem_a, sem_b):
    c = lax.axis_index("c")
    s = lax.axis_index("s")
    wid = s * NC + c
    r0 = s * RPT
    pltpu.sync_copy(pk2.at[pl.ds(wid * NCH, NCH)], pki)
    _unpack(pki, srci, dsti, want_src=True)

    for y, out0, out1 in ((ylo, o0lo, o1lo), (yhi, o0hi, o1hi)):
        pltpu.sync_copy(zc.at[pl.ds(r0, RPT)], acc.at[pl.ds(r0, RPT)])
        plsc.subcore_barrier()

        pltpu.async_copy(y.at[srci.at[0]], rows_a, sem_a)

        def body(i, carry, y=y):
            k = 2 * i
            pltpu.async_copy(y.at[srci.at[k + 1]], rows_b, sem_b)
            pltpu.make_async_copy(y.at[srci.at[k]], rows_a, sem_a).wait()
            pltpu.sync_copy(rows_a, acc.at[dsti.at[k]], add=True)

            @pl.when(k + 2 < NCH)
            def _():
                pltpu.async_copy(y.at[srci.at[k + 2]], rows_a, sem_a)

            pltpu.make_async_copy(y.at[srci.at[k + 1]], rows_b, sem_b).wait()
            pltpu.sync_copy(rows_b, acc.at[dsti.at[k + 1]], add=True)
            return carry

        lax.fori_loop(0, NCH // 2, body, 0)
        plsc.subcore_barrier()

        @pl.when(c == 0)
        def _():
            pltpu.sync_copy(acc.at[pl.ds(r0, RPT)], out0.at[pl.ds(r0, RPT)])

        @pl.when(c == 1)
        def _():
            pltpu.sync_copy(acc.at[pl.ds(r0, RPT)], out1.at[pl.ds(r0, RPT)])

        plsc.subcore_barrier()


_APT = A // NW


@functools.partial(
    pl.kernel,
    out_type=tuple(jax.ShapeDtypeStruct((A, DH), _f32) for _ in range(6))
    + (jax.ShapeDtypeStruct((A, 16), _f32),),
    mesh=_mesh,
    compiler_params=_sc_params,
    scratch_types=[
        pltpu.VMEM((_APT,), _i32),
        pltpu.VMEM((_APT, DH), _f32),
        pltpu.VMEM((_APT, 16), _f32),
        pltpu.SemaphoreType.DMA,
    ],
)
def _gather_kernel(t0, t1, t2, t3, t4, t5, di16, asp,
                   g0, g1, g2, g3, g4, g5, gd,
                   idxv, rbuf, rbuf16, sem):
    c = lax.axis_index("c")
    s = lax.axis_index("s")
    wid = s * NC + c
    base = wid * _APT
    pltpu.sync_copy(asp.at[pl.ds(base, _APT)], idxv)

    for tab, g in ((t0, g0), (t1, g1), (t2, g2), (t3, g3), (t4, g4), (t5, g5)):
        pltpu.async_copy(tab.at[idxv], rbuf, sem).wait()
        pltpu.sync_copy(rbuf, g.at[pl.ds(base, _APT)])

    pltpu.async_copy(di16.at[idxv], rbuf16, sem).wait()
    pltpu.sync_copy(rbuf16, gd.at[pl.ds(base, _APT)])



_RB = 1024


def _tc1_body(d0, d1, x, w, ylo_ref, yhi_ref, di_ref, di16_ref):
    deg = d0[...] + d1[...] - 1.0
    di = jnp.where(deg > 0, lax.rsqrt(jnp.maximum(deg, 1e-12)), 0.0)
    y = jnp.dot(x[...], w[...], preferred_element_type=_f32) * di
    ylo_ref[...] = y[:, :DH]
    yhi_ref[...] = y[:, DH:]
    di_ref[...] = di
    di16_ref[...] = jnp.broadcast_to(di, (di.shape[0], 16))


def _tc1(d0s, d1s, x, w):
    return pl.pallas_call(
        _tc1_body,
        grid=(NP // _RB,),
        in_specs=[
            pl.BlockSpec((_RB, 1), lambda i: (i, 0)),
            pl.BlockSpec((_RB, 1), lambda i: (i, 0)),
            pl.BlockSpec((_RB, D), lambda i: (i, 0)),
            pl.BlockSpec((D, D), lambda i: (0, 0)),
        ],
        out_specs=[
            pl.BlockSpec((_RB, DH), lambda i: (i, 0)),
            pl.BlockSpec((_RB, DH), lambda i: (i, 0)),
            pl.BlockSpec((_RB, 1), lambda i: (i, 0)),
            pl.BlockSpec((_RB, 16), lambda i: (i, 0)),
        ],
        out_shape=[
            jax.ShapeDtypeStruct((NP, DH), _f32),
            jax.ShapeDtypeStruct((NP, DH), _f32),
            jax.ShapeDtypeStruct((NP, 1), _f32),
            jax.ShapeDtypeStruct((NP, 16), _f32),
        ],
    )(d0s, d1s, x, w)


def _tc2_body(a0lo, a0hi, a1lo, a1hi, ylo, yhi, di, b1, w2,
              y2lo_ref, y2hi_ref):
    dv = di[...]
    hlo = a0lo[...] + a1lo[...] + ylo[...]
    hhi = a0hi[...] + a1hi[...] + yhi[...]
    h = dv * jnp.concatenate([hlo, hhi], axis=1) + b1[...]
    h = jnp.maximum(h, 0.0)
    y2 = jnp.dot(h, w2[...], preferred_element_type=_f32) * dv
    y2lo_ref[...] = y2[:, :DH]
    y2hi_ref[...] = y2[:, DH:]


def _tc2(a0lo, a0hi, a1lo, a1hi, ylo, yhi, di, b1r, w2):
    blk = pl.BlockSpec((_RB, DH), lambda i: (i, 0))
    return pl.pallas_call(
        _tc2_body,
        grid=(NP // _RB,),
        in_specs=[
            blk, blk, blk, blk, blk, blk,
            pl.BlockSpec((_RB, 1), lambda i: (i, 0)),
            pl.BlockSpec((1, D), lambda i: (0, 0)),
            pl.BlockSpec((D, D), lambda i: (0, 0)),
        ],
        out_specs=[blk, blk],
        out_shape=[
            jax.ShapeDtypeStruct((NP, DH), _f32),
            jax.ShapeDtypeStruct((NP, DH), _f32),
        ],
    )(a0lo, a0hi, a1lo, a1hi, ylo, yhi, di, b1r, w2)


def _tc3_body(g0, g1, g2, g3, g4, g5, di, b2, wc, bc, out_ref):
    hlo = g0[...] + g2[...] + g4[...]
    hhi = g1[...] + g3[...] + g5[...]
    h = di[...] * jnp.concatenate([hlo, hhi], axis=1) + b2[...]
    out_ref[...] = jnp.dot(h, wc[...], preferred_element_type=_f32) + bc[...]


def _tc3(gs, gd, b2r, wcp, bcp):
    blk = pl.BlockSpec((A, DH), lambda i: (0, 0))
    return pl.pallas_call(
        _tc3_body,
        grid=(1,),
        in_specs=[
            blk, blk, blk, blk, blk, blk,
            pl.BlockSpec((A, 1), lambda i: (0, 0)),
            pl.BlockSpec((1, D), lambda i: (0, 0)),
            pl.BlockSpec((D, D), lambda i: (0, 0)),
            pl.BlockSpec((1, D), lambda i: (0, 0)),
        ],
        out_specs=pl.BlockSpec((A, D), lambda i: (0, 0)),
        out_shape=jax.ShapeDtypeStruct((A, D), _f32),
    )(*gs, gd, b2r, wcp, bcp)



@jax.jit
def kernel(features, edge_index, aspect_indices, W1, b1, W2, b2, Wc, bc):
    pad_src = jnp.zeros((EP - E,), edge_index.dtype)
    pad_dst = jnp.full((EP - E,), N, edge_index.dtype)
    src = jnp.concatenate([edge_index[0], pad_src])
    dst = jnp.concatenate([edge_index[1], pad_dst])
    pk2 = (src | (dst << 14)).reshape(EP // CH, CH)
    xp = jnp.pad(features, ((0, NP - N), (0, 0)))
    ones16 = jnp.ones((NP, 16), _f32)
    zc = jnp.zeros((NP, DH), _f32)
    b1r = b1.reshape(1, D)
    b2r = b2.reshape(1, D)
    wcp = jnp.pad(Wc, ((0, 0), (0, D - Wc.shape[1])))
    bcp = jnp.pad(bc, (0, D - bc.shape[0])).reshape(1, D)

    d0, d1 = _deg_kernel(pk2, ones16)
    y1lo, y1hi, dinv, di16 = _tc1(d0[:, :1], d1[:, :1], xp, W1)
    a0lo, a0hi, a1lo, a1hi = _edge_kernel(y1lo, y1hi, pk2, zc)
    y2lo, y2hi = _tc2(a0lo, a0hi, a1lo, a1hi, y1lo, y1hi, dinv, b1r, W2)
    c0lo, c0hi, c1lo, c1hi = _edge_kernel(y2lo, y2hi, pk2, zc)
    gs = _gather_kernel(c0lo, c0hi, c1lo, c1hi, y2lo, y2hi,
                        di16, aspect_indices)
    logits = _tc3(gs[:6], gs[6][:, :1], b2r, wcp, bcp)
    return logits[:, :bc.shape[0]]

# --- scband reference (transcript-rebuilt; emitter-appended) ---
"""Pipeline reference for scband-baseline-asgcn-36120674959481 (READ-ONLY COPY).

The authoritative reference and input builder live on the scoring server;
editing this copy changes nothing except your own understanding.
"""

import jax, jax.numpy as jnp
import numpy as np

N_NODES = 10000
N_EDGES = 320000
D_IN = 128
D_HID = 128
N_CLASSES = 3
N_ASPECTS = 1024


def gcn_layer(x, src, dst, W, b, n):
    # PyG GCNConv: x' = D^{-1/2} (A + I) D^{-1/2} (X W) + b
    x = x @ W
    loop = jnp.arange(n, dtype=src.dtype)
    s = jnp.concatenate([src, loop])
    d = jnp.concatenate([dst, loop])
    deg = jax.ops.segment_sum(jnp.ones(s.shape[0], x.dtype), d, num_segments=n)
    dinv = jnp.where(deg > 0, jax.lax.rsqrt(jnp.maximum(deg, 1e-12)), 0.0)
    norm = dinv[s] * dinv[d]
    msg = x[s] * norm[:, None]
    out = jax.ops.segment_sum(msg, d, num_segments=n)
    return out + b


def setup_inputs(seed: int = 0) -> dict:
    key = jax.random.key(seed)
    ks = jax.random.split(key, 9)
    features = jax.random.normal(ks[0], (N_NODES, D_IN), dtype=jnp.float32)
    edge_index = jax.random.randint(ks[1], (2, N_EDGES), 0, N_NODES, dtype=jnp.int32)
    aspect_indices = jax.random.randint(ks[2], (N_ASPECTS,), 0, N_NODES, dtype=jnp.int32)
    W1 = jax.random.normal(ks[3], (D_IN, D_HID), dtype=jnp.float32) * 0.05
    b1 = jnp.zeros((D_HID,), dtype=jnp.float32)
    W2 = jax.random.normal(ks[4], (D_HID, D_HID), dtype=jnp.float32) * 0.05
    b2 = jnp.zeros((D_HID,), dtype=jnp.float32)
    Wc = jax.random.normal(ks[5], (D_HID, N_CLASSES), dtype=jnp.float32) * 0.05
    bc = jnp.zeros((N_CLASSES,), dtype=jnp.float32)
    return {"features": features, "edge_index": edge_index, "aspect_indices": aspect_indices,
            "W1": W1, "b1": b1, "W2": W2, "b2": b2, "Wc": Wc, "bc": bc}


def reference(features, edge_index, aspect_indices, W1, b1, W2, b2, Wc, bc):
    n = features.shape[0]
    src = edge_index[0]
    dst = edge_index[1]
    h = gcn_layer(features, src, dst, W1, b1, n)
    h = jax.nn.relu(h)
    # dropout is identity in eval mode
    h = gcn_layer(h, src, dst, W2, b2, n)
    aspect_embeddings = h[aspect_indices]
    logits = aspect_embeddings @ Wc + bc
    return logits

if __name__ == "__main__":
    import jax
    _d = setup_inputs()
    print(jax.jit(kernel)(*tuple(_d.values())))

</pallas_src>

<mosaic_0001>
#map = affine_map<(d0, d1) -> (0, 0)>
module attributes {stable_mosaic.version = 14 : i64} {
  func.func @_deg_kernel(%arg0: i32, %arg1: i32, %arg2: memref<2560x128xi32, #tpu.memory_space<hbm>>, %arg3: memref<10240x16xf32, #tpu.memory_space<hbm>>, %arg4: memref<10240x16xf32, #tpu.memory_space<hbm>>, %arg5: memref<10240x16xf32, #tpu.memory_space<hbm>>, %arg6: memref<80x128xi32, #tpu.memory_space<vmem>>, %arg7: memref<80x128xi32, #tpu.memory_space<vmem>>, %arg8: memref<128x16xf32, #tpu.memory_space<vmem>>, %arg9: memref<10240x16xf32, #tpu.memory_space<vmem_shared>>) attributes {dimension_semantics = [#tpu.dimension_semantics<core_parallel>, #tpu.dimension_semantics<subcore_parallel>], iteration_bounds = array<i64: 2, 16>, scalar_prefetch = 0 : i64, scratch_operands = 4 : i64, tpu.core_type = #tpu.core_type<sc_vector_subcore>, window_params = [{transform_indices = #map}, {transform_indices = #map}, {transform_indices = #map}, {transform_indices = #map}]} {
    %mul3A = arith.constant 2 : i32
    %mul3A_0 = arith.muli %arg1, %mul3A : i32
    %add3A = arith.addi %mul3A_0, %arg0 : i32
    %mul3A_1 = arith.constant 640 : i32
    %mul3A_2 = arith.muli %arg1, %mul3A_1 : i32
    %mul3A_3 = arith.constant 80 : i32
    %mul3A_4 = arith.muli %add3A, %mul3A_3 : i32
    "tpu.region"() ({
      %run_scoped3A = tpu.sem_alloc : memref<!tpu.dma_semaphore, #tpu.memory_space<semaphore_mem>>
      %dma_start3A = arith.constant 0 : i32
      %dma_start3A_24 = tpu.memref_slice %arg2[%mul3A_4, %dma_start3A] : memref<2560x128xi32, #tpu.memory_space<hbm>> -> memref<80x128xi32, #tpu.memory_space<hbm>>
      %dma_start3A_25 = arith.constant 0 : i32
      %dma_start3A_26 = tpu.memref_slice %arg2[%mul3A_4, %dma_start3A_25] : memref<2560x128xi32, #tpu.memory_space<hbm>> -> memref<80x128xi32, #tpu.memory_space<hbm>>
      tpu.enqueue_dma source(%dma_start3A_26 : memref<80x128xi32, #tpu.memory_space<hbm>>) target(%arg6 : memref<80x128xi32, #tpu.memory_space<vmem>>) target_semaphore(%run_scoped3A : memref<!tpu.dma_semaphore, #tpu.memory_space<semaphore_mem>>)
      %dma_wait3A = arith.constant 0 : i32
      %dma_wait3A_27 = tpu.memref_slice %arg2[%mul3A_4, %dma_wait3A] : memref<2560x128xi32, #tpu.memory_space<hbm>> -> memref<80x128xi32, #tpu.memory_space<hbm>>
      %dma_wait3A_28 = arith.constant 0 : i32
      %dma_wait3A_29 = tpu.memref_slice %arg2[%mul3A_4, %dma_wait3A_28] : memref<2560x128xi32, #tpu.memory_space<hbm>> -> memref<80x128xi32, #tpu.memory_space<hbm>>
      tpu.wait_dma2 semaphore(%run_scoped3A : memref<!tpu.dma_semaphore, #tpu.memory_space<semaphore_mem>>) src(%dma_wait3A_29 : memref<80x128xi32, #tpu.memory_space<hbm>>) dst(%arg6 : memref<80x128xi32, #tpu.memory_space<vmem>>)
      tpu.yield
    }) : () -> ()
    "tpu.region"() ({
      %run_scoped3A = tpu.sem_alloc : memref<!tpu.dma_semaphore, #tpu.memory_space<semaphore_mem>>
      %dma_start3A = arith.constant 0 : i32
      %dma_start3A_24 = arith.constant 0 : i32
      %dma_start3A_25 = tpu.memref_slice %arg3[%dma_start3A, %dma_start3A_24] : memref<10240x16xf32, #tpu.memory_space<hbm>> -> memref<128x16xf32, #tpu.memory_space<hbm>>
      %dma_start3A_26 = arith.constant 0 : i32
      %dma_start3A_27 = arith.constant 0 : i32
      %dma_start3A_28 = tpu.memref_slice %arg3[%dma_start3A_26, %dma_start3A_27] : memref<10240x16xf32, #tpu.memory_space<hbm>> -> memref<128x16xf32, #tpu.memory_space<hbm>>
      tpu.enqueue_dma source(%dma_start3A_28 : memref<128x16xf32, #tpu.memory_space<hbm>>) target(%arg8 : memref<128x16xf32, #tpu.memory_space<vmem>>) target_semaphore(%run_scoped3A : memref<!tpu.dma_semaphore, #tpu.memory_space<semaphore_mem>>)
      %dma_wait3A = arith.constant 0 : i32
      %dma_wait3A_29 = arith.constant 0 : i32
      %dma_wait3A_30 = tpu.memref_slice %arg3[%dma_wait3A, %dma_wait3A_29] : memref<10240x16xf32, #tpu.memory_space<hbm>> -> memref<128x16xf32, #tpu.memory_space<hbm>>
      %dma_wait3A_31 = arith.constant 0 : i32
      %dma_wait3A_32 = arith.constant 0 : i32
      %dma_wait3A_33 = tpu.memref_slice %arg3[%dma_wait3A_31, %dma_wait3A_32] : memref<10240x16xf32, #tpu.memory_space<hbm>> -> memref<128x16xf32, #tpu.memory_space<hbm>>
      tpu.wait_dma2 semaphore(%run_scoped3A : memref<!tpu.dma_semaphore, #tpu.memory_space<semaphore_mem>>) src(%dma_wait3A_33 : memref<128x16xf32, #tpu.memory_space<hbm>>) dst(%arg8 : memref<128x16xf32, #tpu.memory_space<vmem>>)
      tpu.yield
    }) : () -> ()
    "tpu.region"() ({
      %run_scoped3A = tpu.sem_alloc : memref<!tpu.dma_semaphore, #tpu.memory_space<semaphore_mem>>
      %dma_start3A = arith.constant 0 : i32
      %dma_start3A_24 = tpu.memref_slice %arg9[%mul3A_2, %dma_start3A] : memref<10240x16xf32, #tpu.memory_space<vmem_shared>> -> memref<640x16xf32, #tpu.memory_space<vmem_shared>>
      %dma_start3A_25 = arith.constant 0 : i32
      %dma_start3A_26 = tpu.memref_slice %arg3[%mul3A_2, %dma_start3A_25] : memref<10240x16xf32, #tpu.memory_space<hbm>> -> memref<640x16xf32, #tpu.memory_space<hbm>>
      tpu.enqueue_dma source(%dma_start3A_26 : memref<640x16xf32, #tpu.memory_space<hbm>>) target(%dma_start3A_24 : memref<640x16xf32, #tpu.memory_space<vmem_shared>>) target_semaphore(%run_scoped3A : memref<!tpu.dma_semaphore, #tpu.memory_space<semaphore_mem>>)
      %dma_wait3A = arith.constant 0 : i32
      %dma_wait3A_27 = tpu.memref_slice %arg9[%mul3A_2, %dma_wait3A] : memref<10240x16xf32, #tpu.memory_space<vmem_shared>> -> memref<640x16xf32, #tpu.memory_space<vmem_shared>>
      %dma_wait3A_28 = arith.constant 0 : i32
      %dma_wait3A_29 = tpu.memref_slice %arg3[%mul3A_2, %dma_wait3A_28] : memref<10240x16xf32, #tpu.memory_space<hbm>> -> memref<640x16xf32, #tpu.memory_space<hbm>>
      tpu.wait_dma2 semaphore(%run_scoped3A : memref<!tpu.dma_semaphore, #tpu.memory_space<semaphore_mem>>) src(%dma_wait3A_29 : memref<640x16xf32, #tpu.memory_space<hbm>>) dst(%dma_wait3A_27 : memref<640x16xf32, #tpu.memory_space<vmem_shared>>)
      tpu.yield
    }) : () -> ()
    %scan3A = arith.constant 0 : i32
    %scan3A_5 = arith.constant 0 : i32
    %scan3A_6 = arith.constant 80 : i32
    %scan3A_7 = arith.addi %scan3A_5, %scan3A_6 : i32
    %scan3A_8 = arith.constant 1 : i32
    scf.for %scan3A_24 = %scan3A_5 to %scan3A_7 step %scan3A_8  : i32 {
      %get3A = arith.index_cast %scan3A_24 : i32 to index
      %get3A_25 = arith.constant 0 : index
      %get3A_26 = tpu.vector_load %arg6[%get3A, %get3A_25] {strides = array<i32>} : memref<80x128xi32, #tpu.memory_space<vmem>>, vector<1x16xi32>,
      %get3A_27 = vector.shape_cast %get3A_26 : vector<1x16xi32> to vector<16xi32>
      %shift_right_logical3A = arith.constant 14 : i32
      %shift_right_logical3A_28 = vector.broadcast %shift_right_logical3A : i32 to vector<16xi32>
      %shift_right_logical3A_29 = arith.shrui %get3A_27, %shift_right_logical3A_28 : vector<16xi32>
      %swap3A = arith.index_cast %scan3A_24 : i32 to index
      %swap3A_30 = arith.constant 0 : index
      %swap3A_31 = tpu.vector_load %arg7[%swap3A, %swap3A_30] {strides = array<i32>} : memref<80x128xi32, #tpu.memory_space<vmem>>, vector<1x16xi32>,
      %swap3A_32 = vector.shape_cast %swap3A_31 : vector<1x16xi32> to vector<16xi32>
      %swap3A_33 = vector.shape_cast %shift_right_logical3A_29 : vector<16xi32> to vector<1x16xi32>
      tpu.vector_store %arg7[%swap3A, %swap3A_30], %swap3A_33 {strides = array<i32>} : memref<80x128xi32, #tpu.memory_space<vmem>>, vector<1x16xi32>,
      %get3A_34 = arith.index_cast %scan3A_24 : i32 to index
      %get3A_35 = arith.constant 16 : index
      %get3A_36 = tpu.vector_load %arg6[%get3A_34, %get3A_35] {strides = array<i32>} : memref<80x128xi32, #tpu.memory_space<vmem>>, vector<1x16xi32>,
      %get3A_37 = vector.shape_cast %get3A_36 : vector<1x16xi32> to vector<16xi32>
      %shift_right_logical3A_38 = arith.constant 14 : i32
      %shift_right_logical3A_39 = vector.broadcast %shift_right_logical3A_38 : i32 to vector<16xi32>
      %shift_right_logical3A_40 = arith.shrui %get3A_37, %shift_right_logical3A_39 : vector<16xi32>
      %swap3A_41 = arith.index_cast %scan3A_24 : i32 to index
      %swap3A_42 = arith.constant 16 : index
      %swap3A_43 = tpu.vector_load %arg7[%swap3A_41, %swap3A_42] {strides = array<i32>} : memref<80x128xi32, #tpu.memory_space<vmem>>, vector<1x16xi32>,
      %swap3A_44 = vector.shape_cast %swap3A_43 : vector<1x16xi32> to vector<16xi32>
      %swap3A_45 = vector.shape_cast %shift_right_logical3A_40 : vector<16xi32> to vector<1x16xi32>
      tpu.vector_store %arg7[%swap3A_41, %swap3A_42], %swap3A_45 {strides = array<i32>} : memref<80x128xi32, #tpu.memory_space<vmem>>, vector<1x16xi32>,
      %get3A_46 = arith.index_cast %scan3A_24 : i32 to index
      %get3A_47 = arith.constant 32 : index
      %get3A_48 = tpu.vector_load %arg6[%get3A_46, %get3A_47] {strides = array<i32>} : memref<80x128xi32, #tpu.memory_space<vmem>>, vector<1x16xi32>,
      %get3A_49 = vector.shape_cast %get3A_48 : vector<1x16xi32> to vector<16xi32>
      %shift_right_logical3A_50 = arith.constant 14 : i32
      %shift_right_logical3A_51 = vector.broadcast %shift_right_logical3A_50 : i32 to vector<16xi32>
      %shift_right_logical3A_52 = arith.shrui %get3A_49, %shift_right_logical3A_51 : vector<16xi32>
      %swap3A_53 = arith.index_cast %scan3A_24 : i32 to index
      %swap3A_54 = arith.constant 32 : index
      %swap3A_55 = tpu.vector_load %arg7[%swap3A_53, %swap3A_54] {strides = array<i32>} : memref<80x128xi32, #tpu.memory_space<vmem>>, vector<1x16xi32>,
      %swap3A_56 = vector.shape_cast %swap3A_55 : vector<1x16xi32> to vector<16xi32>
      %swap3A_57 = vector.shape_cast %shift_right_logical3A_52 : vector<16xi32> to vector<1x16xi32>
      tpu.vector_store %arg7[%swap3A_53, %swap3A_54], %swap3A_57 {strides = array<i32>} : memref<80x128xi32, #tpu.memory_space<vmem>>, vector<1x16xi32>,
      %get3A_58 = arith.index_cast %scan3A_24 : i32 to index
      %get3A_59 = arith.constant 48 : index
      %get3A_60 = tpu.vector_load %arg6[%get3A_58, %get3A_59] {strides = array<i32>} : memref<80x128xi32, #tpu.memory_space<vmem>>, vector<1x16xi32>,
      %get3A_61 = vector.shape_cast %get3A_60 : vector<1x16xi32> to vector<16xi32>
      %shift_right_logical3A_62 = arith.constant 14 : i32
      %shift_right_logical3A_63 = vector.broadcast %shift_right_logical3A_62 : i32 to vector<16xi32>
      %shift_right_logical3A_64 = arith.shrui %get3A_61, %shift_right_logical3A_63 : vector<16xi32>
      %swap3A_65 = arith.index_cast %scan3A_24 : i32 to index
      %swap3A_66 = arith.constant 48 : index
      %swap3A_67 = tpu.vector_load %arg7[%swap3A_65, %swap3A_66] {strides = array<i32>} : memref<80x128xi32, #tpu.memory_space<vmem>>, vector<1x16xi32>,
      %swap3A_68 = vector.shape_cast %swap3A_67 : vector<1x16xi32> to vector<16xi32>
      %swap3A_69 = vector.shape_cast %shift_right_logical3A_64 : vector<16xi32> to vector<1x16xi32>
      tpu.vector_store %arg7[%swap3A_65, %swap3A_66], %swap3A_69 {strides = array<i32>} : memref<80x128xi32, #tpu.memory_space<vmem>>, vector<1x16xi32>,
      %get3A_70 = arith.index_cast %scan3A_24 : i32 to index
      %get3A_71 = arith.constant 64 : index
      %get3A_72 = tpu.vector_load %arg6[%get3A_70, %get3A_71] {strides = array<i32>} : memref<80x128xi32, #tpu.memory_space<vmem>>, vector<1x16xi32>,
      %get3A_73 = vector.shape_cast %get3A_72 : vector<1x16xi32> to vector<16xi32>
      %shift_right_logical3A_74 = arith.constant 14 : i32
      %shift_right_logical3A_75 = vector.broadcast %shift_right_logical3A_74 : i32 to vector<16xi32>
      %shift_right_logical3A_76 = arith.shrui %get3A_73, %shift_right_logical3A_75 : vector<16xi32>
      %swap3A_77 = arith.index_cast %scan3A_24 : i32 to index
      %swap3A_78 = arith.constant 64 : index
      %swap3A_79 = tpu.vector_load %arg7[%swap3A_77, %swap3A_78] {strides = array<i32>} : memref<80x128xi32, #tpu.memory_space<vmem>>, vector<1x16xi32>,
      %swap3A_80 = vector.shape_cast %swap3A_79 : vector<1x16xi32> to vector<16xi32>
      %swap3A_81 = vector.shape_cast %shift_right_logical3A_76 : vector<16xi32> to vector<1x16xi32>
      tpu.vector_store %arg7[%swap3A_77, %swap3A_78], %swap3A_81 {strides = array<i32>} : memref<80x128xi32, #tpu.memory_space<vmem>>, vector<1x16xi32>,
      %get3A_82 = arith.index_cast %scan3A_24 : i32 to index
      %get3A_83 = arith.constant 80 : index
      %get3A_84 = tpu.vector_load %arg6[%get3A_82, %get3A_83] {strides = array<i32>} : memref<80x128xi32, #tpu.memory_space<vmem>>, vector<1x16xi32>,
      %get3A_85 = vector.shape_cast %get3A_84 : vector<1x16xi32> to vector<16xi32>
      %shift_right_logical3A_86 = arith.constant 14 : i32
      %shift_right_logical3A_87 = vector.broadcast %shift_right_logical3A_86 : i32 to vector<16xi32>
      %shift_right_logical3A_88 = arith.shrui %get3A_85, %shift_right_logical3A_87 : vector<16xi32>
      %swap3A_89 = arith.index_cast %scan3A_24 : i32 to index
      %swap3A_90 = arith.constant 80 : index
      %swap3A_91 = tpu.vector_load %arg7[%swap3A_89, %swap3A_90] {strides = array<i32>} : memref<80x128xi32, #tpu.memory_space<vmem>>, vector<1x16xi32>,
      %swap3A_92 = vector.shape_cast %swap3A_91 : vector<1x16xi32> to vector<16xi32>
      %swap3A_93 = vector.shape_cast %shift_right_logical3A_88 : vector<16xi32> to vector<1x16xi32>
      tpu.vector_store %arg7[%swap3A_89, %swap3A_90], %swap3A_93 {strides = array<i32>} : memref<80x128xi32, #tpu.memory_space<vmem>>, vector<1x16xi32>,
      %get3A_94 = arith.index_cast %scan3A_24 : i32 to index
      %get3A_95 = arith.constant 96 : index
      %get3A_96 = tpu.vector_load %arg6[%get3A_94, %get3A_95] {strides = array<i32>} : memref<80x128xi32, #tpu.memory_space<vmem>>, vector<1x16xi32>,
      %get3A_97 = vector.shape_cast %get3A_96 : vector<1x16xi32> to vector<16xi32>
      %shift_right_logical3A_98 = arith.constant 14 : i32
      %shift_right_logical3A_99 = vector.broadcast %shift_right_logical3A_98 : i32 to vector<16xi32>
      %shift_right_logical3A_100 = arith.shrui %get3A_97, %shift_right_logical3A_99 : vector<16xi32>
      %swap3A_101 = arith.index_cast %scan3A_24 : i32 to index
      %swap3A_102 = arith.constant 96 : index
      %swap3A_103 = tpu.vector_load %arg7[%swap3A_101, %swap3A_102] {strides = array<i32>} : memref<80x128xi32, #tpu.memory_space<vmem>>, vector<1x16xi32>,
      %swap3A_104 = vector.shape_cast %swap3A_103 : vector<1x16xi32> to vector<16xi32>
      %swap3A_105 = vector.shape_cast %shift_right_logical3A_100 : vector<16xi32> to vector<1x16xi32>
      tpu.vector_store %arg7[%swap3A_101, %swap3A_102], %swap3A_105 {strides = array<i32>} : memref<80x128xi32, #tpu.memory_space<vmem>>, vector<1x16xi32>,
      %get3A_106 = arith.index_cast %scan3A_24 : i32 to index
      %get3A_107 = arith.constant 112 : index
      %get3A_108 = tpu.vector_load %arg6[%get3A_106, %get3A_107] {strides = array<i32>} : memref<80x128xi32, #tpu.memory_space<vmem>>, vector<1x16xi32>,
      %get3A_109 = vector.shape_cast %get3A_108 : vector<1x16xi32> to vector<16xi32>
      %shift_right_logical3A_110 = arith.constant 14 : i32
      %shift_right_logical3A_111 = vector.broadcast %shift_right_logical3A_110 : i32 to vector<16xi32>
      %shift_right_logical3A_112 = arith.shrui %get3A_109, %shift_right_logical3A_111 : vector<16xi32>
      %swap3A_113 = arith.index_cast %scan3A_24 : i32 to index
      %swap3A_114 = arith.constant 112 : index
      %swap3A_115 = tpu.vector_load %arg7[%swap3A_113, %swap3A_114] {strides = array<i32>} : memref<80x128xi32, #tpu.memory_space<vmem>>, vector<1x16xi32>,
      %swap3A_116 = vector.shape_cast %swap3A_115 : vector<1x16xi32> to vector<16xi32>
      %swap3A_117 = vector.shape_cast %shift_right_logical3A_112 : vector<16xi32> to vector<1x16xi32>
      tpu.vector_store %arg7[%swap3A_113, %swap3A_114], %swap3A_117 {strides = array<i32>} : memref<80x128xi32, #tpu.memory_space<vmem>>, vector<1x16xi32>,
    }
    %scan3A_9 = arith.constant 80 : i32
    %barrier3A = arith.constant 0 : index
    tpu.barrier barrier_id(%barrier3A)
    %scan3A_10 = arith.constant 0 : i32
    %scan3A_11 = arith.constant 0 : i32
    %scan3A_12 = arith.constant 80 : i32
    %scan3A_13 = arith.addi %scan3A_11, %scan3A_12 : i32
    %scan3A_14 = arith.constant 1 : i32
    scf.for %scan3A_24 = %scan3A_11 to %scan3A_13 step %scan3A_14  : i32 {
      "tpu.region"() ({
        %run_scoped3A = tpu.sem_alloc : memref<!tpu.dma_semaphore, #tpu.memory_space<semaphore_mem>>
        %dma_start3A = arith.constant 0 : i32
        %dma_start3A_25 = tpu.memref_slice %arg7[%scan3A_24, %dma_start3A] : memref<80x128xi32, #tpu.memory_space<vmem>> -> memref<1x128xi32, #tpu.memory_space<vmem>>
        %dma_start3A_26 = tpu.memref_squeeze %dma_start3A_25 : memref<1x128xi32, #tpu.memory_space<vmem>> -> memref<128xi32, #tpu.memory_space<vmem>>
        %dma_start3A_27 = arith.constant 0 : i32
        %dma_start3A_28 = arith.constant 0 : i32
        %dma_start3A_29 = tpu.memref_slice %arg9[%dma_start3A_27, %dma_start3A_28] : memref<10240x16xf32, #tpu.memory_space<vmem_shared>> -> memref<10240x16xf32, #tpu.memory_space<vmem_shared>>
        tpu.enqueue_indirect_dma source(%arg8 : memref<128x16xf32, #tpu.memory_space<vmem>>) target(%dma_start3A_29 : memref<10240x16xf32, #tpu.memory_space<vmem_shared>>) offsets(%dma_start3A_26 : memref<128xi32, #tpu.memory_space<vmem>>) semaphore(%run_scoped3A : memref<!tpu.dma_semaphore, #tpu.memory_space<semaphore_mem>>) {add = true}
        %dma_wait3A = arith.constant 0 : i32
        %dma_wait3A_30 = tpu.memref_slice %arg7[%scan3A_24, %dma_wait3A] : memref<80x128xi32, #tpu.memory_space<vmem>> -> memref<1x128xi32, #tpu.memory_space<vmem>>
        %dma_wait3A_31 = tpu.memref_squeeze %dma_wait3A_30 : memref<1x128xi32, #tpu.memory_space<vmem>> -> memref<128xi32, #tpu.memory_space<vmem>>
        %dma_wait3A_32 = arith.constant 0 : i32
        %dma_wait3A_33 = arith.constant 0 : i32
        %dma_wait3A_34 = tpu.memref_slice %arg9[%dma_wait3A_32, %dma_wait3A_33] : memref<10240x16xf32, #tpu.memory_space<vmem_shared>> -> memref<10240x16xf32, #tpu.memory_space<vmem_shared>>
        tpu.wait_indirect_dma semaphore(%run_scoped3A : memref<!tpu.dma_semaphore, #tpu.memory_space<semaphore_mem>>) src(%arg8 : memref<128x16xf32, #tpu.memory_space<vmem>>) dst(%dma_wait3A_34 : memref<10240x16xf32, #tpu.memory_space<vmem_shared>>)
        tpu.yield
      }) : () -> ()
    }
    %scan3A_15 = arith.constant 80 : i32
    %barrier3A_16 = arith.constant 0 : index
    tpu.barrier barrier_id(%barrier3A_16)
    %eq3A = arith.constant 0 : i32
    %eq3A_17 = arith.cmpi eq, %arg0, %eq3A : i32
    %convert_element_type3A = arith.extui %eq3A_17 : i1 to i32
    %cond3A = arith.constant 0 : i32
    %cond3A_18 = arith.cmpi ne, %convert_element_type3A, %cond3A : i32
    scf.if %cond3A_18 {
      "tpu.region"() ({
        %run_scoped3A = tpu.sem_alloc : memref<!tpu.dma_semaphore, #tpu.memory_space<semaphore_mem>>
        %dma_start3A = arith.constant 0 : i32
        %dma_start3A_24 = tpu.memref_slice %arg4[%mul3A_2, %dma_start3A] : memref<10240x16xf32, #tpu.memory_space<hbm>> -> memref<640x16xf32, #tpu.memory_space<hbm>>
        %dma_start3A_25 = arith.constant 0 : i32
        %dma_start3A_26 = tpu.memref_slice %arg9[%mul3A_2, %dma_start3A_25] : memref<10240x16xf32, #tpu.memory_space<vmem_shared>> -> memref<640x16xf32, #tpu.memory_space<vmem_shared>>
        tpu.enqueue_dma source(%dma_start3A_26 : memref<640x16xf32, #tpu.memory_space<vmem_shared>>) target(%dma_start3A_24 : memref<640x16xf32, #tpu.memory_space<hbm>>) target_semaphore(%run_scoped3A : memref<!tpu.dma_semaphore, #tpu.memory_space<semaphore_mem>>)
        %dma_wait3A = arith.constant 0 : i32
        %dma_wait3A_27 = tpu.memref_slice %arg4[%mul3A_2, %dma_wait3A] : memref<10240x16xf32, #tpu.memory_space<hbm>> -> memref<640x16xf32, #tpu.memory_space<hbm>>
        %dma_wait3A_28 = arith.constant 0 : i32
        %dma_wait3A_29 = tpu.memref_slice %arg9[%mul3A_2, %dma_wait3A_28] : memref<10240x16xf32, #tpu.memory_space<vmem_shared>> -> memref<640x16xf32, #tpu.memory_space<vmem_shared>>
        tpu.wait_dma2 semaphore(%run_scoped3A : memref<!tpu.dma_semaphore, #tpu.memory_space<semaphore_mem>>) src(%dma_wait3A_29 : memref<640x16xf32, #tpu.memory_space<vmem_shared>>) dst(%dma_wait3A_27 : memref<640x16xf32, #tpu.memory_space<hbm>>)
        tpu.yield
      }) : () -> ()
    } else {
    }
    %eq3A_19 = arith.constant 1 : i32
    %eq3A_20 = arith.cmpi eq, %arg0, %eq3A_19 : i32
    %convert_element_type3A_21 = arith.extui %eq3A_20 : i1 to i32
    %cond3A_22 = arith.constant 0 : i32
    %cond3A_23 = arith.cmpi ne, %convert_element_type3A_21, %cond3A_22 : i32
    scf.if %cond3A_23 {
      "tpu.region"() ({
        %run_scoped3A = tpu.sem_alloc : memref<!tpu.dma_semaphore, #tpu.memory_space<semaphore_mem>>
        %dma_start3A = arith.constant 0 : i32
        %dma_start3A_24 = tpu.memref_slice %arg5[%mul3A_2, %dma_start3A] : memref<10240x16xf32, #tpu.memory_space<hbm>> -> memref<640x16xf32, #tpu.memory_space<hbm>>
        %dma_start3A_25 = arith.constant 0 : i32
        %dma_start3A_26 = tpu.memref_slice %arg9[%mul3A_2, %dma_start3A_25] : memref<10240x16xf32, #tpu.memory_space<vmem_shared>> -> memref<640x16xf32, #tpu.memory_space<vmem_shared>>
        tpu.enqueue_dma source(%dma_start3A_26 : memref<640x16xf32, #tpu.memory_space<vmem_shared>>) target(%dma_start3A_24 : memref<640x16xf32, #tpu.memory_space<hbm>>) target_semaphore(%run_scoped3A : memref<!tpu.dma_semaphore, #tpu.memory_space<semaphore_mem>>)
        %dma_wait3A = arith.constant 0 : i32
        %dma_wait3A_27 = tpu.memref_slice %arg5[%mul3A_2, %dma_wait3A] : memref<10240x16xf32, #tpu.memory_space<hbm>> -> memref<640x16xf32, #tpu.memory_space<hbm>>
        %dma_wait3A_28 = arith.constant 0 : i32
        %dma_wait3A_29 = tpu.memref_slice %arg9[%mul3A_2, %dma_wait3A_28] : memref<10240x16xf32, #tpu.memory_space<vmem_shared>> -> memref<640x16xf32, #tpu.memory_space<vmem_shared>>
        tpu.wait_dma2 semaphore(%run_scoped3A : memref<!tpu.dma_semaphore, #tpu.memory_space<semaphore_mem>>) src(%dma_wait3A_29 : memref<640x16xf32, #tpu.memory_space<vmem_shared>>) dst(%dma_wait3A_27 : memref<640x16xf32, #tpu.memory_space<hbm>>)
        tpu.yield
      }) : () -> ()
    } else {
    }
    return
  }
}

#map = affine_map<(d0, d1) -> (0, 0)>
module attributes {stable_mosaic.version = 14 : i64} {
  func.func @_edge_kernel(%arg0: i32, %arg1: i32, %arg2: memref<10240x64xf32, #tpu.memory_space<hbm>>, %arg3: memref<10240x64xf32, #tpu.memory_space<hbm>>, %arg4: memref<2560x128xi32, #tpu.memory_space<hbm>>, %arg5: memref<10240x64xf32, #tpu.memory_space<hbm>>, %arg6: memref<10240x64xf32, #tpu.memory_space<hbm>>, %arg7: memref<10240x64xf32, #tpu.memory_space<hbm>>, %arg8: memref<10240x64xf32, #tpu.memory_space<hbm>>, %arg9: memref<10240x64xf32, #tpu.memory_space<hbm>>, %arg10: memref<80x128xi32, #tpu.memory_space<vmem>>, %arg11: memref<80x128xi32, #tpu.memory_space<vmem>>, %arg12: memref<80x128xi32, #tpu.memory_space<vmem>>, %arg13: memref<128x64xf32, #tpu.memory_space<vmem>>, %arg14: memref<128x64xf32, #tpu.memory_space<vmem>>, %arg15: memref<10240x64xf32, #tpu.memory_space<vmem_shared>>, %arg16: memref<!tpu.dma_semaphore, #tpu.memory_space<semaphore_mem>>, %arg17: memref<!tpu.dma_semaphore, #tpu.memory_space<semaphore_mem>>) attributes {dimension_semantics = [#tpu.dimension_semantics<core_parallel>, #tpu.dimension_semantics<subcore_parallel>], iteration_bounds = array<i64: 2, 16>, scalar_prefetch = 0 : i64, scratch_operands = 8 : i64, tpu.core_type = #tpu.core_type<sc_vector_subcore>, window_params = [{transform_indices = #map}, {transform_indices = #map}, {transform_indices = #map}, {transform_indices = #map}, {transform_indices = #map}, {transform_indices = #map}, {transform_indices = #map}, {transform_indices = #map}]} {
    %mul3A = arith.constant 2 : i32
    %mul3A_0 = arith.muli %arg1, %mul3A : i32
    %add3A = arith.addi %mul3A_0, %arg0 : i32
    %mul3A_1 = arith.constant 640 : i32
    %mul3A_2 = arith.muli %arg1, %mul3A_1 : i32
    %mul3A_3 = arith.constant 80 : i32
    %mul3A_4 = arith.muli %add3A, %mul3A_3 : i32
    "tpu.region"() ({
      %run_scoped3A = tpu.sem_alloc : memref<!tpu.dma_semaphore, #tpu.memory_space<semaphore_mem>>
      %dma_start3A_57 = arith.constant 0 : i32
      %dma_start3A_58 = tpu.memref_slice %arg4[%mul3A_4, %dma_start3A_57] : memref<2560x128xi32, #tpu.memory_space<hbm>> -> memref<80x128xi32, #tpu.memory_space<hbm>>
      %dma_start3A_59 = arith.constant 0 : i32
      %dma_start3A_60 = tpu.memref_slice %arg4[%mul3A_4, %dma_start3A_59] : memref<2560x128xi32, #tpu.memory_space<hbm>> -> memref<80x128xi32, #tpu.memory_space<hbm>>
      tpu.enqueue_dma source(%dma_start3A_60 : memref<80x128xi32, #tpu.memory_space<hbm>>) target(%arg10 : memref<80x128xi32, #tpu.memory_space<vmem>>) target_semaphore(%run_scoped3A : memref<!tpu.dma_semaphore, #tpu.memory_space<semaphore_mem>>)
      %dma_wait3A = arith.constant 0 : i32
      %dma_wait3A_61 = tpu.memref_slice %arg4[%mul3A_4, %dma_wait3A] : memref<2560x128xi32, #tpu.memory_space<hbm>> -> memref<80x128xi32, #tpu.memory_space<hbm>>
      %dma_wait3A_62 = arith.constant 0 : i32
      %dma_wait3A_63 = tpu.memref_slice %arg4[%mul3A_4, %dma_wait3A_62] : memref<2560x128xi32, #tpu.memory_space<hbm>> -> memref<80x128xi32, #tpu.memory_space<hbm>>
      tpu.wait_dma2 semaphore(%run_scoped3A : memref<!tpu.dma_semaphore, #tpu.memory_space<semaphore_mem>>) src(%dma_wait3A_63 : memref<80x128xi32, #tpu.memory_space<hbm>>) dst(%arg10 : memref<80x128xi32, #tpu.memory_space<vmem>>)
      tpu.yield
    }) : () -> ()
    %scan3A = arith.constant 0 : i32
    %scan3A_5 = arith.constant 0 : i32
    %scan3A_6 = arith.constant 80 : i32
    %scan3A_7 = arith.addi %scan3A_5, %scan3A_6 : i32
    %scan3A_8 = arith.constant 1 : i32
    scf.for %scan3A_57 = %scan3A_5 to %scan3A_7 step %scan3A_8  : i32 {
      %get3A = arith.index_cast %scan3A_57 : i32 to index
      %get3A_58 = arith.constant 0 : index
      %get3A_59 = tpu.vector_load %arg10[%get3A, %get3A_58] {strides = array<i32>} : memref<80x128xi32, #tpu.memory_space<vmem>>, vector<1x16xi32>,
      %get3A_60 = vector.shape_cast %get3A_59 : vector<1x16xi32> to vector<16xi32>
      %and3A = arith.constant 16383 : i32
      %and3A_61 = vector.broadcast %and3A : i32 to vector<16xi32>
      %and3A_62 = arith.andi %get3A_60, %and3A_61 : vector<16xi32>
      %swap3A = arith.index_cast %scan3A_57 : i32 to index
      %swap3A_63 = arith.constant 0 : index
      %swap3A_64 = tpu.vector_load %arg11[%swap3A, %swap3A_63] {strides = array<i32>} : memref<80x128xi32, #tpu.memory_space<vmem>>, vector<1x16xi32>,
      %swap3A_65 = vector.shape_cast %swap3A_64 : vector<1x16xi32> to vector<16xi32>
      %swap3A_66 = vector.shape_cast %and3A_62 : vector<16xi32> to vector<1x16xi32>
      tpu.vector_store %arg11[%swap3A, %swap3A_63], %swap3A_66 {strides = array<i32>} : memref<80x128xi32, #tpu.memory_space<vmem>>, vector<1x16xi32>,
      %shift_right_logical3A = arith.constant 14 : i32
      %shift_right_logical3A_67 = vector.broadcast %shift_right_logical3A : i32 to vector<16xi32>
      %shift_right_logical3A_68 = arith.shrui %get3A_60, %shift_right_logical3A_67 : vector<16xi32>
      %swap3A_69 = arith.index_cast %scan3A_57 : i32 to index
      %swap3A_70 = arith.constant 0 : index
      %swap3A_71 = tpu.vector_load %arg12[%swap3A_69, %swap3A_70] {strides = array<i32>} : memref<80x128xi32, #tpu.memory_space<vmem>>, vector<1x16xi32>,
      %swap3A_72 = vector.shape_cast %swap3A_71 : vector<1x16xi32> to vector<16xi32>
      %swap3A_73 = vector.shape_cast %shift_right_logical3A_68 : vector<16xi32> to vector<1x16xi32>
      tpu.vector_store %arg12[%swap3A_69, %swap3A_70], %swap3A_73 {strides = array<i32>} : memref<80x128xi32, #tpu.memory_space<vmem>>, vector<1x16xi32>,
      %get3A_74 = arith.index_cast %scan3A_57 : i32 to index
      %get3A_75 = arith.constant 16 : index
      %get3A_76 = tpu.vector_load %arg10[%get3A_74, %get3A_75] {strides = array<i32>} : memref<80x128xi32, #tpu.memory_space<vmem>>, vector<1x16xi32>,
      %get3A_77 = vector.shape_cast %get3A_76 : vector<1x16xi32> to vector<16xi32>
      %and3A_78 = arith.constant 16383 : i32
      %and3A_79 = vector.broadcast %and3A_78 : i32 to vector<16xi32>
      %and3A_80 = arith.andi %get3A_77, %and3A_79 : vector<16xi32>
      %swap3A_81 = arith.index_cast %scan3A_57 : i32 to index
      %swap3A_82 = arith.constant 16 : index
      %swap3A_83 = tpu.vector_load %arg11[%swap3A_81, %swap3A_82] {strides = array<i32>} : memref<80x128xi32, #tpu.memory_space<vmem>>, vector<1x16xi32>,
      %swap3A_84 = vector.shape_cast %swap3A_83 : vector<1x16xi32> to vector<16xi32>
      %swap3A_85 = vector.shape_cast %and3A_80 : vector<16xi32> to vector<1x16xi32>
      tpu.vector_store %arg11[%swap3A_81, %swap3A_82], %swap3A_85 {strides = array<i32>} : memref<80x128xi32, #tpu.memory_space<vmem>>, vector<1x16xi32>,
      %shift_right_logical3A_86 = arith.constant 14 : i32
      %shift_right_logical3A_87 = vector.broadcast %shift_right_logical3A_86 : i32 to vector<16xi32>
      %shift_right_logical3A_88 = arith.shrui %get3A_77, %shift_right_logical3A_87 : vector<16xi32>
      %swap3A_89 = arith.index_cast %scan3A_57 : i32 to index
      %swap3A_90 = arith.constant 16 : index
      %swap3A_91 = tpu.vector_load %arg12[%swap3A_89, %swap3A_90] {strides = array<i32>} : memref<80x128xi32, #tpu.memory_space<vmem>>, vector<1x16xi32>,
      %swap3A_92 = vector.shape_cast %swap3A_91 : vector<1x16xi32> to vector<16xi32>
      %swap3A_93 = vector.shape_cast %shift_right_logical3A_88 : vector<16xi32> to vector<1x16xi32>
      tpu.vector_store %arg12[%swap3A_89, %swap3A_90], %swap3A_93 {strides = array<i32>} : memref<80x128xi32, #tpu.memory_space<vmem>>, vector<1x16xi32>,
      %get3A_94 = arith.index_cast %scan3A_57 : i32 to index
      %get3A_95 = arith.constant 32 : index
      %get3A_96 = tpu.vector_load %arg10[%get3A_94, %get3A_95] {strides = array<i32>} : memref<80x128xi32, #tpu.memory_space<vmem>>, vector<1x16xi32>,
      %get3A_97 = vector.shape_cast %get3A_96 : vector<1x16xi32> to vector<16xi32>
      %and3A_98 = arith.constant 16383 : i32
      %and3A_99 = vector.broadcast %and3A_98 : i32 to vector<16xi32>
      %and3A_100 = arith.andi %get3A_97, %and3A_99 : vector<16xi32>
      %swap3A_101 = arith.index_cast %scan3A_57 : i32 to index
      %swap3A_102 = arith.constant 32 : index
      %swap3A_103 = tpu.vector_load %arg11[%swap3A_101, %swap3A_102] {strides = array<i32>} : memref<80x128xi32, #tpu.memory_space<vmem>>, vector<1x16xi32>,
      %swap3A_104 = vector.shape_cast %swap3A_103 : vector<1x16xi32> to vector<16xi32>
      %swap3A_105 = vector.shape_cast %and3A_100 : vector<16xi32> to vector<1x16xi32>
      tpu.vector_store %arg11[%swap3A_101, %swap3A_102], %swap3A_105 {strides = array<i32>} : memref<80x128xi32, #tpu.memory_space<vmem>>, vector<1x16xi32>,
      %shift_right_logical3A_106 = arith.constant 14 : i32
      %shift_right_logical3A_107 = vector.broadcast %shift_right_logical3A_106 : i32 to vector<16xi32>
      %shift_right_logical3A_108 = arith.shrui %get3A_97, %shift_right_logical3A_107 : vector<16xi32>
      %swap3A_109 = arith.index_cast %scan3A_57 : i32 to index
      %swap3A_110 = arith.constant 32 : index
      %swap3A_111 = tpu.vector_load %arg12[%swap3A_109, %swap3A_110] {strides = array<i32>} : memref<80x128xi32, #tpu.memory_space<vmem>>, vector<1x16xi32>,
      %swap3A_112 = vector.shape_cast %swap3A_111 : vector<1x16xi32> to vector<16xi32>
      %swap3A_113 = vector.shape_cast %shift_right_logical3A_108 : vector<16xi32> to vector<1x16xi32>
      tpu.vector_store %arg12[%swap3A_109, %swap3A_110], %swap3A_113 {strides = array<i32>} : memref<80x128xi32, #tpu.memory_space<vmem>>, vector<1x16xi32>,
      %get3A_114 = arith.index_cast %scan3A_57 : i32 to index
      %get3A_115 = arith.constant 48 : index
      %get3A_116 = tpu.vector_load %arg10[%get3A_114, %get3A_115] {strides = array<i32>} : memref<80x128xi32, #tpu.memory_space<vmem>>, vector<1x16xi32>,
      %get3A_117 = vector.shape_cast %get3A_116 : vector<1x16xi32> to vector<16xi32>
      %and3A_118 = arith.constant 16383 : i32
      %and3A_119 = vector.broadcast %and3A_118 : i32 to vector<16xi32>
      %and3A_120 = arith.andi %get3A_117, %and3A_119 : vector<16xi32>
      %swap3A_121 = arith.index_cast %scan3A_57 : i32 to index
      %swap3A_122 = arith.constant 48 : index
      %swap3A_123 = tpu.vector_load %arg11[%swap3A_121, %swap3A_122] {strides = array<i32>} : memref<80x128xi32, #tpu.memory_space<vmem>>, vector<1x16xi32>,
      %swap3A_124 = vector.shape_cast %swap3A_123 : vector<1x16xi32> to vector<16xi32>
      %swap3A_125 = vector.shape_cast %and3A_120 : vector<16xi32> to vector<1x16xi32>
      tpu.vector_store %arg11[%swap3A_121, %swap3A_122], %swap3A_125 {strides = array<i32>} : memref<80x128xi32, #tpu.memory_space<vmem>>, vector<1x16xi32>,
      %shift_right_logical3A_126 = arith.constant 14 : i32
      %shift_right_logical3A_127 = vector.broadcast %shift_right_logical3A_126 : i32 to vector<16xi32>
      %shift_right_logical3A_128 = arith.shrui %get3A_117, %shift_right_logical3A_127 : vector<16xi32>
      %swap3A_129 = arith.index_cast %scan3A_57 : i32 to index
      %swap3A_130 = arith.constant 48 : index
      %swap3A_131 = tpu.vector_load %arg12[%swap3A_129, %swap3A_130] {strides = array<i32>} : memref<80x128xi32, #tpu.memory_space<vmem>>, vector<1x16xi32>,
      %swap3A_132 = vector.shape_cast %swap3A_131 : vector<1x16xi32> to vector<16xi32>
      %swap3A_133 = vector.shape_cast %shift_right_logical3A_128 : vector<16xi32> to vector<1x16xi32>
      tpu.vector_store %arg12[%swap3A_129, %swap3A_130], %swap3A_133 {strides = array<i32>} : memref<80x128xi32, #tpu.memory_space<vmem>>, vector<1x16xi32>,
      %get3A_134 = arith.index_cast %scan3A_57 : i32 to index
      %get3A_135 = arith.constant 64 : index
      %get3A_136 = tpu.vector_load %arg10[%get3A_134, %get3A_135] {strides = array<i32>} : memref<80x128xi32, #tpu.memory_space<vmem>>, vector<1x16xi32>,
      %get3A_137 = vector.shape_cast %get3A_136 : vector<1x16xi32> to vector<16xi32>
      %and3A_138 = arith.constant 16383 : i32
      %and3A_139 = vector.broadcast %and3A_138 : i32 to vector<16xi32>
      %and3A_140 = arith.andi %get3A_137, %and3A_139 : vector<16xi32>
      %swap3A_141 = arith.index_cast %scan3A_57 : i32 to index
      %swap3A_142 = arith.constant 64 : index
      %swap3A_143 = tpu.vector_load %arg11[%swap3A_141, %swap3A_142] {strides = array<i32>} : memref<80x128xi32, #tpu.memory_space<vmem>>, vector<1x16xi32>,
      %swap3A_144 = vector.shape_cast %swap3A_143 : vector<1x16xi32> to vector<16xi32>
      %swap3A_145 = vector.shape_cast %and3A_140 : vector<16xi32> to vector<1x16xi32>
      tpu.vector_store %arg11[%swap3A_141, %swap3A_142], %swap3A_145 {strides = array<i32>} : memref<80x128xi32, #tpu.memory_space<vmem>>, vector<1x16xi32>,
      %shift_right_logical3A_146 = arith.constant 14 : i32
      %shift_right_logical3A_147 = vector.broadcast %shift_right_logical3A_146 : i32 to vector<16xi32>
      %shift_right_logical3A_148 = arith.shrui %get3A_137, %shift_right_logical3A_147 : vector<16xi32>
      %swap3A_149 = arith.index_cast %scan3A_57 : i32 to index
      %swap3A_150 = arith.constant 64 : index
      %swap3A_151 = tpu.vector_load %arg12[%swap3A_149, %swap3A_150] {strides = array<i32>} : memref<80x128xi32, #tpu.memory_space<vmem>>, vector<1x16xi32>,
      %swap3A_152 = vector.shape_cast %swap3A_151 : vector<1x16xi32> to vector<16xi32>
      %swap3A_153 = vector.shape_cast %shift_right_logical3A_148 : vector<16xi32> to vector<1x16xi32>
      tpu.vector_store %arg12[%swap3A_149, %swap3A_150], %swap3A_153 {strides = array<i32>} : memref<80x128xi32, #tpu.memory_space<vmem>>, vector<1x16xi32>,
      %get3A_154 = arith.index_cast %scan3A_57 : i32 to index
      %get3A_155 = arith.constant 80 : index
      %get3A_156 = tpu.vector_load %arg10[%get3A_154, %get3A_155] {strides = array<i32>} : memref<80x128xi32, #tpu.memory_space<vmem>>, vector<1x16xi32>,
      %get3A_157 = vector.shape_cast %get3A_156 : vector<1x16xi32> to vector<16xi32>
      %and3A_158 = arith.constant 16383 : i32
      %and3A_159 = vector.broadcast %and3A_158 : i32 to vector<16xi32>
      %and3A_160 = arith.andi %get3A_157, %and3A_159 : vector<16xi32>
      %swap3A_161 = arith.index_cast %scan3A_57 : i32 to index
      %swap3A_162 = arith.constant 80 : index
      %swap3A_163 = tpu.vector_load %arg11[%swap3A_161, %swap3A_162] {strides = array<i32>} : memref<80x128xi32, #tpu.memory_space<vmem>>, vector<1x16xi32>,
      %swap3A_164 = vector.shape_cast %swap3A_163 : vector<1x16xi32> to vector<16xi32>
      %swap3A_165 = vector.shape_cast %and3A_160 : vector<16xi32> to vector<1x16xi32>
      tpu.vector_store %arg11[%swap3A_161, %swap3A_162], %swap3A_165 {strides = array<i32>} : memref<80x128xi32, #tpu.memory_space<vmem>>, vector<1x16xi32>,
      %shift_right_logical3A_166 = arith.constant 14 : i32
      %shift_right_logical3A_167 = vector.broadcast %shift_right_logical3A_166 : i32 to vector<16xi32>
      %shift_right_logical3A_168 = arith.shrui %get3A_157, %shift_right_logical3A_167 : vector<16xi32>
      %swap3A_169 = arith.index_cast %scan3A_57 : i32 to index
      %swap3A_170 = arith.constant 80 : index
      %swap3A_171 = tpu.vector_load %arg12[%swap3A_169, %swap3A_170] {strides = array<i32>} : memref<80x128xi32, #tpu.memory_space<vmem>>, vector<1x16xi32>,
      %swap3A_172 = vector.shape_cast %swap3A_171 : vector<1x16xi32> to vector<16xi32>
      %swap3A_173 = vector.shape_cast %shift_right_logical3A_168 : vector<16xi32> to vector<1x16xi32>
      tpu.vector_store %arg12[%swap3A_169, %swap3A_170], %swap3A_173 {strides = array<i32>} : memref<80x128xi32, #tpu.memory_space<vmem>>, vector<1x16xi32>,
      %get3A_174 = arith.index_cast %scan3A_57 : i32 to index
      %get3A_175 = arith.constant 96 : index
      %get3A_176 = tpu.vector_load %arg10[%get3A_174, %get3A_175] {strides = array<i32>} : memref<80x128xi32, #tpu.memory_space<vmem>>, vector<1x16xi32>,
      %get3A_177 = vector.shape_cast %get3A_176 : vector<1x16xi32> to vector<16xi32>
      %and3A_178 = arith.constant 16383 : i32
      %and3A_179 = vector.broadcast %and3A_178 : i32 to vector<16xi32>
      %and3A_180 = arith.andi %get3A_177, %and3A_179 : vector<16xi32>
      %swap3A_181 = arith.index_cast %scan3A_57 : i32 to index
      %swap3A_182 = arith.constant 96 : index
      %swap3A_183 = tpu.vector_load %arg11[%swap3A_181, %swap3A_182] {strides = array<i32>} : memref<80x128xi32, #tpu.memory_space<vmem>>, vector<1x16xi32>,
      %swap3A_184 = vector.shape_cast %swap3A_183 : vector<1x16xi32> to vector<16xi32>
      %swap3A_185 = vector.shape_cast %and3A_180 : vector<16xi32> to vector<1x16xi32>
      tpu.vector_store %arg11[%swap3A_181, %swap3A_182], %swap3A_185 {strides = array<i32>} : memref<80x128xi32, #tpu.memory_space<vmem>>, vector<1x16xi32>,
      %shift_right_logical3A_186 = arith.constant 14 : i32
      %shift_right_logical3A_187 = vector.broadcast %shift_right_logical3A_186 : i32 to vector<16xi32>
      %shift_right_logical3A_188 = arith.shrui %get3A_177, %shift_right_logical3A_187 : vector<16xi32>
      %swap3A_189 = arith.index_cast %scan3A_57 : i32 to index
      %swap3A_190 = arith.constant 96 : index
      %swap3A_191 = tpu.vector_load %arg12[%swap3A_189, %swap3A_190] {strides = array<i32>} : memref<80x128xi32, #tpu.memory_space<vmem>>, vector<1x16xi32>,
      %swap3A_192 = vector.shape_cast %swap3A_191 : vector<1x16xi32> to vector<16xi32>
      %swap3A_193 = vector.shape_cast %shift_right_logical3A_188 : vector<16xi32> to vector<1x16xi32>
      tpu.vector_store %arg12[%swap3A_189, %swap3A_190], %swap3A_193 {strides = array<i32>} : memref<80x128xi32, #tpu.memory_space<vmem>>, vector<1x16xi32>,
      %get3A_194 = arith.index_cast %scan3A_57 : i32 to index
      %get3A_195 = arith.constant 112 : index
      %get3A_196 = tpu.vector_load %arg10[%get3A_194, %get3A_195] {strides = array<i32>} : memref<80x128xi32, #tpu.memory_space<vmem>>, vector<1x16xi32>,
      %get3A_197 = vector.shape_cast %get3A_196 : vector<1x16xi32> to vector<16xi32>
      %and3A_198 = arith.constant 16383 : i32
      %and3A_199 = vector.broadcast %and3A_198 : i32 to vector<16xi32>
      %and3A_200 = arith.andi %get3A_197, %and3A_199 : vector<16xi32>
      %swap3A_201 = arith.index_cast %scan3A_57 : i32 to index
      %swap3A_202 = arith.constant 112 : index
      %swap3A_203 = tpu.vector_load %arg11[%swap3A_201, %swap3A_202] {strides = array<i32>} : memref<80x128xi32, #tpu.memory_space<vmem>>, vector<1x16xi32>,
      %swap3A_204 = vector.shape_cast %swap3A_203 : vector<1x16xi32> to vector<16xi32>
      %swap3A_205 = vector.shape_cast %and3A_200 : vector<16xi32> to vector<1x16xi32>
      tpu.vector_store %arg11[%swap3A_201, %swap3A_202], %swap3A_205 {strides = array<i32>} : memref<80x128xi32, #tpu.memory_space<vmem>>, vector<1x16xi32>,
      %shift_right_logical3A_206 = arith.constant 14 : i32
      %shift_right_logical3A_207 = vector.broadcast %shift_right_logical3A_206 : i32 to vector<16xi32>
      %shift_right_logical3A_208 = arith.shrui %get3A_197, %shift_right_logical3A_207 : vector<16xi32>
      %swap3A_209 = arith.index_cast %scan3A_57 : i32 to index
      %swap3A_210 = arith.constant 112 : index
      %swap3A_211 = tpu.vector_load %arg12[%swap3A_209, %swap3A_210] {strides = array<i32>} : memref<80x128xi32, #tpu.memory_space<vmem>>, vector<1x16xi32>,
      %swap3A_212 = vector.shape_cast %swap3A_211 : vector<1x16xi32> to vector<16xi32>
      %swap3A_213 = vector.shape_cast %shift_right_logical3A_208 : vector<16xi32> to vector<1x16xi32>
      tpu.vector_store %arg12[%swap3A_209, %swap3A_210], %swap3A_213 {strides = array<i32>} : memref<80x128xi32, #tpu.memory_space<vmem>>, vector<1x16xi32>,
    }
    %scan3A_9 = arith.constant 80 : i32
    "tpu.region"() ({
      %run_scoped3A = tpu.sem_alloc : memref<!tpu.dma_semaphore, #tpu.memory_space<semaphore_mem>>
      %dma_start3A_57 = arith.constant 0 : i32
      %dma_start3A_58 = tpu.memref_slice %arg15[%mul3A_2, %dma_start3A_57] : memref<10240x64xf32, #tpu.memory_space<vmem_shared>> -> memref<640x64xf32, #tpu.memory_space<vmem_shared>>
      %dma_start3A_59 = arith.constant 0 : i32
      %dma_start3A_60 = tpu.memref_slice %arg5[%mul3A_2, %dma_start3A_59] : memref<10240x64xf32, #tpu.memory_space<hbm>> -> memref<640x64xf32, #tpu.memory_space<hbm>>
      tpu.enqueue_dma source(%dma_start3A_60 : memref<640x64xf32, #tpu.memory_space<hbm>>) target(%dma_start3A_58 : memref<640x64xf32, #tpu.memory_space<vmem_shared>>) target_semaphore(%run_scoped3A : memref<!tpu.dma_semaphore, #tpu.memory_space<semaphore_mem>>)
      %dma_wait3A = arith.constant 0 : i32
      %dma_wait3A_61 = tpu.memref_slice %arg15[%mul3A_2, %dma_wait3A] : memref<10240x64xf32, #tpu.memory_space<vmem_shared>> -> memref<640x64xf32, #tpu.memory_space<vmem_shared>>
      %dma_wait3A_62 = arith.constant 0 : i32
      %dma_wait3A_63 = tpu.memref_slice %arg5[%mul3A_2, %dma_wait3A_62] : memref<10240x64xf32, #tpu.memory_space<hbm>> -> memref<640x64xf32, #tpu.memory_space<hbm>>
      tpu.wait_dma2 semaphore(%run_scoped3A : memref<!tpu.dma_semaphore, #tpu.memory_space<semaphore_mem>>) src(%dma_wait3A_63 : memref<640x64xf32, #tpu.memory_space<hbm>>) dst(%dma_wait3A_61 : memref<640x64xf32, #tpu.memory_space<vmem_shared>>)
      tpu.yield
    }) : () -> ()
    %barrier3A = arith.constant 0 : index
    tpu.barrier barrier_id(%barrier3A)
    %dma_start3A = arith.constant 0 : i32
    %dma_start3A_10 = arith.constant 0 : i32
    %dma_start3A_11 = tpu.memref_slice %arg11[%dma_start3A, %dma_start3A_10] : memref<80x128xi32, #tpu.memory_space<vmem>> -> memref<1x128xi32, #tpu.memory_space<vmem>>
    %dma_start3A_12 = tpu.memref_squeeze %dma_start3A_11 : memref<1x128xi32, #tpu.memory_space<vmem>> -> memref<128xi32, #tpu.memory_space<vmem>>
    %dma_start3A_13 = arith.constant 0 : i32
    %dma_start3A_14 = arith.constant 0 : i32
    %dma_start3A_15 = tpu.memref_slice %arg2[%dma_start3A_13, %dma_start3A_14] : memref<10240x64xf32, #tpu.memory_space<hbm>> -> memref<10240x64xf32, #tpu.memory_space<hbm>>
    tpu.enqueue_indirect_dma source(%dma_start3A_15 : memref<10240x64xf32, #tpu.memory_space<hbm>>) target(%arg13 : memref<128x64xf32, #tpu.memory_space<vmem>>) offsets(%dma_start3A_12 : memref<128xi32, #tpu.memory_space<vmem>>) semaphore(%arg16 : memref<!tpu.dma_semaphore, #tpu.memory_space<semaphore_mem>>)
    %scan3A_16 = arith.constant 0 : i32
    %scan3A_17 = arith.constant 0 : i32
    %scan3A_18 = arith.constant 40 : i32
    %scan3A_19 = arith.addi %scan3A_17, %scan3A_18 : i32
    %scan3A_20 = arith.constant 1 : i32
    scf.for %scan3A_57 = %scan3A_17 to %scan3A_19 step %scan3A_20  : i32 {
      %mul3A_58 = arith.constant 2 : i32
      %mul3A_59 = arith.muli %mul3A_58, %scan3A_57 : i32
      %add3A_60 = arith.constant 1 : i32
      %add3A_61 = arith.addi %mul3A_59, %add3A_60 : i32
      %dma_start3A_62 = arith.constant 0 : i32
      %dma_start3A_63 = tpu.memref_slice %arg11[%add3A_61, %dma_start3A_62] : memref<80x128xi32, #tpu.memory_space<vmem>> -> memref<1x128xi32, #tpu.memory_space<vmem>>
      %dma_start3A_64 = tpu.memref_squeeze %dma_start3A_63 : memref<1x128xi32, #tpu.memory_space<vmem>> -> memref<128xi32, #tpu.memory_space<vmem>>
      %dma_start3A_65 = arith.constant 0 : i32
      %dma_start3A_66 = arith.constant 0 : i32
      %dma_start3A_67 = tpu.memref_slice %arg2[%dma_start3A_65, %dma_start3A_66] : memref<10240x64xf32, #tpu.memory_space<hbm>> -> memref<10240x64xf32, #tpu.memory_space<hbm>>
      tpu.enqueue_indirect_dma source(%dma_start3A_67 : memref<10240x64xf32, #tpu.memory_space<hbm>>) target(%arg14 : memref<128x64xf32, #tpu.memory_space<vmem>>) offsets(%dma_start3A_64 : memref<128xi32, #tpu.memory_space<vmem>>) semaphore(%arg17 : memref<!tpu.dma_semaphore, #tpu.memory_space<semaphore_mem>>)
      %dma_wait3A = arith.constant 0 : i32
      %dma_wait3A_68 = tpu.memref_slice %arg11[%mul3A_59, %dma_wait3A] : memref<80x128xi32, #tpu.memory_space<vmem>> -> memref<1x128xi32, #tpu.memory_space<vmem>>
      %dma_wait3A_69 = tpu.memref_squeeze %dma_wait3A_68 : memref<1x128xi32, #tpu.memory_space<vmem>> -> memref<128xi32, #tpu.memory_space<vmem>>
      %dma_wait3A_70 = arith.constant 0 : i32
      %dma_wait3A_71 = arith.constant 0 : i32
      %dma_wait3A_72 = tpu.memref_slice %arg2[%dma_wait3A_70, %dma_wait3A_71] : memref<10240x64xf32, #tpu.memory_space<hbm>> -> memref<10240x64xf32, #tpu.memory_space<hbm>>
      tpu.wait_indirect_dma semaphore(%arg16 : memref<!tpu.dma_semaphore, #tpu.memory_space<semaphore_mem>>) src(%dma_wait3A_72 : memref<10240x64xf32, #tpu.memory_space<hbm>>) dst(%arg13 : memref<128x64xf32, #tpu.memory_space<vmem>>)
      "tpu.region"() ({
        %run_scoped3A = tpu.sem_alloc : memref<!tpu.dma_semaphore, #tpu.memory_space<semaphore_mem>>
        %dma_start3A_89 = arith.constant 0 : i32
        %dma_start3A_90 = tpu.memref_slice %arg12[%mul3A_59, %dma_start3A_89] : memref<80x128xi32, #tpu.memory_space<vmem>> -> memref<1x128xi32, #tpu.memory_space<vmem>>
        %dma_start3A_91 = tpu.memref_squeeze %dma_start3A_90 : memref<1x128xi32, #tpu.memory_space<vmem>> -> memref<128xi32, #tpu.memory_space<vmem>>
        %dma_start3A_92 = arith.constant 0 : i32
        %dma_start3A_93 = arith.constant 0 : i32
        %dma_start3A_94 = tpu.memref_slice %arg15[%dma_start3A_92, %dma_start3A_93] : memref<10240x64xf32, #tpu.memory_space<vmem_shared>> -> memref<10240x64xf32, #tpu.memory_space<vmem_shared>>
        tpu.enqueue_indirect_dma source(%arg13 : memref<128x64xf32, #tpu.memory_space<vmem>>) target(%dma_start3A_94 : memref<10240x64xf32, #tpu.memory_space<vmem_shared>>) offsets(%dma_start3A_91 : memref<128xi32, #tpu.memory_space<vmem>>) semaphore(%run_scoped3A : memref<!tpu.dma_semaphore, #tpu.memory_space<semaphore_mem>>) {add = true}
        %dma_wait3A_95 = arith.constant 0 : i32
        %dma_wait3A_96 = tpu.memref_slice %arg12[%mul3A_59, %dma_wait3A_95] : memref<80x128xi32, #tpu.memory_space<vmem>> -> memref<1x128xi32, #tpu.memory_space<vmem>>
        %dma_wait3A_97 = tpu.memref_squeeze %dma_wait3A_96 : memref<1x128xi32, #tpu.memory_space<vmem>> -> memref<128xi32, #tpu.memory_space<vmem>>
        %dma_wait3A_98 = arith.constant 0 : i32
        %dma_wait3A_99 = arith.constant 0 : i32
        %dma_wait3A_100 = tpu.memref_slice %arg15[%dma_wait3A_98, %dma_wait3A_99] : memref<10240x64xf32, #tpu.memory_space<vmem_shared>> -> memref<10240x64xf32, #tpu.memory_space<vmem_shared>>
        tpu.wait_indirect_dma semaphore(%run_scoped3A : memref<!tpu.dma_semaphore, #tpu.memory_space<semaphore_mem>>) src(%arg13 : memref<128x64xf32, #tpu.memory_space<vmem>>) dst(%dma_wait3A_100 : memref<10240x64xf32, #tpu.memory_space<vmem_shared>>)
        tpu.yield
      }) : () -> ()
      %add3A_73 = arith.constant 2 : i32
      %add3A_74 = arith.addi %mul3A_59, %add3A_73 : i32
      %lt3A = arith.constant 80 : i32
      %lt3A_75 = arith.cmpi slt, %add3A_74, %lt3A : i32
      %convert_element_type3A_76 = arith.extui %lt3A_75 : i1 to i32
      %cond3A_77 = arith.constant 0 : i32
      %cond3A_78 = arith.cmpi ne, %convert_element_type3A_76, %cond3A_77 : i32
      scf.if %cond3A_78 {
        %add3A_89 = arith.constant 2 : i32
        %add3A_90 = arith.addi %mul3A_59, %add3A_89 : i32
        %dma_start3A_91 = arith.constant 0 : i32
        %dma_start3A_92 = tpu.memref_slice %arg11[%add3A_90, %dma_start3A_91] : memref<80x128xi32, #tpu.memory_space<vmem>> -> memref<1x128xi32, #tpu.memory_space<vmem>>
        %dma_start3A_93 = tpu.memref_squeeze %dma_start3A_92 : memref<1x128xi32, #tpu.memory_space<vmem>> -> memref<128xi32, #tpu.memory_space<vmem>>
        %dma_start3A_94 = arith.constant 0 : i32
        %dma_start3A_95 = arith.constant 0 : i32
        %dma_start3A_96 = tpu.memref_slice %arg2[%dma_start3A_94, %dma_start3A_95] : memref<10240x64xf32, #tpu.memory_space<hbm>> -> memref<10240x64xf32, #tpu.memory_space<hbm>>
        tpu.enqueue_indirect_dma source(%dma_start3A_96 : memref<10240x64xf32, #tpu.memory_space<hbm>>) target(%arg13 : memref<128x64xf32, #tpu.memory_space<vmem>>) offsets(%dma_start3A_93 : memref<128xi32, #tpu.memory_space<vmem>>) semaphore(%arg16 : memref<!tpu.dma_semaphore, #tpu.memory_space<semaphore_mem>>)
      } else {
      }
      %add3A_79 = arith.constant 1 : i32
      %add3A_80 = arith.addi %mul3A_59, %add3A_79 : i32
      %dma_wait3A_81 = arith.constant 0 : i32
      %dma_wait3A_82 = tpu.memref_slice %arg11[%add3A_80, %dma_wait3A_81] : memref<80x128xi32, #tpu.memory_space<vmem>> -> memref<1x128xi32, #tpu.memory_space<vmem>>
      %dma_wait3A_83 = tpu.memref_squeeze %dma_wait3A_82 : memref<1x128xi32, #tpu.memory_space<vmem>> -> memref<128xi32, #tpu.memory_space<vmem>>
      %dma_wait3A_84 = arith.constant 0 : i32
      %dma_wait3A_85 = arith.constant 0 : i32
      %dma_wait3A_86 = tpu.memref_slice %arg2[%dma_wait3A_84, %dma_wait3A_85] : memref<10240x64xf32, #tpu.memory_space<hbm>> -> memref<10240x64xf32, #tpu.memory_space<hbm>>
      tpu.wait_indirect_dma semaphore(%arg17 : memref<!tpu.dma_semaphore, #tpu.memory_space<semaphore_mem>>) src(%dma_wait3A_86 : memref<10240x64xf32, #tpu.memory_space<hbm>>) dst(%arg14 : memref<128x64xf32, #tpu.memory_space<vmem>>)
      %add3A_87 = arith.constant 1 : i32
      %add3A_88 = arith.addi %mul3A_59, %add3A_87 : i32
      "tpu.region"() ({
        %run_scoped3A = tpu.sem_alloc : memref<!tpu.dma_semaphore, #tpu.memory_space<semaphore_mem>>
        %dma_start3A_89 = arith.constant 0 : i32
        %dma_start3A_90 = tpu.memref_slice %arg12[%add3A_88, %dma_start3A_89] : memref<80x128xi32, #tpu.memory_space<vmem>> -> memref<1x128xi32, #tpu.memory_space<vmem>>
        %dma_start3A_91 = tpu.memref_squeeze %dma_start3A_90 : memref<1x128xi32, #tpu.memory_space<vmem>> -> memref<128xi32, #tpu.memory_space<vmem>>
        %dma_start3A_92 = arith.constant 0 : i32
        %dma_start3A_93 = arith.constant 0 : i32
        %dma_start3A_94 = tpu.memref_slice %arg15[%dma_start3A_92, %dma_start3A_93] : memref<10240x64xf32, #tpu.memory_space<vmem_shared>> -> memref<10240x64xf32, #tpu.memory_space<vmem_shared>>
        tpu.enqueue_indirect_dma source(%arg14 : memref<128x64xf32, #tpu.memory_space<vmem>>) target(%dma_start3A_94 : memref<10240x64xf32, #tpu.memory_space<vmem_shared>>) offsets(%dma_start3A_91 : memref<128xi32, #tpu.memory_space<vmem>>) semaphore(%run_scoped3A : memref<!tpu.dma_semaphore, #tpu.memory_space<semaphore_mem>>) {add = true}
        %dma_wait3A_95 = arith.constant 0 : i32
        %dma_wait3A_96 = tpu.memref_slice %arg12[%add3A_88, %dma_wait3A_95] : memref<80x128xi32, #tpu.memory_space<vmem>> -> memref<1x128xi32, #tpu.memory_space<vmem>>
        %dma_wait3A_97 = tpu.memref_squeeze %dma_wait3A_96 : memref<1x128xi32, #tpu.memory_space<vmem>> -> memref<128xi32, #tpu.memory_space<vmem>>
        %dma_wait3A_98 = arith.constant 0 : i32
        %dma_wait3A_99 = arith.constant 0 : i32
        %dma_wait3A_100 = tpu.memref_slice %arg15[%dma_wait3A_98, %dma_wait3A_99] : memref<10240x64xf32, #tpu.memory_space<vmem_shared>> -> memref<10240x64xf32, #tpu.memory_space<vmem_shared>>
        tpu.wait_indirect_dma semaphore(%run_scoped3A : memref<!tpu.dma_semaphore, #tpu.memory_space<semaphore_mem>>) src(%arg14 : memref<128x64xf32, #tpu.memory_space<vmem>>) dst(%dma_wait3A_100 : memref<10240x64xf32, #tpu.memory_space<vmem_shared>>)
        tpu.yield
      }) : () -> ()
    }
    %scan3A_21 = arith.constant 40 : i32
    %barrier3A_22 = arith.constant 0 : index
    tpu.barrier barrier_id(%barrier3A_22)
    %eq3A = arith.constant 0 : i32
    %eq3A_23 = arith.cmpi eq, %arg0, %eq3A : i32
    %convert_element_type3A = arith.extui %eq3A_23 : i1 to i32
    %cond3A = arith.constant 0 : i32
    %cond3A_24 = arith.cmpi ne, %convert_element_type3A, %cond3A : i32
    scf.if %cond3A_24 {
      "tpu.region"() ({
        %run_scoped3A = tpu.sem_alloc : memref<!tpu.dma_semaphore, #tpu.memory_space<semaphore_mem>>
        %dma_start3A_57 = arith.constant 0 : i32
        %dma_start3A_58 = tpu.memref_slice %arg6[%mul3A_2, %dma_start3A_57] : memref<10240x64xf32, #tpu.memory_space<hbm>> -> memref<640x64xf32, #tpu.memory_space<hbm>>
        %dma_start3A_59 = arith.constant 0 : i32
        %dma_start3A_60 = tpu.memref_slice %arg15[%mul3A_2, %dma_start3A_59] : memref<10240x64xf32, #tpu.memory_space<vmem_shared>> -> memref<640x64xf32, #tpu.memory_space<vmem_shared>>
        tpu.enqueue_dma source(%dma_start3A_60 : memref<640x64xf32, #tpu.memory_space<vmem_shared>>) target(%dma_start3A_58 : memref<640x64xf32, #tpu.memory_space<hbm>>) target_semaphore(%run_scoped3A : memref<!tpu.dma_semaphore, #tpu.memory_space<semaphore_mem>>)
        %dma_wait3A = arith.constant 0 : i32
        %dma_wait3A_61 = tpu.memref_slice %arg6[%mul3A_2, %dma_wait3A] : memref<10240x64xf32, #tpu.memory_space<hbm>> -> memref<640x64xf32, #tpu.memory_space<hbm>>
        %dma_wait3A_62 = arith.constant 0 : i32
        %dma_wait3A_63 = tpu.memref_slice %arg15[%mul3A_2, %dma_wait3A_62] : memref<10240x64xf32, #tpu.memory_space<vmem_shared>> -> memref<640x64xf32, #tpu.memory_space<vmem_shared>>
        tpu.wait_dma2 semaphore(%run_scoped3A : memref<!tpu.dma_semaphore, #tpu.memory_space<semaphore_mem>>) src(%dma_wait3A_63 : memref<640x64xf32, #tpu.memory_space<vmem_shared>>) dst(%dma_wait3A_61 : memref<640x64xf32, #tpu.memory_space<hbm>>)
        tpu.yield
      }) : () -> ()
    } else {
    }
    %eq3A_25 = arith.constant 1 : i32
    %eq3A_26 = arith.cmpi eq, %arg0, %eq3A_25 : i32
    %convert_element_type3A_27 = arith.extui %eq3A_26 : i1 to i32
    %cond3A_28 = arith.constant 0 : i32
    %cond3A_29 = arith.cmpi ne, %convert_element_type3A_27, %cond3A_28 : i32
    scf.if %cond3A_29 {
      "tpu.region"() ({
        %run_scoped3A = tpu.sem_alloc : memref<!tpu.dma_semaphore, #tpu.memory_space<semaphore_mem>>
        %dma_start3A_57 = arith.constant 0 : i32
        %dma_start3A_58 = tpu.memref_slice %arg8[%mul3A_2, %dma_start3A_57] : memref<10240x64xf32, #tpu.memory_space<hbm>> -> memref<640x64xf32, #tpu.memory_space<hbm>>
        %dma_start3A_59 = arith.constant 0 : i32
        %dma_start3A_60 = tpu.memref_slice %arg15[%mul3A_2, %dma_start3A_59] : memref<10240x64xf32, #tpu.memory_space<vmem_shared>> -> memref<640x64xf32, #tpu.memory_space<vmem_shared>>
        tpu.enqueue_dma source(%dma_start3A_60 : memref<640x64xf32, #tpu.memory_space<vmem_shared>>) target(%dma_start3A_58 : memref<640x64xf32, #tpu.memory_space<hbm>>) target_semaphore(%run_scoped3A : memref<!tpu.dma_semaphore, #tpu.memory_space<semaphore_mem>>)
        %dma_wait3A = arith.constant 0 : i32
        %dma_wait3A_61 = tpu.memref_slice %arg8[%mul3A_2, %dma_wait3A] : memref<10240x64xf32, #tpu.memory_space<hbm>> -> memref<640x64xf32, #tpu.memory_space<hbm>>
        %dma_wait3A_62 = arith.constant 0 : i32
        %dma_wait3A_63 = tpu.memref_slice %arg15[%mul3A_2, %dma_wait3A_62] : memref<10240x64xf32, #tpu.memory_space<vmem_shared>> -> memref<640x64xf32, #tpu.memory_space<vmem_shared>>
        tpu.wait_dma2 semaphore(%run_scoped3A : memref<!tpu.dma_semaphore, #tpu.memory_space<semaphore_mem>>) src(%dma_wait3A_63 : memref<640x64xf32, #tpu.memory_space<vmem_shared>>) dst(%dma_wait3A_61 : memref<640x64xf32, #tpu.memory_space<hbm>>)
        tpu.yield
      }) : () -> ()
    } else {
    }
    %barrier3A_30 = arith.constant 0 : index
    tpu.barrier barrier_id(%barrier3A_30)
    "tpu.region"() ({
      %run_scoped3A = tpu.sem_alloc : memref<!tpu.dma_semaphore, #tpu.memory_space<semaphore_mem>>
      %dma_start3A_57 = arith.constant 0 : i32
      %dma_start3A_58 = tpu.memref_slice %arg15[%mul3A_2, %dma_start3A_57] : memref<10240x64xf32, #tpu.memory_space<vmem_shared>> -> memref<640x64xf32, #tpu.memory_space<vmem_shared>>
      %dma_start3A_59 = arith.constant 0 : i32
      %dma_start3A_60 = tpu.memref_slice %arg5[%mul3A_2, %dma_start3A_59] : memref<10240x64xf32, #tpu.memory_space<hbm>> -> memref<640x64xf32, #tpu.memory_space<hbm>>
      tpu.enqueue_dma source(%dma_start3A_60 : memref<640x64xf32, #tpu.memory_space<hbm>>) target(%dma_start3A_58 : memref<640x64xf32, #tpu.memory_space<vmem_shared>>) target_semaphore(%run_scoped3A : memref<!tpu.dma_semaphore, #tpu.memory_space<semaphore_mem>>)
      %dma_wait3A = arith.constant 0 : i32
      %dma_wait3A_61 = tpu.memref_slice %arg15[%mul3A_2, %dma_wait3A] : memref<10240x64xf32, #tpu.memory_space<vmem_shared>> -> memref<640x64xf32, #tpu.memory_space<vmem_shared>>
      %dma_wait3A_62 = arith.constant 0 : i32
      %dma_wait3A_63 = tpu.memref_slice %arg5[%mul3A_2, %dma_wait3A_62] : memref<10240x64xf32, #tpu.memory_space<hbm>> -> memref<640x64xf32, #tpu.memory_space<hbm>>
      tpu.wait_dma2 semaphore(%run_scoped3A : memref<!tpu.dma_semaphore, #tpu.memory_space<semaphore_mem>>) src(%dma_wait3A_63 : memref<640x64xf32, #tpu.memory_space<hbm>>) dst(%dma_wait3A_61 : memref<640x64xf32, #tpu.memory_space<vmem_shared>>)
      tpu.yield
    }) : () -> ()
    %barrier3A_31 = arith.constant 0 : index
    tpu.barrier barrier_id(%barrier3A_31)
    %dma_start3A_32 = arith.constant 0 : i32
    %dma_start3A_33 = arith.constant 0 : i32
    %dma_start3A_34 = tpu.memref_slice %arg11[%dma_start3A_32, %dma_start3A_33] : memref<80x128xi32, #tpu.memory_space<vmem>> -> memref<1x128xi32, #tpu.memory_space<vmem>>
    %dma_start3A_35 = tpu.memref_squeeze %dma_start3A_34 : memref<1x128xi32, #tpu.memory_space<vmem>> -> memref<128xi32, #tpu.memory_space<vmem>>
    %dma_start3A_36 = arith.constant 0 : i32
    %dma_start3A_37 = arith.constant 0 : i32
    %dma_start3A_38 = tpu.memref_slice %arg3[%dma_start3A_36, %dma_start3A_37] : memref<10240x64xf32, #tpu.memory_space<hbm>> -> memref<10240x64xf32, #tpu.memory_space<hbm>>
    tpu.enqueue_indirect_dma source(%dma_start3A_38 : memref<10240x64xf32, #tpu.memory_space<hbm>>) target(%arg13 : memref<128x64xf32, #tpu.memory_space<vmem>>) offsets(%dma_start3A_35 : memref<128xi32, #tpu.memory_space<vmem>>) semaphore(%arg16 : memref<!tpu.dma_semaphore, #tpu.memory_space<semaphore_mem>>)
    %scan3A_39 = arith.constant 0 : i32
    %scan3A_40 = arith.constant 0 : i32
    %scan3A_41 = arith.constant 40 : i32
    %scan3A_42 = arith.addi %scan3A_40, %scan3A_41 : i32
    %scan3A_43 = arith.constant 1 : i32
    scf.for %scan3A_57 = %scan3A_40 to %scan3A_42 step %scan3A_43  : i32 {
      %mul3A_58 = arith.constant 2 : i32
      %mul3A_59 = arith.muli %mul3A_58, %scan3A_57 : i32
      %add3A_60 = arith.constant 1 : i32
      %add3A_61 = arith.addi %mul3A_59, %add3A_60 : i32
      %dma_start3A_62 = arith.constant 0 : i32
      %dma_start3A_63 = tpu.memref_slice %arg11[%add3A_61, %dma_start3A_62] : memref<80x128xi32, #tpu.memory_space<vmem>> -> memref<1x128xi32, #tpu.memory_space<vmem>>
      %dma_start3A_64 = tpu.memref_squeeze %dma_start3A_63 : memref<1x128xi32, #tpu.memory_space<vmem>> -> memref<128xi32, #tpu.memory_space<vmem>>
      %dma_start3A_65 = arith.constant 0 : i32
      %dma_start3A_66 = arith.constant 0 : i32
      %dma_start3A_67 = tpu.memref_slice %arg3[%dma_start3A_65, %dma_start3A_66] : memref<10240x64xf32, #tpu.memory_space<hbm>> -> memref<10240x64xf32, #tpu.memory_space<hbm>>
      tpu.enqueue_indirect_dma source(%dma_start3A_67 : memref<10240x64xf32, #tpu.memory_space<hbm>>) target(%arg14 : memref<128x64xf32, #tpu.memory_space<vmem>>) offsets(%dma_start3A_64 : memref<128xi32, #tpu.memory_space<vmem>>) semaphore(%arg17 : memref<!tpu.dma_semaphore, #tpu.memory_space<semaphore_mem>>)
      %dma_wait3A = arith.constant 0 : i32
      %dma_wait3A_68 = tpu.memref_slice %arg11[%mul3A_59, %dma_wait3A] : memref<80x128xi32, #tpu.memory_space<vmem>> -> memref<1x128xi32, #tpu.memory_space<vmem>>
      %dma_wait3A_69 = tpu.memref_squeeze %dma_wait3A_68 : memref<1x128xi32, #tpu.memory_space<vmem>> -> memref<128xi32, #tpu.memory_space<vmem>>
      %dma_wait3A_70 = arith.constant 0 : i32
      %dma_wait3A_71 = arith.constant 0 : i32
      %dma_wait3A_72 = tpu.memref_slice %arg3[%dma_wait3A_70, %dma_wait3A_71] : memref<10240x64xf32, #tpu.memory_space<hbm>> -> memref<10240x64xf32, #tpu.memory_space<hbm>>
      tpu.wait_indirect_dma semaphore(%arg16 : memref<!tpu.dma_semaphore, #tpu.memory_space<semaphore_mem>>) src(%dma_wait3A_72 : memref<10240x64xf32, #tpu.memory_space<hbm>>) dst(%arg13 : memref<128x64xf32, #tpu.memory_space<vmem>>)
      "tpu.region"() ({
        %run_scoped3A = tpu.sem_alloc : memref<!tpu.dma_semaphore, #tpu.memory_space<semaphore_mem>>
        %dma_start3A_89 = arith.constant 0 : i32
        %dma_start3A_90 = tpu.memref_slice %arg12[%mul3A_59, %dma_start3A_89] : memref<80x128xi32, #tpu.memory_space<vmem>> -> memref<1x128xi32, #tpu.memory_space<vmem>>
        %dma_start3A_91 = tpu.memref_squeeze %dma_start3A_90 : memref<1x128xi32, #tpu.memory_space<vmem>> -> memref<128xi32, #tpu.memory_space<vmem>>
        %dma_start3A_92 = arith.constant 0 : i32
        %dma_start3A_93 = arith.constant 0 : i32
        %dma_start3A_94 = tpu.memref_slice %arg15[%dma_start3A_92, %dma_start3A_93] : memref<10240x64xf32, #tpu.memory_space<vmem_shared>> -> memref<10240x64xf32, #tpu.memory_space<vmem_shared>>
        tpu.enqueue_indirect_dma source(%arg13 : memref<128x64xf32, #tpu.memory_space<vmem>>) target(%dma_start3A_94 : memref<10240x64xf32, #tpu.memory_space<vmem_shared>>) offsets(%dma_start3A_91 : memref<128xi32, #tpu.memory_space<vmem>>) semaphore(%run_scoped3A : memref<!tpu.dma_semaphore, #tpu.memory_space<semaphore_mem>>) {add = true}
        %dma_wait3A_95 = arith.constant 0 : i32
        %dma_wait3A_96 = tpu.memref_slice %arg12[%mul3A_59, %dma_wait3A_95] : memref<80x128xi32, #tpu.memory_space<vmem>> -> memref<1x128xi32, #tpu.memory_space<vmem>>
        %dma_wait3A_97 = tpu.memref_squeeze %dma_wait3A_96 : memref<1x128xi32, #tpu.memory_space<vmem>> -> memref<128xi32, #tpu.memory_space<vmem>>
        %dma_wait3A_98 = arith.constant 0 : i32
        %dma_wait3A_99 = arith.constant 0 : i32
        %dma_wait3A_100 = tpu.memref_slice %arg15[%dma_wait3A_98, %dma_wait3A_99] : memref<10240x64xf32, #tpu.memory_space<vmem_shared>> -> memref<10240x64xf32, #tpu.memory_space<vmem_shared>>
        tpu.wait_indirect_dma semaphore(%run_scoped3A : memref<!tpu.dma_semaphore, #tpu.memory_space<semaphore_mem>>) src(%arg13 : memref<128x64xf32, #tpu.memory_space<vmem>>) dst(%dma_wait3A_100 : memref<10240x64xf32, #tpu.memory_space<vmem_shared>>)
        tpu.yield
      }) : () -> ()
      %add3A_73 = arith.constant 2 : i32
      %add3A_74 = arith.addi %mul3A_59, %add3A_73 : i32
      %lt3A = arith.constant 80 : i32
      %lt3A_75 = arith.cmpi slt, %add3A_74, %lt3A : i32
      %convert_element_type3A_76 = arith.extui %lt3A_75 : i1 to i32
      %cond3A_77 = arith.constant 0 : i32
      %cond3A_78 = arith.cmpi ne, %convert_element_type3A_76, %cond3A_77 : i32
      scf.if %cond3A_78 {
        %add3A_89 = arith.constant 2 : i32
        %add3A_90 = arith.addi %mul3A_59, %add3A_89 : i32
        %dma_start3A_91 = arith.constant 0 : i32
        %dma_start3A_92 = tpu.memref_slice %arg11[%add3A_90, %dma_start3A_91] : memref<80x128xi32, #tpu.memory_space<vmem>> -> memref<1x128xi32, #tpu.memory_space<vmem>>
        %dma_start3A_93 = tpu.memref_squeeze %dma_start3A_92 : memref<1x128xi32, #tpu.memory_space<vmem>> -> memref<128xi32, #tpu.memory_space<vmem>>
        %dma_start3A_94 = arith.constant 0 : i32
        %dma_start3A_95 = arith.constant 0 : i32
        %dma_start3A_96 = tpu.memref_slice %arg3[%dma_start3A_94, %dma_start3A_95] : memref<10240x64xf32, #tpu.memory_space<hbm>> -> memref<10240x64xf32, #tpu.memory_space<hbm>>
        tpu.enqueue_indirect_dma source(%dma_start3A_96 : memref<10240x64xf32, #tpu.memory_space<hbm>>) target(%arg13 : memref<128x64xf32, #tpu.memory_space<vmem>>) offsets(%dma_start3A_93 : memref<128xi32, #tpu.memory_space<vmem>>) semaphore(%arg16 : memref<!tpu.dma_semaphore, #tpu.memory_space<semaphore_mem>>)
      } else {
      }
      %add3A_79 = arith.constant 1 : i32
      %add3A_80 = arith.addi %mul3A_59, %add3A_79 : i32
      %dma_wait3A_81 = arith.constant 0 : i32
      %dma_wait3A_82 = tpu.memref_slice %arg11[%add3A_80, %dma_wait3A_81] : memref<80x128xi32, #tpu.memory_space<vmem>> -> memref<1x128xi32, #tpu.memory_space<vmem>>
      %dma_wait3A_83 = tpu.memref_squeeze %dma_wait3A_82 : memref<1x128xi32, #tpu.memory_space<vmem>> -> memref<128xi32, #tpu.memory_space<vmem>>
      %dma_wait3A_84 = arith.constant 0 : i32
      %dma_wait3A_85 = arith.constant 0 : i32
      %dma_wait3A_86 = tpu.memref_slice %arg3[%dma_wait3A_84, %dma_wait3A_85] : memref<10240x64xf32, #tpu.memory_space<hbm>> -> memref<10240x64xf32, #tpu.memory_space<hbm>>
      tpu.wait_indirect_dma semaphore(%arg17 : memref<!tpu.dma_semaphore, #tpu.memory_space<semaphore_mem>>) src(%dma_wait3A_86 : memref<10240x64xf32, #tpu.memory_space<hbm>>) dst(%arg14 : memref<128x64xf32, #tpu.memory_space<vmem>>)
      %add3A_87 = arith.constant 1 : i32
      %add3A_88 = arith.addi %mul3A_59, %add3A_87 : i32
      "tpu.region"() ({
        %run_scoped3A = tpu.sem_alloc : memref<!tpu.dma_semaphore, #tpu.memory_space<semaphore_mem>>
        %dma_start3A_89 = arith.constant 0 : i32
        %dma_start3A_90 = tpu.memref_slice %arg12[%add3A_88, %dma_start3A_89] : memref<80x128xi32, #tpu.memory_space<vmem>> -> memref<1x128xi32, #tpu.memory_space<vmem>>
        %dma_start3A_91 = tpu.memref_squeeze %dma_start3A_90 : memref<1x128xi32, #tpu.memory_space<vmem>> -> memref<128xi32, #tpu.memory_space<vmem>>
        %dma_start3A_92 = arith.constant 0 : i32
        %dma_start3A_93 = arith.constant 0 : i32
        %dma_start3A_94 = tpu.memref_slice %arg15[%dma_start3A_92, %dma_start3A_93] : memref<10240x64xf32, #tpu.memory_space<vmem_shared>> -> memref<10240x64xf32, #tpu.memory_space<vmem_shared>>
        tpu.enqueue_indirect_dma source(%arg14 : memref<128x64xf32, #tpu.memory_space<vmem>>) target(%dma_start3A_94 : memref<10240x64xf32, #tpu.memory_space<vmem_shared>>) offsets(%dma_start3A_91 : memref<128xi32, #tpu.memory_space<vmem>>) semaphore(%run_scoped3A : memref<!tpu.dma_semaphore, #tpu.memory_space<semaphore_mem>>) {add = true}
        %dma_wait3A_95 = arith.constant 0 : i32
        %dma_wait3A_96 = tpu.memref_slice %arg12[%add3A_88, %dma_wait3A_95] : memref<80x128xi32, #tpu.memory_space<vmem>> -> memref<1x128xi32, #tpu.memory_space<vmem>>
        %dma_wait3A_97 = tpu.memref_squeeze %dma_wait3A_96 : memref<1x128xi32, #tpu.memory_space<vmem>> -> memref<128xi32, #tpu.memory_space<vmem>>
        %dma_wait3A_98 = arith.constant 0 : i32
        %dma_wait3A_99 = arith.constant 0 : i32
        %dma_wait3A_100 = tpu.memref_slice %arg15[%dma_wait3A_98, %dma_wait3A_99] : memref<10240x64xf32, #tpu.memory_space<vmem_shared>> -> memref<10240x64xf32, #tpu.memory_space<vmem_shared>>
        tpu.wait_indirect_dma semaphore(%run_scoped3A : memref<!tpu.dma_semaphore, #tpu.memory_space<semaphore_mem>>) src(%arg14 : memref<128x64xf32, #tpu.memory_space<vmem>>) dst(%dma_wait3A_100 : memref<10240x64xf32, #tpu.memory_space<vmem_shared>>)
        tpu.yield
      }) : () -> ()
    }
    %scan3A_44 = arith.constant 40 : i32
    %barrier3A_45 = arith.constant 0 : index
    tpu.barrier barrier_id(%barrier3A_45)
    %eq3A_46 = arith.constant 0 : i32
    %eq3A_47 = arith.cmpi eq, %arg0, %eq3A_46 : i32
    %convert_element_type3A_48 = arith.extui %eq3A_47 : i1 to i32
    %cond3A_49 = arith.constant 0 : i32
    %cond3A_50 = arith.cmpi ne, %convert_element_type3A_48, %cond3A_49 : i32
    scf.if %cond3A_50 {
      "tpu.region"() ({
        %run_scoped3A = tpu.sem_alloc : memref<!tpu.dma_semaphore, #tpu.memory_space<semaphore_mem>>
        %dma_start3A_57 = arith.constant 0 : i32
        %dma_start3A_58 = tpu.memref_slice %arg7[%mul3A_2, %dma_start3A_57] : memref<10240x64xf32, #tpu.memory_space<hbm>> -> memref<640x64xf32, #tpu.memory_space<hbm>>
        %dma_start3A_59 = arith.constant 0 : i32
        %dma_start3A_60 = tpu.memref_slice %arg15[%mul3A_2, %dma_start3A_59] : memref<10240x64xf32, #tpu.memory_space<vmem_shared>> -> memref<640x64xf32, #tpu.memory_space<vmem_shared>>
        tpu.enqueue_dma source(%dma_start3A_60 : memref<640x64xf32, #tpu.memory_space<vmem_shared>>) target(%dma_start3A_58 : memref<640x64xf32, #tpu.memory_space<hbm>>) target_semaphore(%run_scoped3A : memref<!tpu.dma_semaphore, #tpu.memory_space<semaphore_mem>>)
        %dma_wait3A = arith.constant 0 : i32
        %dma_wait3A_61 = tpu.memref_slice %arg7[%mul3A_2, %dma_wait3A] : memref<10240x64xf32, #tpu.memory_space<hbm>> -> memref<640x64xf32, #tpu.memory_space<hbm>>
        %dma_wait3A_62 = arith.constant 0 : i32
        %dma_wait3A_63 = tpu.memref_slice %arg15[%mul3A_2, %dma_wait3A_62] : memref<10240x64xf32, #tpu.memory_space<vmem_shared>> -> memref<640x64xf32, #tpu.memory_space<vmem_shared>>
        tpu.wait_dma2 semaphore(%run_scoped3A : memref<!tpu.dma_semaphore, #tpu.memory_space<semaphore_mem>>) src(%dma_wait3A_63 : memref<640x64xf32, #tpu.memory_space<vmem_shared>>) dst(%dma_wait3A_61 : memref<640x64xf32, #tpu.memory_space<hbm>>)
        tpu.yield
      }) : () -> ()
    } else {
    }
    %eq3A_51 = arith.constant 1 : i32
    %eq3A_52 = arith.cmpi eq, %arg0, %eq3A_51 : i32
    %convert_element_type3A_53 = arith.extui %eq3A_52 : i1 to i32
    %cond3A_54 = arith.constant 0 : i32
    %cond3A_55 = arith.cmpi ne, %convert_element_type3A_53, %cond3A_54 : i32
    scf.if %cond3A_55 {
      "tpu.region"() ({
        %run_scoped3A = tpu.sem_alloc : memref<!tpu.dma_semaphore, #tpu.memory_space<semaphore_mem>>
        %dma_start3A_57 = arith.constant 0 : i32
        %dma_start3A_58 = tpu.memref_slice %arg9[%mul3A_2, %dma_start3A_57] : memref<10240x64xf32, #tpu.memory_space<hbm>> -> memref<640x64xf32, #tpu.memory_space<hbm>>
        %dma_start3A_59 = arith.constant 0 : i32
        %dma_start3A_60 = tpu.memref_slice %arg15[%mul3A_2, %dma_start3A_59] : memref<10240x64xf32, #tpu.memory_space<vmem_shared>> -> memref<640x64xf32, #tpu.memory_space<vmem_shared>>
        tpu.enqueue_dma source(%dma_start3A_60 : memref<640x64xf32, #tpu.memory_space<vmem_shared>>) target(%dma_start3A_58 : memref<640x64xf32, #tpu.memory_space<hbm>>) target_semaphore(%run_scoped3A : memref<!tpu.dma_semaphore, #tpu.memory_space<semaphore_mem>>)
        %dma_wait3A = arith.constant 0 : i32
        %dma_wait3A_61 = tpu.memref_slice %arg9[%mul3A_2, %dma_wait3A] : memref<10240x64xf32, #tpu.memory_space<hbm>> -> memref<640x64xf32, #tpu.memory_space<hbm>>
        %dma_wait3A_62 = arith.constant 0 : i32
        %dma_wait3A_63 = tpu.memref_slice %arg15[%mul3A_2, %dma_wait3A_62] : memref<10240x64xf32, #tpu.memory_space<vmem_shared>> -> memref<640x64xf32, #tpu.memory_space<vmem_shared>>
        tpu.wait_dma2 semaphore(%run_scoped3A : memref<!tpu.dma_semaphore, #tpu.memory_space<semaphore_mem>>) src(%dma_wait3A_63 : memref<640x64xf32, #tpu.memory_space<vmem_shared>>) dst(%dma_wait3A_61 : memref<640x64xf32, #tpu.memory_space<hbm>>)
        tpu.yield
      }) : () -> ()
    } else {
    }
    %barrier3A_56 = arith.constant 0 : index
    tpu.barrier barrier_id(%barrier3A_56)
    return
  }
}

#map = affine_map<(d0, d1) -> (0, 0)>
module attributes {stable_mosaic.version = 14 : i64} {
  func.func @_edge_kernel(%arg0: i32, %arg1: i32, %arg2: memref<10240x64xf32, #tpu.memory_space<hbm>>, %arg3: memref<10240x64xf32, #tpu.memory_space<hbm>>, %arg4: memref<2560x128xi32, #tpu.memory_space<hbm>>, %arg5: memref<10240x64xf32, #tpu.memory_space<hbm>>, %arg6: memref<10240x64xf32, #tpu.memory_space<hbm>>, %arg7: memref<10240x64xf32, #tpu.memory_space<hbm>>, %arg8: memref<10240x64xf32, #tpu.memory_space<hbm>>, %arg9: memref<10240x64xf32, #tpu.memory_space<hbm>>, %arg10: memref<80x128xi32, #tpu.memory_space<vmem>>, %arg11: memref<80x128xi32, #tpu.memory_space<vmem>>, %arg12: memref<80x128xi32, #tpu.memory_space<vmem>>, %arg13: memref<128x64xf32, #tpu.memory_space<vmem>>, %arg14: memref<128x64xf32, #tpu.memory_space<vmem>>, %arg15: memref<10240x64xf32, #tpu.memory_space<vmem_shared>>, %arg16: memref<!tpu.dma_semaphore, #tpu.memory_space<semaphore_mem>>, %arg17: memref<!tpu.dma_semaphore, #tpu.memory_space<semaphore_mem>>) attributes {dimension_semantics = [#tpu.dimension_semantics<core_parallel>, #tpu.dimension_semantics<subcore_parallel>], iteration_bounds = array<i64: 2, 16>, scalar_prefetch = 0 : i64, scratch_operands = 8 : i64, tpu.core_type = #tpu.core_type<sc_vector_subcore>, window_params = [{transform_indices = #map}, {transform_indices = #map}, {transform_indices = #map}, {transform_indices = #map}, {transform_indices = #map}, {transform_indices = #map}, {transform_indices = #map}, {transform_indices = #map}]} {
    %mul3A = arith.constant 2 : i32
    %mul3A_0 = arith.muli %arg1, %mul3A : i32
    %add3A = arith.addi %mul3A_0, %arg0 : i32
    %mul3A_1 = arith.constant 640 : i32
    %mul3A_2 = arith.muli %arg1, %mul3A_1 : i32
    %mul3A_3 = arith.constant 80 : i32
    %mul3A_4 = arith.muli %add3A, %mul3A_3 : i32
    "tpu.region"() ({
      %run_scoped3A = tpu.sem_alloc : memref<!tpu.dma_semaphore, #tpu.memory_space<semaphore_mem>>
      %dma_start3A_57 = arith.constant 0 : i32
      %dma_start3A_58 = tpu.memref_slice %arg4[%mul3A_4, %dma_start3A_57] : memref<2560x128xi32, #tpu.memory_space<hbm>> -> memref<80x128xi32, #tpu.memory_space<hbm>>
      %dma_start3A_59 = arith.constant 0 : i32
      %dma_start3A_60 = tpu.memref_slice %arg4[%mul3A_4, %dma_start3A_59] : memref<2560x128xi32, #tpu.memory_space<hbm>> -> memref<80x128xi32, #tpu.memory_space<hbm>>
      tpu.enqueue_dma source(%dma_start3A_60 : memref<80x128xi32, #tpu.memory_space<hbm>>) target(%arg10 : memref<80x128xi32, #tpu.memory_space<vmem>>) target_semaphore(%run_scoped3A : memref<!tpu.dma_semaphore, #tpu.memory_space<semaphore_mem>>)
      %dma_wait3A = arith.constant 0 : i32
      %dma_wait3A_61 = tpu.memref_slice %arg4[%mul3A_4, %dma_wait3A] : memref<2560x128xi32, #tpu.memory_space<hbm>> -> memref<80x128xi32, #tpu.memory_space<hbm>>
      %dma_wait3A_62 = arith.constant 0 : i32
      %dma_wait3A_63 = tpu.memref_slice %arg4[%mul3A_4, %dma_wait3A_62] : memref<2560x128xi32, #tpu.memory_space<hbm>> -> memref<80x128xi32, #tpu.memory_space<hbm>>
      tpu.wait_dma2 semaphore(%run_scoped3A : memref<!tpu.dma_semaphore, #tpu.memory_space<semaphore_mem>>) src(%dma_wait3A_63 : memref<80x128xi32, #tpu.memory_space<hbm>>) dst(%arg10 : memref<80x128xi32, #tpu.memory_space<vmem>>)
      tpu.yield
    }) : () -> ()
    %scan3A = arith.constant 0 : i32
    %scan3A_5 = arith.constant 0 : i32
    %scan3A_6 = arith.constant 80 : i32
    %scan3A_7 = arith.addi %scan3A_5, %scan3A_6 : i32
    %scan3A_8 = arith.constant 1 : i32
    scf.for %scan3A_57 = %scan3A_5 to %scan3A_7 step %scan3A_8  : i32 {
      %get3A = arith.index_cast %scan3A_57 : i32 to index
      %get3A_58 = arith.constant 0 : index
      %get3A_59 = tpu.vector_load %arg10[%get3A, %get3A_58] {strides = array<i32>} : memref<80x128xi32, #tpu.memory_space<vmem>>, vector<1x16xi32>,
      %get3A_60 = vector.shape_cast %get3A_59 : vector<1x16xi32> to vector<16xi32>
      %and3A = arith.constant 16383 : i32
      %and3A_61 = vector.broadcast %and3A : i32 to vector<16xi32>
      %and3A_62 = arith.andi %get3A_60, %and3A_61 : vector<16xi32>
      %swap3A = arith.index_cast %scan3A_57 : i32 to index
      %swap3A_63 = arith.constant 0 : index
      %swap3A_64 = tpu.vector_load %arg11[%swap3A, %swap3A_63] {strides = array<i32>} : memref<80x128xi32, #tpu.memory_space<vmem>>, vector<1x16xi32>,
      %swap3A_65 = vector.shape_cast %swap3A_64 : vector<1x16xi32> to vector<16xi32>
      %swap3A_66 = vector.shape_cast %and3A_62 : vector<16xi32> to vector<1x16xi32>
      tpu.vector_store %arg11[%swap3A, %swap3A_63], %swap3A_66 {strides = array<i32>} : memref<80x128xi32, #tpu.memory_space<vmem>>, vector<1x16xi32>,
      %shift_right_logical3A = arith.constant 14 : i32
      %shift_right_logical3A_67 = vector.broadcast %shift_right_logical3A : i32 to vector<16xi32>
      %shift_right_logical3A_68 = arith.shrui %get3A_60, %shift_right_logical3A_67 : vector<16xi32>
      %swap3A_69 = arith.index_cast %scan3A_57 : i32 to index
      %swap3A_70 = arith.constant 0 : index
      %swap3A_71 = tpu.vector_load %arg12[%swap3A_69, %swap3A_70] {strides = array<i32>} : memref<80x128xi32, #tpu.memory_space<vmem>>, vector<1x16xi32>,
      %swap3A_72 = vector.shape_cast %swap3A_71 : vector<1x16xi32> to vector<16xi32>
      %swap3A_73 = vector.shape_cast %shift_right_logical3A_68 : vector<16xi32> to vector<1x16xi32>
      tpu.vector_store %arg12[%swap3A_69, %swap3A_70], %swap3A_73 {strides = array<i32>} : memref<80x128xi32, #tpu.memory_space<vmem>>, vector<1x16xi32>,
      %get3A_74 = arith.index_cast %scan3A_57 : i32 to index
      %get3A_75 = arith.constant 16 : index
      %get3A_76 = tpu.vector_load %arg10[%get3A_74, %get3A_75] {strides = array<i32>} : memref<80x128xi32, #tpu.memory_space<vmem>>, vector<1x16xi32>,
      %get3A_77 = vector.shape_cast %get3A_76 : vector<1x16xi32> to vector<16xi32>
      %and3A_78 = arith.constant 16383 : i32
      %and3A_79 = vector.broadcast %and3A_78 : i32 to vector<16xi32>
      %and3A_80 = arith.andi %get3A_77, %and3A_79 : vector<16xi32>
      %swap3A_81 = arith.index_cast %scan3A_57 : i32 to index
      %swap3A_82 = arith.constant 16 : index
      %swap3A_83 = tpu.vector_load %arg11[%swap3A_81, %swap3A_82] {strides = array<i32>} : memref<80x128xi32, #tpu.memory_space<vmem>>, vector<1x16xi32>,
      %swap3A_84 = vector.shape_cast %swap3A_83 : vector<1x16xi32> to vector<16xi32>
      %swap3A_85 = vector.shape_cast %and3A_80 : vector<16xi32> to vector<1x16xi32>
      tpu.vector_store %arg11[%swap3A_81, %swap3A_82], %swap3A_85 {strides = array<i32>} : memref<80x128xi32, #tpu.memory_space<vmem>>, vector<1x16xi32>,
      %shift_right_logical3A_86 = arith.constant 14 : i32
      %shift_right_logical3A_87 = vector.broadcast %shift_right_logical3A_86 : i32 to vector<16xi32>
      %shift_right_logical3A_88 = arith.shrui %get3A_77, %shift_right_logical3A_87 : vector<16xi32>
      %swap3A_89 = arith.index_cast %scan3A_57 : i32 to index
      %swap3A_90 = arith.constant 16 : index
      %swap3A_91 = tpu.vector_load %arg12[%swap3A_89, %swap3A_90] {strides = array<i32>} : memref<80x128xi32, #tpu.memory_space<vmem>>, vector<1x16xi32>,
      %swap3A_92 = vector.shape_cast %swap3A_91 : vector<1x16xi32> to vector<16xi32>
      %swap3A_93 = vector.shape_cast %shift_right_logical3A_88 : vector<16xi32> to vector<1x16xi32>
      tpu.vector_store %arg12[%swap3A_89, %swap3A_90], %swap3A_93 {strides = array<i32>} : memref<80x128xi32, #tpu.memory_space<vmem>>, vector<1x16xi32>,
      %get3A_94 = arith.index_cast %scan3A_57 : i32 to index
      %get3A_95 = arith.constant 32 : index
      %get3A_96 = tpu.vector_load %arg10[%get3A_94, %get3A_95] {strides = array<i32>} : memref<80x128xi32, #tpu.memory_space<vmem>>, vector<1x16xi32>,
      %get3A_97 = vector.shape_cast %get3A_96 : vector<1x16xi32> to vector<16xi32>
      %and3A_98 = arith.constant 16383 : i32
      %and3A_99 = vector.broadcast %and3A_98 : i32 to vector<16xi32>
      %and3A_100 = arith.andi %get3A_97, %and3A_99 : vector<16xi32>
      %swap3A_101 = arith.index_cast %scan3A_57 : i32 to index
      %swap3A_102 = arith.constant 32 : index
      %swap3A_103 = tpu.vector_load %arg11[%swap3A_101, %swap3A_102] {strides = array<i32>} : memref<80x128xi32, #tpu.memory_space<vmem>>, vector<1x16xi32>,
      %swap3A_104 = vector.shape_cast %swap3A_103 : vector<1x16xi32> to vector<16xi32>
      %swap3A_105 = vector.shape_cast %and3A_100 : vector<16xi32> to vector<1x16xi32>
      tpu.vector_store %arg11[%swap3A_101, %swap3A_102], %swap3A_105 {strides = array<i32>} : memref<80x128xi32, #tpu.memory_space<vmem>>, vector<1x16xi32>,
      %shift_right_logical3A_106 = arith.constant 14 : i32
      %shift_right_logical3A_107 = vector.broadcast %shift_right_logical3A_106 : i32 to vector<16xi32>
      %shift_right_logical3A_108 = arith.shrui %get3A_97, %shift_right_logical3A_107 : vector<16xi32>
      %swap3A_109 = arith.index_cast %scan3A_57 : i32 to index
      %swap3A_110 = arith.constant 32 : index
      %swap3A_111 = tpu.vector_load %arg12[%swap3A_109, %swap3A_110] {strides = array<i32>} : memref<80x128xi32, #tpu.memory_space<vmem>>, vector<1x16xi32>,
      %swap3A_112 = vector.shape_cast %swap3A_111 : vector<1x16xi32> to vector<16xi32>
      %swap3A_113 = vector.shape_cast %shift_right_logical3A_108 : vector<16xi32> to vector<1x16xi32>
      tpu.vector_store %arg12[%swap3A_109, %swap3A_110], %swap3A_113 {strides = array<i32>} : memref<80x128xi32, #tpu.memory_space<vmem>>, vector<1x16xi32>,
      %get3A_114 = arith.index_cast %scan3A_57 : i32 to index
      %get3A_115 = arith.constant 48 : index
      %get3A_116 = tpu.vector_load %arg10[%get3A_114, %get3A_115] {strides = array<i32>} : memref<80x128xi32, #tpu.memory_space<vmem>>, vector<1x16xi32>,
      %get3A_117 = vector.shape_cast %get3A_116 : vector<1x16xi32> to vector<16xi32>
      %and3A_118 = arith.constant 16383 : i32
      %and3A_119 = vector.broadcast %and3A_118 : i32 to vector<16xi32>
      %and3A_120 = arith.andi %get3A_117, %and3A_119 : vector<16xi32>
      %swap3A_121 = arith.index_cast %scan3A_57 : i32 to index
      %swap3A_122 = arith.constant 48 : index
      %swap3A_123 = tpu.vector_load %arg11[%swap3A_121, %swap3A_122] {strides = array<i32>} : memref<80x128xi32, #tpu.memory_space<vmem>>, vector<1x16xi32>,
      %swap3A_124 = vector.shape_cast %swap3A_123 : vector<1x16xi32> to vector<16xi32>
      %swap3A_125 = vector.shape_cast %and3A_120 : vector<16xi32> to vector<1x16xi32>
      tpu.vector_store %arg11[%swap3A_121, %swap3A_122], %swap3A_125 {strides = array<i32>} : memref<80x128xi32, #tpu.memory_space<vmem>>, vector<1x16xi32>,
      %shift_right_logical3A_126 = arith.constant 14 : i32
      %shift_right_logical3A_127 = vector.broadcast %shift_right_logical3A_126 : i32 to vector<16xi32>
      %shift_right_logical3A_128 = arith.shrui %get3A_117, %shift_right_logical3A_127 : vector<16xi32>
      %swap3A_129 = arith.index_cast %scan3A_57 : i32 to index
      %swap3A_130 = arith.constant 48 : index
      %swap3A_131 = tpu.vector_load %arg12[%swap3A_129, %swap3A_130] {strides = array<i32>} : memref<80x128xi32, #tpu.memory_space<vmem>>, vector<1x16xi32>,
      %swap3A_132 = vector.shape_cast %swap3A_131 : vector<1x16xi32> to vector<16xi32>
      %swap3A_133 = vector.shape_cast %shift_right_logical3A_128 : vector<16xi32> to vector<1x16xi32>
      tpu.vector_store %arg12[%swap3A_129, %swap3A_130], %swap3A_133 {strides = array<i32>} : memref<80x128xi32, #tpu.memory_space<vmem>>, vector<1x16xi32>,
      %get3A_134 = arith.index_cast %scan3A_57 : i32 to index
      %get3A_135 = arith.constant 64 : index
      %get3A_136 = tpu.vector_load %arg10[%get3A_134, %get3A_135] {strides = array<i32>} : memref<80x128xi32, #tpu.memory_space<vmem>>, vector<1x16xi32>,
      %get3A_137 = vector.shape_cast %get3A_136 : vector<1x16xi32> to vector<16xi32>
      %and3A_138 = arith.constant 16383 : i32
      %and3A_139 = vector.broadcast %and3A_138 : i32 to vector<16xi32>
      %and3A_140 = arith.andi %get3A_137, %and3A_139 : vector<16xi32>
      %swap3A_141 = arith.index_cast %scan3A_57 : i32 to index
      %swap3A_142 = arith.constant 64 : index
      %swap3A_143 = tpu.vector_load %arg11[%swap3A_141, %swap3A_142] {strides = array<i32>} : memref<80x128xi32, #tpu.memory_space<vmem>>, vector<1x16xi32>,
      %swap3A_144 = vector.shape_cast %swap3A_143 : vector<1x16xi32> to vector<16xi32>
      %swap3A_145 = vector.shape_cast %and3A_140 : vector<16xi32> to vector<1x16xi32>
      tpu.vector_store %arg11[%swap3A_141, %swap3A_142], %swap3A_145 {strides = array<i32>} : memref<80x128xi32, #tpu.memory_space<vmem>>, vector<1x16xi32>,
      %shift_right_logical3A_146 = arith.constant 14 : i32
      %shift_right_logical3A_147 = vector.broadcast %shift_right_logical3A_146 : i32 to vector<16xi32>
      %shift_right_logical3A_148 = arith.shrui %get3A_137, %shift_right_logical3A_147 : vector<16xi32>
      %swap3A_149 = arith.index_cast %scan3A_57 : i32 to index
      %swap3A_150 = arith.constant 64 : index
      %swap3A_151 = tpu.vector_load %arg12[%swap3A_149, %swap3A_150] {strides = array<i32>} : memref<80x128xi32, #tpu.memory_space<vmem>>, vector<1x16xi32>,
      %swap3A_152 = vector.shape_cast %swap3A_151 : vector<1x16xi32> to vector<16xi32>
      %swap3A_153 = vector.shape_cast %shift_right_logical3A_148 : vector<16xi32> to vector<1x16xi32>
      tpu.vector_store %arg12[%swap3A_149, %swap3A_150], %swap3A_153 {strides = array<i32>} : memref<80x128xi32, #tpu.memory_space<vmem>>, vector<1x16xi32>,
      %get3A_154 = arith.index_cast %scan3A_57 : i32 to index
      %get3A_155 = arith.constant 80 : index
      %get3A_156 = tpu.vector_load %arg10[%get3A_154, %get3A_155] {strides = array<i32>} : memref<80x128xi32, #tpu.memory_space<vmem>>, vector<1x16xi32>,
      %get3A_157 = vector.shape_cast %get3A_156 : vector<1x16xi32> to vector<16xi32>
      %and3A_158 = arith.constant 16383 : i32
      %and3A_159 = vector.broadcast %and3A_158 : i32 to vector<16xi32>
      %and3A_160 = arith.andi %get3A_157, %and3A_159 : vector<16xi32>
      %swap3A_161 = arith.index_cast %scan3A_57 : i32 to index
      %swap3A_162 = arith.constant 80 : index
      %swap3A_163 = tpu.vector_load %arg11[%swap3A_161, %swap3A_162] {strides = array<i32>} : memref<80x128xi32, #tpu.memory_space<vmem>>, vector<1x16xi32>,
      %swap3A_164 = vector.shape_cast %swap3A_163 : vector<1x16xi32> to vector<16xi32>
      %swap3A_165 = vector.shape_cast %and3A_160 : vector<16xi32> to vector<1x16xi32>
      tpu.vector_store %arg11[%swap3A_161, %swap3A_162], %swap3A_165 {strides = array<i32>} : memref<80x128xi32, #tpu.memory_space<vmem>>, vector<1x16xi32>,
      %shift_right_logical3A_166 = arith.constant 14 : i32
      %shift_right_logical3A_167 = vector.broadcast %shift_right_logical3A_166 : i32 to vector<16xi32>
      %shift_right_logical3A_168 = arith.shrui %get3A_157, %shift_right_logical3A_167 : vector<16xi32>
      %swap3A_169 = arith.index_cast %scan3A_57 : i32 to index
      %swap3A_170 = arith.constant 80 : index
      %swap3A_171 = tpu.vector_load %arg12[%swap3A_169, %swap3A_170] {strides = array<i32>} : memref<80x128xi32, #tpu.memory_space<vmem>>, vector<1x16xi32>,
      %swap3A_172 = vector.shape_cast %swap3A_171 : vector<1x16xi32> to vector<16xi32>
      %swap3A_173 = vector.shape_cast %shift_right_logical3A_168 : vector<16xi32> to vector<1x16xi32>
      tpu.vector_store %arg12[%swap3A_169, %swap3A_170], %swap3A_173 {strides = array<i32>} : memref<80x128xi32, #tpu.memory_space<vmem>>, vector<1x16xi32>,
      %get3A_174 = arith.index_cast %scan3A_57 : i32 to index
      %get3A_175 = arith.constant 96 : index
      %get3A_176 = tpu.vector_load %arg10[%get3A_174, %get3A_175] {strides = array<i32>} : memref<80x128xi32, #tpu.memory_space<vmem>>, vector<1x16xi32>,
      %get3A_177 = vector.shape_cast %get3A_176 : vector<1x16xi32> to vector<16xi32>
      %and3A_178 = arith.constant 16383 : i32
      %and3A_179 = vector.broadcast %and3A_178 : i32 to vector<16xi32>
      %and3A_180 = arith.andi %get3A_177, %and3A_179 : vector<16xi32>
      %swap3A_181 = arith.index_cast %scan3A_57 : i32 to index
      %swap3A_182 = arith.constant 96 : index
      %swap3A_183 = tpu.vector_load %arg11[%swap3A_181, %swap3A_182] {strides = array<i32>} : memref<80x128xi32, #tpu.memory_space<vmem>>, vector<1x16xi32>,
      %swap3A_184 = vector.shape_cast %swap3A_183 : vector<1x16xi32> to vector<16xi32>
      %swap3A_185 = vector.shape_cast %and3A_180 : vector<16xi32> to vector<1x16xi32>
      tpu.vector_store %arg11[%swap3A_181, %swap3A_182], %swap3A_185 {strides = array<i32>} : memref<80x128xi32, #tpu.memory_space<vmem>>, vector<1x16xi32>,
      %shift_right_logical3A_186 = arith.constant 14 : i32
      %shift_right_logical3A_187 = vector.broadcast %shift_right_logical3A_186 : i32 to vector<16xi32>
      %shift_right_logical3A_188 = arith.shrui %get3A_177, %shift_right_logical3A_187 : vector<16xi32>
      %swap3A_189 = arith.index_cast %scan3A_57 : i32 to index
      %swap3A_190 = arith.constant 96 : index
      %swap3A_191 = tpu.vector_load %arg12[%swap3A_189, %swap3A_190] {strides = array<i32>} : memref<80x128xi32, #tpu.memory_space<vmem>>, vector<1x16xi32>,
      %swap3A_192 = vector.shape_cast %swap3A_191 : vector<1x16xi32> to vector<16xi32>
      %swap3A_193 = vector.shape_cast %shift_right_logical3A_188 : vector<16xi32> to vector<1x16xi32>
      tpu.vector_store %arg12[%swap3A_189, %swap3A_190], %swap3A_193 {strides = array<i32>} : memref<80x128xi32, #tpu.memory_space<vmem>>, vector<1x16xi32>,
      %get3A_194 = arith.index_cast %scan3A_57 : i32 to index
      %get3A_195 = arith.constant 112 : index
      %get3A_196 = tpu.vector_load %arg10[%get3A_194, %get3A_195] {strides = array<i32>} : memref<80x128xi32, #tpu.memory_space<vmem>>, vector<1x16xi32>,
      %get3A_197 = vector.shape_cast %get3A_196 : vector<1x16xi32> to vector<16xi32>
      %and3A_198 = arith.constant 16383 : i32
      %and3A_199 = vector.broadcast %and3A_198 : i32 to vector<16xi32>
      %and3A_200 = arith.andi %get3A_197, %and3A_199 : vector<16xi32>
      %swap3A_201 = arith.index_cast %scan3A_57 : i32 to index
      %swap3A_202 = arith.constant 112 : index
      %swap3A_203 = tpu.vector_load %arg11[%swap3A_201, %swap3A_202] {strides = array<i32>} : memref<80x128xi32, #tpu.memory_space<vmem>>, vector<1x16xi32>,
      %swap3A_204 = vector.shape_cast %swap3A_203 : vector<1x16xi32> to vector<16xi32>
      %swap3A_205 = vector.shape_cast %and3A_200 : vector<16xi32> to vector<1x16xi32>
      tpu.vector_store %arg11[%swap3A_201, %swap3A_202], %swap3A_205 {strides = array<i32>} : memref<80x128xi32, #tpu.memory_space<vmem>>, vector<1x16xi32>,
      %shift_right_logical3A_206 = arith.constant 14 : i32
      %shift_right_logical3A_207 = vector.broadcast %shift_right_logical3A_206 : i32 to vector<16xi32>
      %shift_right_logical3A_208 = arith.shrui %get3A_197, %shift_right_logical3A_207 : vector<16xi32>
      %swap3A_209 = arith.index_cast %scan3A_57 : i32 to index
      %swap3A_210 = arith.constant 112 : index
      %swap3A_211 = tpu.vector_load %arg12[%swap3A_209, %swap3A_210] {strides = array<i32>} : memref<80x128xi32, #tpu.memory_space<vmem>>, vector<1x16xi32>,
      %swap3A_212 = vector.shape_cast %swap3A_211 : vector<1x16xi32> to vector<16xi32>
      %swap3A_213 = vector.shape_cast %shift_right_logical3A_208 : vector<16xi32> to vector<1x16xi32>
      tpu.vector_store %arg12[%swap3A_209, %swap3A_210], %swap3A_213 {strides = array<i32>} : memref<80x128xi32, #tpu.memory_space<vmem>>, vector<1x16xi32>,
    }
    %scan3A_9 = arith.constant 80 : i32
    "tpu.region"() ({
      %run_scoped3A = tpu.sem_alloc : memref<!tpu.dma_semaphore, #tpu.memory_space<semaphore_mem>>
      %dma_start3A_57 = arith.constant 0 : i32
      %dma_start3A_58 = tpu.memref_slice %arg15[%mul3A_2, %dma_start3A_57] : memref<10240x64xf32, #tpu.memory_space<vmem_shared>> -> memref<640x64xf32, #tpu.memory_space<vmem_shared>>
      %dma_start3A_59 = arith.constant 0 : i32
      %dma_start3A_60 = tpu.memref_slice %arg5[%mul3A_2, %dma_start3A_59] : memref<10240x64xf32, #tpu.memory_space<hbm>> -> memref<640x64xf32, #tpu.memory_space<hbm>>
      tpu.enqueue_dma source(%dma_start3A_60 : memref<640x64xf32, #tpu.memory_space<hbm>>) target(%dma_start3A_58 : memref<640x64xf32, #tpu.memory_space<vmem_shared>>) target_semaphore(%run_scoped3A : memref<!tpu.dma_semaphore, #tpu.memory_space<semaphore_mem>>)
      %dma_wait3A = arith.constant 0 : i32
      %dma_wait3A_61 = tpu.memref_slice %arg15[%mul3A_2, %dma_wait3A] : memref<10240x64xf32, #tpu.memory_space<vmem_shared>> -> memref<640x64xf32, #tpu.memory_space<vmem_shared>>
      %dma_wait3A_62 = arith.constant 0 : i32
      %dma_wait3A_63 = tpu.memref_slice %arg5[%mul3A_2, %dma_wait3A_62] : memref<10240x64xf32, #tpu.memory_space<hbm>> -> memref<640x64xf32, #tpu.memory_space<hbm>>
      tpu.wait_dma2 semaphore(%run_scoped3A : memref<!tpu.dma_semaphore, #tpu.memory_space<semaphore_mem>>) src(%dma_wait3A_63 : memref<640x64xf32, #tpu.memory_space<hbm>>) dst(%dma_wait3A_61 : memref<640x64xf32, #tpu.memory_space<vmem_shared>>)
      tpu.yield
    }) : () -> ()
    %barrier3A = arith.constant 0 : index
    tpu.barrier barrier_id(%barrier3A)
    %dma_start3A = arith.constant 0 : i32
    %dma_start3A_10 = arith.constant 0 : i32
    %dma_start3A_11 = tpu.memref_slice %arg11[%dma_start3A, %dma_start3A_10] : memref<80x128xi32, #tpu.memory_space<vmem>> -> memref<1x128xi32, #tpu.memory_space<vmem>>
    %dma_start3A_12 = tpu.memref_squeeze %dma_start3A_11 : memref<1x128xi32, #tpu.memory_space<vmem>> -> memref<128xi32, #tpu.memory_space<vmem>>
    %dma_start3A_13 = arith.constant 0 : i32
    %dma_start3A_14 = arith.constant 0 : i32
    %dma_start3A_15 = tpu.memref_slice %arg2[%dma_start3A_13, %dma_start3A_14] : memref<10240x64xf32, #tpu.memory_space<hbm>> -> memref<10240x64xf32, #tpu.memory_space<hbm>>
    tpu.enqueue_indirect_dma source(%dma_start3A_15 : memref<10240x64xf32, #tpu.memory_space<hbm>>) target(%arg13 : memref<128x64xf32, #tpu.memory_space<vmem>>) offsets(%dma_start3A_12 : memref<128xi32, #tpu.memory_space<vmem>>) semaphore(%arg16 : memref<!tpu.dma_semaphore, #tpu.memory_space<semaphore_mem>>)
    %scan3A_16 = arith.constant 0 : i32
    %scan3A_17 = arith.constant 0 : i32
    %scan3A_18 = arith.constant 40 : i32
    %scan3A_19 = arith.addi %scan3A_17, %scan3A_18 : i32
    %scan3A_20 = arith.constant 1 : i32
    scf.for %scan3A_57 = %scan3A_17 to %scan3A_19 step %scan3A_20  : i32 {
      %mul3A_58 = arith.constant 2 : i32
      %mul3A_59 = arith.muli %mul3A_58, %scan3A_57 : i32
      %add3A_60 = arith.constant 1 : i32
      %add3A_61 = arith.addi %mul3A_59, %add3A_60 : i32
      %dma_start3A_62 = arith.constant 0 : i32
      %dma_start3A_63 = tpu.memref_slice %arg11[%add3A_61, %dma_start3A_62] : memref<80x128xi32, #tpu.memory_space<vmem>> -> memref<1x128xi32, #tpu.memory_space<vmem>>
      %dma_start3A_64 = tpu.memref_squeeze %dma_start3A_63 : memref<1x128xi32, #tpu.memory_space<vmem>> -> memref<128xi32, #tpu.memory_space<vmem>>
      %dma_start3A_65 = arith.constant 0 : i32
      %dma_start3A_66 = arith.constant 0 : i32
      %dma_start3A_67 = tpu.memref_slice %arg2[%dma_start3A_65, %dma_start3A_66] : memref<10240x64xf32, #tpu.memory_space<hbm>> -> memref<10240x64xf32, #tpu.memory_space<hbm>>
      tpu.enqueue_indirect_dma source(%dma_start3A_67 : memref<10240x64xf32, #tpu.memory_space<hbm>>) target(%arg14 : memref<128x64xf32, #tpu.memory_space<vmem>>) offsets(%dma_start3A_64 : memref<128xi32, #tpu.memory_space<vmem>>) semaphore(%arg17 : memref<!tpu.dma_semaphore, #tpu.memory_space<semaphore_mem>>)
      %dma_wait3A = arith.constant 0 : i32
      %dma_wait3A_68 = tpu.memref_slice %arg11[%mul3A_59, %dma_wait3A] : memref<80x128xi32, #tpu.memory_space<vmem>> -> memref<1x128xi32, #tpu.memory_space<vmem>>
      %dma_wait3A_69 = tpu.memref_squeeze %dma_wait3A_68 : memref<1x128xi32, #tpu.memory_space<vmem>> -> memref<128xi32, #tpu.memory_space<vmem>>
      %dma_wait3A_70 = arith.constant 0 : i32
      %dma_wait3A_71 = arith.constant 0 : i32
      %dma_wait3A_72 = tpu.memref_slice %arg2[%dma_wait3A_70, %dma_wait3A_71] : memref<10240x64xf32, #tpu.memory_space<hbm>> -> memref<10240x64xf32, #tpu.memory_space<hbm>>
      tpu.wait_indirect_dma semaphore(%arg16 : memref<!tpu.dma_semaphore, #tpu.memory_space<semaphore_mem>>) src(%dma_wait3A_72 : memref<10240x64xf32, #tpu.memory_space<hbm>>) dst(%arg13 : memref<128x64xf32, #tpu.memory_space<vmem>>)
      "tpu.region"() ({
        %run_scoped3A = tpu.sem_alloc : memref<!tpu.dma_semaphore, #tpu.memory_space<semaphore_mem>>
        %dma_start3A_89 = arith.constant 0 : i32
        %dma_start3A_90 = tpu.memref_slice %arg12[%mul3A_59, %dma_start3A_89] : memref<80x128xi32, #tpu.memory_space<vmem>> -> memref<1x128xi32, #tpu.memory_space<vmem>>
        %dma_start3A_91 = tpu.memref_squeeze %dma_start3A_90 : memref<1x128xi32, #tpu.memory_space<vmem>> -> memref<128xi32, #tpu.memory_space<vmem>>
        %dma_start3A_92 = arith.constant 0 : i32
        %dma_start3A_93 = arith.constant 0 : i32
        %dma_start3A_94 = tpu.memref_slice %arg15[%dma_start3A_92, %dma_start3A_93] : memref<10240x64xf32, #tpu.memory_space<vmem_shared>> -> memref<10240x64xf32, #tpu.memory_space<vmem_shared>>
        tpu.enqueue_indirect_dma source(%arg13 : memref<128x64xf32, #tpu.memory_space<vmem>>) target(%dma_start3A_94 : memref<10240x64xf32, #tpu.memory_space<vmem_shared>>) offsets(%dma_start3A_91 : memref<128xi32, #tpu.memory_space<vmem>>) semaphore(%run_scoped3A : memref<!tpu.dma_semaphore, #tpu.memory_space<semaphore_mem>>) {add = true}
        %dma_wait3A_95 = arith.constant 0 : i32
        %dma_wait3A_96 = tpu.memref_slice %arg12[%mul3A_59, %dma_wait3A_95] : memref<80x128xi32, #tpu.memory_space<vmem>> -> memref<1x128xi32, #tpu.memory_space<vmem>>
        %dma_wait3A_97 = tpu.memref_squeeze %dma_wait3A_96 : memref<1x128xi32, #tpu.memory_space<vmem>> -> memref<128xi32, #tpu.memory_space<vmem>>
        %dma_wait3A_98 = arith.constant 0 : i32
        %dma_wait3A_99 = arith.constant 0 : i32
        %dma_wait3A_100 = tpu.memref_slice %arg15[%dma_wait3A_98, %dma_wait3A_99] : memref<10240x64xf32, #tpu.memory_space<vmem_shared>> -> memref<10240x64xf32, #tpu.memory_space<vmem_shared>>
        tpu.wait_indirect_dma semaphore(%run_scoped3A : memref<!tpu.dma_semaphore, #tpu.memory_space<semaphore_mem>>) src(%arg13 : memref<128x64xf32, #tpu.memory_space<vmem>>) dst(%dma_wait3A_100 : memref<10240x64xf32, #tpu.memory_space<vmem_shared>>)
        tpu.yield
      }) : () -> ()
      %add3A_73 = arith.constant 2 : i32
      %add3A_74 = arith.addi %mul3A_59, %add3A_73 : i32
      %lt3A = arith.constant 80 : i32
      %lt3A_75 = arith.cmpi slt, %add3A_74, %lt3A : i32
      %convert_element_type3A_76 = arith.extui %lt3A_75 : i1 to i32
      %cond3A_77 = arith.constant 0 : i32
      %cond3A_78 = arith.cmpi ne, %convert_element_type3A_76, %cond3A_77 : i32
      scf.if %cond3A_78 {
        %add3A_89 = arith.constant 2 : i32
        %add3A_90 = arith.addi %mul3A_59, %add3A_89 : i32
        %dma_start3A_91 = arith.constant 0 : i32
        %dma_start3A_92 = tpu.memref_slice %arg11[%add3A_90, %dma_start3A_91] : memref<80x128xi32, #tpu.memory_space<vmem>> -> memref<1x128xi32, #tpu.memory_space<vmem>>
        %dma_start3A_93 = tpu.memref_squeeze %dma_start3A_92 : memref<1x128xi32, #tpu.memory_space<vmem>> -> memref<128xi32, #tpu.memory_space<vmem>>
        %dma_start3A_94 = arith.constant 0 : i32
        %dma_start3A_95 = arith.constant 0 : i32
        %dma_start3A_96 = tpu.memref_slice %arg2[%dma_start3A_94, %dma_start3A_95] : memref<10240x64xf32, #tpu.memory_space<hbm>> -> memref<10240x64xf32, #tpu.memory_space<hbm>>
        tpu.enqueue_indirect_dma source(%dma_start3A_96 : memref<10240x64xf32, #tpu.memory_space<hbm>>) target(%arg13 : memref<128x64xf32, #tpu.memory_space<vmem>>) offsets(%dma_start3A_93 : memref<128xi32, #tpu.memory_space<vmem>>) semaphore(%arg16 : memref<!tpu.dma_semaphore, #tpu.memory_space<semaphore_mem>>)
      } else {
      }
      %add3A_79 = arith.constant 1 : i32
      %add3A_80 = arith.addi %mul3A_59, %add3A_79 : i32
      %dma_wait3A_81 = arith.constant 0 : i32
      %dma_wait3A_82 = tpu.memref_slice %arg11[%add3A_80, %dma_wait3A_81] : memref<80x128xi32, #tpu.memory_space<vmem>> -> memref<1x128xi32, #tpu.memory_space<vmem>>
      %dma_wait3A_83 = tpu.memref_squeeze %dma_wait3A_82 : memref<1x128xi32, #tpu.memory_space<vmem>> -> memref<128xi32, #tpu.memory_space<vmem>>
      %dma_wait3A_84 = arith.constant 0 : i32
      %dma_wait3A_85 = arith.constant 0 : i32
      %dma_wait3A_86 = tpu.memref_slice %arg2[%dma_wait3A_84, %dma_wait3A_85] : memref<10240x64xf32, #tpu.memory_space<hbm>> -> memref<10240x64xf32, #tpu.memory_space<hbm>>
      tpu.wait_indirect_dma semaphore(%arg17 : memref<!tpu.dma_semaphore, #tpu.memory_space<semaphore_mem>>) src(%dma_wait3A_86 : memref<10240x64xf32, #tpu.memory_space<hbm>>) dst(%arg14 : memref<128x64xf32, #tpu.memory_space<vmem>>)
      %add3A_87 = arith.constant 1 : i32
      %add3A_88 = arith.addi %mul3A_59, %add3A_87 : i32
      "tpu.region"() ({
        %run_scoped3A = tpu.sem_alloc : memref<!tpu.dma_semaphore, #tpu.memory_space<semaphore_mem>>
        %dma_start3A_89 = arith.constant 0 : i32
        %dma_start3A_90 = tpu.memref_slice %arg12[%add3A_88, %dma_start3A_89] : memref<80x128xi32, #tpu.memory_space<vmem>> -> memref<1x128xi32, #tpu.memory_space<vmem>>
        %dma_start3A_91 = tpu.memref_squeeze %dma_start3A_90 : memref<1x128xi32, #tpu.memory_space<vmem>> -> memref<128xi32, #tpu.memory_space<vmem>>
        %dma_start3A_92 = arith.constant 0 : i32
        %dma_start3A_93 = arith.constant 0 : i32
        %dma_start3A_94 = tpu.memref_slice %arg15[%dma_start3A_92, %dma_start3A_93] : memref<10240x64xf32, #tpu.memory_space<vmem_shared>> -> memref<10240x64xf32, #tpu.memory_space<vmem_shared>>
        tpu.enqueue_indirect_dma source(%arg14 : memref<128x64xf32, #tpu.memory_space<vmem>>) target(%dma_start3A_94 : memref<10240x64xf32, #tpu.memory_space<vmem_shared>>) offsets(%dma_start3A_91 : memref<128xi32, #tpu.memory_space<vmem>>) semaphore(%run_scoped3A : memref<!tpu.dma_semaphore, #tpu.memory_space<semaphore_mem>>) {add = true}
        %dma_wait3A_95 = arith.constant 0 : i32
        %dma_wait3A_96 = tpu.memref_slice %arg12[%add3A_88, %dma_wait3A_95] : memref<80x128xi32, #tpu.memory_space<vmem>> -> memref<1x128xi32, #tpu.memory_space<vmem>>
        %dma_wait3A_97 = tpu.memref_squeeze %dma_wait3A_96 : memref<1x128xi32, #tpu.memory_space<vmem>> -> memref<128xi32, #tpu.memory_space<vmem>>
        %dma_wait3A_98 = arith.constant 0 : i32
        %dma_wait3A_99 = arith.constant 0 : i32
        %dma_wait3A_100 = tpu.memref_slice %arg15[%dma_wait3A_98, %dma_wait3A_99] : memref<10240x64xf32, #tpu.memory_space<vmem_shared>> -> memref<10240x64xf32, #tpu.memory_space<vmem_shared>>
        tpu.wait_indirect_dma semaphore(%run_scoped3A : memref<!tpu.dma_semaphore, #tpu.memory_space<semaphore_mem>>) src(%arg14 : memref<128x64xf32, #tpu.memory_space<vmem>>) dst(%dma_wait3A_100 : memref<10240x64xf32, #tpu.memory_space<vmem_shared>>)
        tpu.yield
      }) : () -> ()
    }
    %scan3A_21 = arith.constant 40 : i32
    %barrier3A_22 = arith.constant 0 : index
    tpu.barrier barrier_id(%barrier3A_22)
    %eq3A = arith.constant 0 : i32
    %eq3A_23 = arith.cmpi eq, %arg0, %eq3A : i32
    %convert_element_type3A = arith.extui %eq3A_23 : i1 to i32
    %cond3A = arith.constant 0 : i32
    %cond3A_24 = arith.cmpi ne, %convert_element_type3A, %cond3A : i32
    scf.if %cond3A_24 {
      "tpu.region"() ({
        %run_scoped3A = tpu.sem_alloc : memref<!tpu.dma_semaphore, #tpu.memory_space<semaphore_mem>>
        %dma_start3A_57 = arith.constant 0 : i32
        %dma_start3A_58 = tpu.memref_slice %arg6[%mul3A_2, %dma_start3A_57] : memref<10240x64xf32, #tpu.memory_space<hbm>> -> memref<640x64xf32, #tpu.memory_space<hbm>>
        %dma_start3A_59 = arith.constant 0 : i32
        %dma_start3A_60 = tpu.memref_slice %arg15[%mul3A_2, %dma_start3A_59] : memref<10240x64xf32, #tpu.memory_space<vmem_shared>> -> memref<640x64xf32, #tpu.memory_space<vmem_shared>>
        tpu.enqueue_dma source(%dma_start3A_60 : memref<640x64xf32, #tpu.memory_space<vmem_shared>>) target(%dma_start3A_58 : memref<640x64xf32, #tpu.memory_space<hbm>>) target_semaphore(%run_scoped3A : memref<!tpu.dma_semaphore, #tpu.memory_space<semaphore_mem>>)
        %dma_wait3A = arith.constant 0 : i32
        %dma_wait3A_61 = tpu.memref_slice %arg6[%mul3A_2, %dma_wait3A] : memref<10240x64xf32, #tpu.memory_space<hbm>> -> memref<640x64xf32, #tpu.memory_space<hbm>>
        %dma_wait3A_62 = arith.constant 0 : i32
        %dma_wait3A_63 = tpu.memref_slice %arg15[%mul3A_2, %dma_wait3A_62] : memref<10240x64xf32, #tpu.memory_space<vmem_shared>> -> memref<640x64xf32, #tpu.memory_space<vmem_shared>>
        tpu.wait_dma2 semaphore(%run_scoped3A : memref<!tpu.dma_semaphore, #tpu.memory_space<semaphore_mem>>) src(%dma_wait3A_63 : memref<640x64xf32, #tpu.memory_space<vmem_shared>>) dst(%dma_wait3A_61 : memref<640x64xf32, #tpu.memory_space<hbm>>)
        tpu.yield
      }) : () -> ()
    } else {
    }
    %eq3A_25 = arith.constant 1 : i32
    %eq3A_26 = arith.cmpi eq, %arg0, %eq3A_25 : i32
    %convert_element_type3A_27 = arith.extui %eq3A_26 : i1 to i32
    %cond3A_28 = arith.constant 0 : i32
    %cond3A_29 = arith.cmpi ne, %convert_element_type3A_27, %cond3A_28 : i32
    scf.if %cond3A_29 {
      "tpu.region"() ({
        %run_scoped3A = tpu.sem_alloc : memref<!tpu.dma_semaphore, #tpu.memory_space<semaphore_mem>>
        %dma_start3A_57 = arith.constant 0 : i32
        %dma_start3A_58 = tpu.memref_slice %arg8[%mul3A_2, %dma_start3A_57] : memref<10240x64xf32, #tpu.memory_space<hbm>> -> memref<640x64xf32, #tpu.memory_space<hbm>>
        %dma_start3A_59 = arith.constant 0 : i32
        %dma_start3A_60 = tpu.memref_slice %arg15[%mul3A_2, %dma_start3A_59] : memref<10240x64xf32, #tpu.memory_space<vmem_shared>> -> memref<640x64xf32, #tpu.memory_space<vmem_shared>>
        tpu.enqueue_dma source(%dma_start3A_60 : memref<640x64xf32, #tpu.memory_space<vmem_shared>>) target(%dma_start3A_58 : memref<640x64xf32, #tpu.memory_space<hbm>>) target_semaphore(%run_scoped3A : memref<!tpu.dma_semaphore, #tpu.memory_space<semaphore_mem>>)
        %dma_wait3A = arith.constant 0 : i32
        %dma_wait3A_61 = tpu.memref_slice %arg8[%mul3A_2, %dma_wait3A] : memref<10240x64xf32, #tpu.memory_space<hbm>> -> memref<640x64xf32, #tpu.memory_space<hbm>>
        %dma_wait3A_62 = arith.constant 0 : i32
        %dma_wait3A_63 = tpu.memref_slice %arg15[%mul3A_2, %dma_wait3A_62] : memref<10240x64xf32, #tpu.memory_space<vmem_shared>> -> memref<640x64xf32, #tpu.memory_space<vmem_shared>>
        tpu.wait_dma2 semaphore(%run_scoped3A : memref<!tpu.dma_semaphore, #tpu.memory_space<semaphore_mem>>) src(%dma_wait3A_63 : memref<640x64xf32, #tpu.memory_space<vmem_shared>>) dst(%dma_wait3A_61 : memref<640x64xf32, #tpu.memory_space<hbm>>)
        tpu.yield
      }) : () -> ()
    } else {
    }
    %barrier3A_30 = arith.constant 0 : index
    tpu.barrier barrier_id(%barrier3A_30)
    "tpu.region"() ({
      %run_scoped3A = tpu.sem_alloc : memref<!tpu.dma_semaphore, #tpu.memory_space<semaphore_mem>>
      %dma_start3A_57 = arith.constant 0 : i32
      %dma_start3A_58 = tpu.memref_slice %arg15[%mul3A_2, %dma_start3A_57] : memref<10240x64xf32, #tpu.memory_space<vmem_shared>> -> memref<640x64xf32, #tpu.memory_space<vmem_shared>>
      %dma_start3A_59 = arith.constant 0 : i32
      %dma_start3A_60 = tpu.memref_slice %arg5[%mul3A_2, %dma_start3A_59] : memref<10240x64xf32, #tpu.memory_space<hbm>> -> memref<640x64xf32, #tpu.memory_space<hbm>>
      tpu.enqueue_dma source(%dma_start3A_60 : memref<640x64xf32, #tpu.memory_space<hbm>>) target(%dma_start3A_58 : memref<640x64xf32, #tpu.memory_space<vmem_shared>>) target_semaphore(%run_scoped3A : memref<!tpu.dma_semaphore, #tpu.memory_space<semaphore_mem>>)
      %dma_wait3A = arith.constant 0 : i32
      %dma_wait3A_61 = tpu.memref_slice %arg15[%mul3A_2, %dma_wait3A] : memref<10240x64xf32, #tpu.memory_space<vmem_shared>> -> memref<640x64xf32, #tpu.memory_space<vmem_shared>>
      %dma_wait3A_62 = arith.constant 0 : i32
      %dma_wait3A_63 = tpu.memref_slice %arg5[%mul3A_2, %dma_wait3A_62] : memref<10240x64xf32, #tpu.memory_space<hbm>> -> memref<640x64xf32, #tpu.memory_space<hbm>>
      tpu.wait_dma2 semaphore(%run_scoped3A : memref<!tpu.dma_semaphore, #tpu.memory_space<semaphore_mem>>) src(%dma_wait3A_63 : memref<640x64xf32, #tpu.memory_space<hbm>>) dst(%dma_wait3A_61 : memref<640x64xf32, #tpu.memory_space<vmem_shared>>)
      tpu.yield
    }) : () -> ()
    %barrier3A_31 = arith.constant 0 : index
    tpu.barrier barrier_id(%barrier3A_31)
    %dma_start3A_32 = arith.constant 0 : i32
    %dma_start3A_33 = arith.constant 0 : i32
    %dma_start3A_34 = tpu.memref_slice %arg11[%dma_start3A_32, %dma_start3A_33] : memref<80x128xi32, #tpu.memory_space<vmem>> -> memref<1x128xi32, #tpu.memory_space<vmem>>
    %dma_start3A_35 = tpu.memref_squeeze %dma_start3A_34 : memref<1x128xi32, #tpu.memory_space<vmem>> -> memref<128xi32, #tpu.memory_space<vmem>>
    %dma_start3A_36 = arith.constant 0 : i32
    %dma_start3A_37 = arith.constant 0 : i32
    %dma_start3A_38 = tpu.memref_slice %arg3[%dma_start3A_36, %dma_start3A_37] : memref<10240x64xf32, #tpu.memory_space<hbm>> -> memref<10240x64xf32, #tpu.memory_space<hbm>>
    tpu.enqueue_indirect_dma source(%dma_start3A_38 : memref<10240x64xf32, #tpu.memory_space<hbm>>) target(%arg13 : memref<128x64xf32, #tpu.memory_space<vmem>>) offsets(%dma_start3A_35 : memref<128xi32, #tpu.memory_space<vmem>>) semaphore(%arg16 : memref<!tpu.dma_semaphore, #tpu.memory_space<semaphore_mem>>)
    %scan3A_39 = arith.constant 0 : i32
    %scan3A_40 = arith.constant 0 : i32
    %scan3A_41 = arith.constant 40 : i32
    %scan3A_42 = arith.addi %scan3A_40, %scan3A_41 : i32
    %scan3A_43 = arith.constant 1 : i32
    scf.for %scan3A_57 = %scan3A_40 to %scan3A_42 step %scan3A_43  : i32 {
      %mul3A_58 = arith.constant 2 : i32
      %mul3A_59 = arith.muli %mul3A_58, %scan3A_57 : i32
      %add3A_60 = arith.constant 1 : i32
      %add3A_61 = arith.addi %mul3A_59, %add3A_60 : i32
      %dma_start3A_62 = arith.constant 0 : i32
      %dma_start3A_63 = tpu.memref_slice %arg11[%add3A_61, %dma_start3A_62] : memref<80x128xi32, #tpu.memory_space<vmem>> -> memref<1x128xi32, #tpu.memory_space<vmem>>
      %dma_start3A_64 = tpu.memref_squeeze %dma_start3A_63 : memref<1x128xi32, #tpu.memory_space<vmem>> -> memref<128xi32, #tpu.memory_space<vmem>>
      %dma_start3A_65 = arith.constant 0 : i32
      %dma_start3A_66 = arith.constant 0 : i32
      %dma_start3A_67 = tpu.memref_slice %arg3[%dma_start3A_65, %dma_start3A_66] : memref<10240x64xf32, #tpu.memory_space<hbm>> -> memref<10240x64xf32, #tpu.memory_space<hbm>>
      tpu.enqueue_indirect_dma source(%dma_start3A_67 : memref<10240x64xf32, #tpu.memory_space<hbm>>) target(%arg14 : memref<128x64xf32, #tpu.memory_space<vmem>>) offsets(%dma_start3A_64 : memref<128xi32, #tpu.memory_space<vmem>>) semaphore(%arg17 : memref<!tpu.dma_semaphore, #tpu.memory_space<semaphore_mem>>)
      %dma_wait3A = arith.constant 0 : i32
      %dma_wait3A_68 = tpu.memref_slice %arg11[%mul3A_59, %dma_wait3A] : memref<80x128xi32, #tpu.memory_space<vmem>> -> memref<1x128xi32, #tpu.memory_space<vmem>>
      %dma_wait3A_69 = tpu.memref_squeeze %dma_wait3A_68 : memref<1x128xi32, #tpu.memory_space<vmem>> -> memref<128xi32, #tpu.memory_space<vmem>>
      %dma_wait3A_70 = arith.constant 0 : i32
      %dma_wait3A_71 = arith.constant 0 : i32
      %dma_wait3A_72 = tpu.memref_slice %arg3[%dma_wait3A_70, %dma_wait3A_71] : memref<10240x64xf32, #tpu.memory_space<hbm>> -> memref<10240x64xf32, #tpu.memory_space<hbm>>
      tpu.wait_indirect_dma semaphore(%arg16 : memref<!tpu.dma_semaphore, #tpu.memory_space<semaphore_mem>>) src(%dma_wait3A_72 : memref<10240x64xf32, #tpu.memory_space<hbm>>) dst(%arg13 : memref<128x64xf32, #tpu.memory_space<vmem>>)
      "tpu.region"() ({
        %run_scoped3A = tpu.sem_alloc : memref<!tpu.dma_semaphore, #tpu.memory_space<semaphore_mem>>
        %dma_start3A_89 = arith.constant 0 : i32
        %dma_start3A_90 = tpu.memref_slice %arg12[%mul3A_59, %dma_start3A_89] : memref<80x128xi32, #tpu.memory_space<vmem>> -> memref<1x128xi32, #tpu.memory_space<vmem>>
        %dma_start3A_91 = tpu.memref_squeeze %dma_start3A_90 : memref<1x128xi32, #tpu.memory_space<vmem>> -> memref<128xi32, #tpu.memory_space<vmem>>
        %dma_start3A_92 = arith.constant 0 : i32
        %dma_start3A_93 = arith.constant 0 : i32
        %dma_start3A_94 = tpu.memref_slice %arg15[%dma_start3A_92, %dma_start3A_93] : memref<10240x64xf32, #tpu.memory_space<vmem_shared>> -> memref<10240x64xf32, #tpu.memory_space<vmem_shared>>
        tpu.enqueue_indirect_dma source(%arg13 : memref<128x64xf32, #tpu.memory_space<vmem>>) target(%dma_start3A_94 : memref<10240x64xf32, #tpu.memory_space<vmem_shared>>) offsets(%dma_start3A_91 : memref<128xi32, #tpu.memory_space<vmem>>) semaphore(%run_scoped3A : memref<!tpu.dma_semaphore, #tpu.memory_space<semaphore_mem>>) {add = true}
        %dma_wait3A_95 = arith.constant 0 : i32
        %dma_wait3A_96 = tpu.memref_slice %arg12[%mul3A_59, %dma_wait3A_95] : memref<80x128xi32, #tpu.memory_space<vmem>> -> memref<1x128xi32, #tpu.memory_space<vmem>>
        %dma_wait3A_97 = tpu.memref_squeeze %dma_wait3A_96 : memref<1x128xi32, #tpu.memory_space<vmem>> -> memref<128xi32, #tpu.memory_space<vmem>>
        %dma_wait3A_98 = arith.constant 0 : i32
        %dma_wait3A_99 = arith.constant 0 : i32
        %dma_wait3A_100 = tpu.memref_slice %arg15[%dma_wait3A_98, %dma_wait3A_99] : memref<10240x64xf32, #tpu.memory_space<vmem_shared>> -> memref<10240x64xf32, #tpu.memory_space<vmem_shared>>
        tpu.wait_indirect_dma semaphore(%run_scoped3A : memref<!tpu.dma_semaphore, #tpu.memory_space<semaphore_mem>>) src(%arg13 : memref<128x64xf32, #tpu.memory_space<vmem>>) dst(%dma_wait3A_100 : memref<10240x64xf32, #tpu.memory_space<vmem_shared>>)
        tpu.yield
      }) : () -> ()
      %add3A_73 = arith.constant 2 : i32
      %add3A_74 = arith.addi %mul3A_59, %add3A_73 : i32
      %lt3A = arith.constant 80 : i32
      %lt3A_75 = arith.cmpi slt, %add3A_74, %lt3A : i32
      %convert_element_type3A_76 = arith.extui %lt3A_75 : i1 to i32
      %cond3A_77 = arith.constant 0 : i32
      %cond3A_78 = arith.cmpi ne, %convert_element_type3A_76, %cond3A_77 : i32
      scf.if %cond3A_78 {
        %add3A_89 = arith.constant 2 : i32
        %add3A_90 = arith.addi %mul3A_59, %add3A_89 : i32
        %dma_start3A_91 = arith.constant 0 : i32
        %dma_start3A_92 = tpu.memref_slice %arg11[%add3A_90, %dma_start3A_91] : memref<80x128xi32, #tpu.memory_space<vmem>> -> memref<1x128xi32, #tpu.memory_space<vmem>>
        %dma_start3A_93 = tpu.memref_squeeze %dma_start3A_92 : memref<1x128xi32, #tpu.memory_space<vmem>> -> memref<128xi32, #tpu.memory_space<vmem>>
        %dma_start3A_94 = arith.constant 0 : i32
        %dma_start3A_95 = arith.constant 0 : i32
        %dma_start3A_96 = tpu.memref_slice %arg3[%dma_start3A_94, %dma_start3A_95] : memref<10240x64xf32, #tpu.memory_space<hbm>> -> memref<10240x64xf32, #tpu.memory_space<hbm>>
        tpu.enqueue_indirect_dma source(%dma_start3A_96 : memref<10240x64xf32, #tpu.memory_space<hbm>>) target(%arg13 : memref<128x64xf32, #tpu.memory_space<vmem>>) offsets(%dma_start3A_93 : memref<128xi32, #tpu.memory_space<vmem>>) semaphore(%arg16 : memref<!tpu.dma_semaphore, #tpu.memory_space<semaphore_mem>>)
      } else {
      }
      %add3A_79 = arith.constant 1 : i32
      %add3A_80 = arith.addi %mul3A_59, %add3A_79 : i32
      %dma_wait3A_81 = arith.constant 0 : i32
      %dma_wait3A_82 = tpu.memref_slice %arg11[%add3A_80, %dma_wait3A_81] : memref<80x128xi32, #tpu.memory_space<vmem>> -> memref<1x128xi32, #tpu.memory_space<vmem>>
      %dma_wait3A_83 = tpu.memref_squeeze %dma_wait3A_82 : memref<1x128xi32, #tpu.memory_space<vmem>> -> memref<128xi32, #tpu.memory_space<vmem>>
      %dma_wait3A_84 = arith.constant 0 : i32
      %dma_wait3A_85 = arith.constant 0 : i32
      %dma_wait3A_86 = tpu.memref_slice %arg3[%dma_wait3A_84, %dma_wait3A_85] : memref<10240x64xf32, #tpu.memory_space<hbm>> -> memref<10240x64xf32, #tpu.memory_space<hbm>>
      tpu.wait_indirect_dma semaphore(%arg17 : memref<!tpu.dma_semaphore, #tpu.memory_space<semaphore_mem>>) src(%dma_wait3A_86 : memref<10240x64xf32, #tpu.memory_space<hbm>>) dst(%arg14 : memref<128x64xf32, #tpu.memory_space<vmem>>)
      %add3A_87 = arith.constant 1 : i32
      %add3A_88 = arith.addi %mul3A_59, %add3A_87 : i32
      "tpu.region"() ({
        %run_scoped3A = tpu.sem_alloc : memref<!tpu.dma_semaphore, #tpu.memory_space<semaphore_mem>>
        %dma_start3A_89 = arith.constant 0 : i32
        %dma_start3A_90 = tpu.memref_slice %arg12[%add3A_88, %dma_start3A_89] : memref<80x128xi32, #tpu.memory_space<vmem>> -> memref<1x128xi32, #tpu.memory_space<vmem>>
        %dma_start3A_91 = tpu.memref_squeeze %dma_start3A_90 : memref<1x128xi32, #tpu.memory_space<vmem>> -> memref<128xi32, #tpu.memory_space<vmem>>
        %dma_start3A_92 = arith.constant 0 : i32
        %dma_start3A_93 = arith.constant 0 : i32
        %dma_start3A_94 = tpu.memref_slice %arg15[%dma_start3A_92, %dma_start3A_93] : memref<10240x64xf32, #tpu.memory_space<vmem_shared>> -> memref<10240x64xf32, #tpu.memory_space<vmem_shared>>
        tpu.enqueue_indirect_dma source(%arg14 : memref<128x64xf32, #tpu.memory_space<vmem>>) target(%dma_start3A_94 : memref<10240x64xf32, #tpu.memory_space<vmem_shared>>) offsets(%dma_start3A_91 : memref<128xi32, #tpu.memory_space<vmem>>) semaphore(%run_scoped3A : memref<!tpu.dma_semaphore, #tpu.memory_space<semaphore_mem>>) {add = true}
        %dma_wait3A_95 = arith.constant 0 : i32
        %dma_wait3A_96 = tpu.memref_slice %arg12[%add3A_88, %dma_wait3A_95] : memref<80x128xi32, #tpu.memory_space<vmem>> -> memref<1x128xi32, #tpu.memory_space<vmem>>
        %dma_wait3A_97 = tpu.memref_squeeze %dma_wait3A_96 : memref<1x128xi32, #tpu.memory_space<vmem>> -> memref<128xi32, #tpu.memory_space<vmem>>
        %dma_wait3A_98 = arith.constant 0 : i32
        %dma_wait3A_99 = arith.constant 0 : i32
        %dma_wait3A_100 = tpu.memref_slice %arg15[%dma_wait3A_98, %dma_wait3A_99] : memref<10240x64xf32, #tpu.memory_space<vmem_shared>> -> memref<10240x64xf32, #tpu.memory_space<vmem_shared>>
        tpu.wait_indirect_dma semaphore(%run_scoped3A : memref<!tpu.dma_semaphore, #tpu.memory_space<semaphore_mem>>) src(%arg14 : memref<128x64xf32, #tpu.memory_space<vmem>>) dst(%dma_wait3A_100 : memref<10240x64xf32, #tpu.memory_space<vmem_shared>>)
        tpu.yield
      }) : () -> ()
    }
    %scan3A_44 = arith.constant 40 : i32
    %barrier3A_45 = arith.constant 0 : index
    tpu.barrier barrier_id(%barrier3A_45)
    %eq3A_46 = arith.constant 0 : i32
    %eq3A_47 = arith.cmpi eq, %arg0, %eq3A_46 : i32
    %convert_element_type3A_48 = arith.extui %eq3A_47 : i1 to i32
    %cond3A_49 = arith.constant 0 : i32
    %cond3A_50 = arith.cmpi ne, %convert_element_type3A_48, %cond3A_49 : i32
    scf.if %cond3A_50 {
      "tpu.region"() ({
        %run_scoped3A = tpu.sem_alloc : memref<!tpu.dma_semaphore, #tpu.memory_space<semaphore_mem>>
        %dma_start3A_57 = arith.constant 0 : i32
        %dma_start3A_58 = tpu.memref_slice %arg7[%mul3A_2, %dma_start3A_57] : memref<10240x64xf32, #tpu.memory_space<hbm>> -> memref<640x64xf32, #tpu.memory_space<hbm>>
        %dma_start3A_59 = arith.constant 0 : i32
        %dma_start3A_60 = tpu.memref_slice %arg15[%mul3A_2, %dma_start3A_59] : memref<10240x64xf32, #tpu.memory_space<vmem_shared>> -> memref<640x64xf32, #tpu.memory_space<vmem_shared>>
        tpu.enqueue_dma source(%dma_start3A_60 : memref<640x64xf32, #tpu.memory_space<vmem_shared>>) target(%dma_start3A_58 : memref<640x64xf32, #tpu.memory_space<hbm>>) target_semaphore(%run_scoped3A : memref<!tpu.dma_semaphore, #tpu.memory_space<semaphore_mem>>)
        %dma_wait3A = arith.constant 0 : i32
        %dma_wait3A_61 = tpu.memref_slice %arg7[%mul3A_2, %dma_wait3A] : memref<10240x64xf32, #tpu.memory_space<hbm>> -> memref<640x64xf32, #tpu.memory_space<hbm>>
        %dma_wait3A_62 = arith.constant 0 : i32
        %dma_wait3A_63 = tpu.memref_slice %arg15[%mul3A_2, %dma_wait3A_62] : memref<10240x64xf32, #tpu.memory_space<vmem_shared>> -> memref<640x64xf32, #tpu.memory_space<vmem_shared>>
        tpu.wait_dma2 semaphore(%run_scoped3A : memref<!tpu.dma_semaphore, #tpu.memory_space<semaphore_mem>>) src(%dma_wait3A_63 : memref<640x64xf32, #tpu.memory_space<vmem_shared>>) dst(%dma_wait3A_61 : memref<640x64xf32, #tpu.memory_space<hbm>>)
        tpu.yield
      }) : () -> ()
    } else {
    }
    %eq3A_51 = arith.constant 1 : i32
    %eq3A_52 = arith.cmpi eq, %arg0, %eq3A_51 : i32
    %convert_element_type3A_53 = arith.extui %eq3A_52 : i1 to i32
    %cond3A_54 = arith.constant 0 : i32
    %cond3A_55 = arith.cmpi ne, %convert_element_type3A_53, %cond3A_54 : i32
    scf.if %cond3A_55 {
      "tpu.region"() ({
        %run_scoped3A = tpu.sem_alloc : memref<!tpu.dma_semaphore, #tpu.memory_space<semaphore_mem>>
        %dma_start3A_57 = arith.constant 0 : i32
        %dma_start3A_58 = tpu.memref_slice %arg9[%mul3A_2, %dma_start3A_57] : memref<10240x64xf32, #tpu.memory_space<hbm>> -> memref<640x64xf32, #tpu.memory_space<hbm>>
        %dma_start3A_59 = arith.constant 0 : i32
        %dma_start3A_60 = tpu.memref_slice %arg15[%mul3A_2, %dma_start3A_59] : memref<10240x64xf32, #tpu.memory_space<vmem_shared>> -> memref<640x64xf32, #tpu.memory_space<vmem_shared>>
        tpu.enqueue_dma source(%dma_start3A_60 : memref<640x64xf32, #tpu.memory_space<vmem_shared>>) target(%dma_start3A_58 : memref<640x64xf32, #tpu.memory_space<hbm>>) target_semaphore(%run_scoped3A : memref<!tpu.dma_semaphore, #tpu.memory_space<semaphore_mem>>)
        %dma_wait3A = arith.constant 0 : i32
        %dma_wait3A_61 = tpu.memref_slice %arg9[%mul3A_2, %dma_wait3A] : memref<10240x64xf32, #tpu.memory_space<hbm>> -> memref<640x64xf32, #tpu.memory_space<hbm>>
        %dma_wait3A_62 = arith.constant 0 : i32
        %dma_wait3A_63 = tpu.memref_slice %arg15[%mul3A_2, %dma_wait3A_62] : memref<10240x64xf32, #tpu.memory_space<vmem_shared>> -> memref<640x64xf32, #tpu.memory_space<vmem_shared>>
        tpu.wait_dma2 semaphore(%run_scoped3A : memref<!tpu.dma_semaphore, #tpu.memory_space<semaphore_mem>>) src(%dma_wait3A_63 : memref<640x64xf32, #tpu.memory_space<vmem_shared>>) dst(%dma_wait3A_61 : memref<640x64xf32, #tpu.memory_space<hbm>>)
        tpu.yield
      }) : () -> ()
    } else {
    }
    %barrier3A_56 = arith.constant 0 : index
    tpu.barrier barrier_id(%barrier3A_56)
    return
  }
}

#map = affine_map<(d0, d1) -> (0, 0)>
#map1 = affine_map<(d0, d1) -> (0)>
module attributes {stable_mosaic.version = 14 : i64} {
  func.func @_gather_kernel(%arg0: i32, %arg1: i32, %arg2: memref<10240x64xf32, #tpu.memory_space<hbm>>, %arg3: memref<10240x64xf32, #tpu.memory_space<hbm>>, %arg4: memref<10240x64xf32, #tpu.memory_space<hbm>>, %arg5: memref<10240x64xf32, #tpu.memory_space<hbm>>, %arg6: memref<10240x64xf32, #tpu.memory_space<hbm>>, %arg7: memref<10240x64xf32, #tpu.memory_space<hbm>>, %arg8: memref<10240x16xf32, #tpu.memory_space<hbm>>, %arg9: memref<1024xi32, #tpu.memory_space<hbm>>, %arg10: memref<1024x64xf32, #tpu.memory_space<hbm>>, %arg11: memref<1024x64xf32, #tpu.memory_space<hbm>>, %arg12: memref<1024x64xf32, #tpu.memory_space<hbm>>, %arg13: memref<1024x64xf32, #tpu.memory_space<hbm>>, %arg14: memref<1024x64xf32, #tpu.memory_space<hbm>>, %arg15: memref<1024x64xf32, #tpu.memory_space<hbm>>, %arg16: memref<1024x16xf32, #tpu.memory_space<hbm>>, %arg17: memref<32xi32, #tpu.memory_space<vmem>>, %arg18: memref<32x64xf32, #tpu.memory_space<vmem>>, %arg19: memref<32x16xf32, #tpu.memory_space<vmem>>, %arg20: memref<!tpu.dma_semaphore, #tpu.memory_space<semaphore_mem>>) attributes {dimension_semantics = [#tpu.dimension_semantics<core_parallel>, #tpu.dimension_semantics<subcore_parallel>], iteration_bounds = array<i64: 2, 16>, scalar_prefetch = 0 : i64, scratch_operands = 4 : i64, tpu.core_type = #tpu.core_type<sc_vector_subcore>, window_params = [{transform_indices = #map}, {transform_indices = #map}, {transform_indices = #map}, {transform_indices = #map}, {transform_indices = #map}, {transform_indices = #map}, {transform_indices = #map}, {transform_indices = #map1}, {transform_indices = #map}, {transform_indices = #map}, {transform_indices = #map}, {transform_indices = #map}, {transform_indices = #map}, {transform_indices = #map}, {transform_indices = #map}]} {
    %mul3A = arith.constant 2 : i32
    %mul3A_0 = arith.muli %arg1, %mul3A : i32
    %add3A = arith.addi %mul3A_0, %arg0 : i32
    %mul3A_1 = arith.constant 32 : i32
    %mul3A_2 = arith.muli %add3A, %mul3A_1 : i32
    "tpu.region"() ({
      %run_scoped3A = tpu.sem_alloc : memref<!tpu.dma_semaphore, #tpu.memory_space<semaphore_mem>>
      %dma_start3A_43 = tpu.memref_slice %arg9[%mul3A_2] : memref<1024xi32, #tpu.memory_space<hbm>> -> memref<32xi32, #tpu.memory_space<hbm>>
      %dma_start3A_44 = tpu.memref_slice %arg9[%mul3A_2] : memref<1024xi32, #tpu.memory_space<hbm>> -> memref<32xi32, #tpu.memory_space<hbm>>
      tpu.enqueue_dma source(%dma_start3A_44 : memref<32xi32, #tpu.memory_space<hbm>>) target(%arg17 : memref<32xi32, #tpu.memory_space<vmem>>) target_semaphore(%run_scoped3A : memref<!tpu.dma_semaphore, #tpu.memory_space<semaphore_mem>>)
      %dma_wait3A_45 = tpu.memref_slice %arg9[%mul3A_2] : memref<1024xi32, #tpu.memory_space<hbm>> -> memref<32xi32, #tpu.memory_space<hbm>>
      %dma_wait3A_46 = tpu.memref_slice %arg9[%mul3A_2] : memref<1024xi32, #tpu.memory_space<hbm>> -> memref<32xi32, #tpu.memory_space<hbm>>
      tpu.wait_dma2 semaphore(%run_scoped3A : memref<!tpu.dma_semaphore, #tpu.memory_space<semaphore_mem>>) src(%dma_wait3A_46 : memref<32xi32, #tpu.memory_space<hbm>>) dst(%arg17 : memref<32xi32, #tpu.memory_space<vmem>>)
      tpu.yield
    }) : () -> ()
    %dma_start3A = arith.constant 0 : i32
    %dma_start3A_3 = arith.constant 0 : i32
    %dma_start3A_4 = tpu.memref_slice %arg2[%dma_start3A, %dma_start3A_3] : memref<10240x64xf32, #tpu.memory_space<hbm>> -> memref<10240x64xf32, #tpu.memory_space<hbm>>
    tpu.enqueue_indirect_dma source(%dma_start3A_4 : memref<10240x64xf32, #tpu.memory_space<hbm>>) target(%arg18 : memref<32x64xf32, #tpu.memory_space<vmem>>) offsets(%arg17 : memref<32xi32, #tpu.memory_space<vmem>>) semaphore(%arg20 : memref<!tpu.dma_semaphore, #tpu.memory_space<semaphore_mem>>)
    %dma_wait3A = arith.constant 0 : i32
    %dma_wait3A_5 = arith.constant 0 : i32
    %dma_wait3A_6 = tpu.memref_slice %arg2[%dma_wait3A, %dma_wait3A_5] : memref<10240x64xf32, #tpu.memory_space<hbm>> -> memref<10240x64xf32, #tpu.memory_space<hbm>>
    tpu.wait_indirect_dma semaphore(%arg20 : memref<!tpu.dma_semaphore, #tpu.memory_space<semaphore_mem>>) src(%dma_wait3A_6 : memref<10240x64xf32, #tpu.memory_space<hbm>>) dst(%arg18 : memref<32x64xf32, #tpu.memory_space<vmem>>)
    "tpu.region"() ({
      %run_scoped3A = tpu.sem_alloc : memref<!tpu.dma_semaphore, #tpu.memory_space<semaphore_mem>>
      %dma_start3A_43 = arith.constant 0 : i32
      %dma_start3A_44 = tpu.memref_slice %arg10[%mul3A_2, %dma_start3A_43] : memref<1024x64xf32, #tpu.memory_space<hbm>> -> memref<32x64xf32, #tpu.memory_space<hbm>>
      %dma_start3A_45 = arith.constant 0 : i32
      %dma_start3A_46 = tpu.memref_slice %arg10[%mul3A_2, %dma_start3A_45] : memref<1024x64xf32, #tpu.memory_space<hbm>> -> memref<32x64xf32, #tpu.memory_space<hbm>>
      tpu.enqueue_dma source(%arg18 : memref<32x64xf32, #tpu.memory_space<vmem>>) target(%dma_start3A_46 : memref<32x64xf32, #tpu.memory_space<hbm>>) target_semaphore(%run_scoped3A : memref<!tpu.dma_semaphore, #tpu.memory_space<semaphore_mem>>)
      %dma_wait3A_47 = arith.constant 0 : i32
      %dma_wait3A_48 = tpu.memref_slice %arg10[%mul3A_2, %dma_wait3A_47] : memref<1024x64xf32, #tpu.memory_space<hbm>> -> memref<32x64xf32, #tpu.memory_space<hbm>>
      %dma_wait3A_49 = arith.constant 0 : i32
      %dma_wait3A_50 = tpu.memref_slice %arg10[%mul3A_2, %dma_wait3A_49] : memref<1024x64xf32, #tpu.memory_space<hbm>> -> memref<32x64xf32, #tpu.memory_space<hbm>>
      tpu.wait_dma2 semaphore(%run_scoped3A : memref<!tpu.dma_semaphore, #tpu.memory_space<semaphore_mem>>) src(%arg18 : memref<32x64xf32, #tpu.memory_space<vmem>>) dst(%dma_wait3A_50 : memref<32x64xf32, #tpu.memory_space<hbm>>)
      tpu.yield
    }) : () -> ()
    %dma_start3A_7 = arith.constant 0 : i32
    %dma_start3A_8 = arith.constant 0 : i32
    %dma_start3A_9 = tpu.memref_slice %arg3[%dma_start3A_7, %dma_start3A_8] : memref<10240x64xf32, #tpu.memory_space<hbm>> -> memref<10240x64xf32, #tpu.memory_space<hbm>>
    tpu.enqueue_indirect_dma source(%dma_start3A_9 : memref<10240x64xf32, #tpu.memory_space<hbm>>) target(%arg18 : memref<32x64xf32, #tpu.memory_space<vmem>>) offsets(%arg17 : memref<32xi32, #tpu.memory_space<vmem>>) semaphore(%arg20 : memref<!tpu.dma_semaphore, #tpu.memory_space<semaphore_mem>>)
    %dma_wait3A_10 = arith.constant 0 : i32
    %dma_wait3A_11 = arith.constant 0 : i32
    %dma_wait3A_12 = tpu.memref_slice %arg3[%dma_wait3A_10, %dma_wait3A_11] : memref<10240x64xf32, #tpu.memory_space<hbm>> -> memref<10240x64xf32, #tpu.memory_space<hbm>>
    tpu.wait_indirect_dma semaphore(%arg20 : memref<!tpu.dma_semaphore, #tpu.memory_space<semaphore_mem>>) src(%dma_wait3A_12 : memref<10240x64xf32, #tpu.memory_space<hbm>>) dst(%arg18 : memref<32x64xf32, #tpu.memory_space<vmem>>)
    "tpu.region"() ({
      %run_scoped3A = tpu.sem_alloc : memref<!tpu.dma_semaphore, #tpu.memory_space<semaphore_mem>>
      %dma_start3A_43 = arith.constant 0 : i32
      %dma_start3A_44 = tpu.memref_slice %arg11[%mul3A_2, %dma_start3A_43] : memref<1024x64xf32, #tpu.memory_space<hbm>> -> memref<32x64xf32, #tpu.memory_space<hbm>>
      %dma_start3A_45 = arith.constant 0 : i32
      %dma_start3A_46 = tpu.memref_slice %arg11[%mul3A_2, %dma_start3A_45] : memref<1024x64xf32, #tpu.memory_space<hbm>> -> memref<32x64xf32, #tpu.memory_space<hbm>>
      tpu.enqueue_dma source(%arg18 : memref<32x64xf32, #tpu.memory_space<vmem>>) target(%dma_start3A_46 : memref<32x64xf32, #tpu.memory_space<hbm>>) target_semaphore(%run_scoped3A : memref<!tpu.dma_semaphore, #tpu.memory_space<semaphore_mem>>)
      %dma_wait3A_47 = arith.constant 0 : i32
      %dma_wait3A_48 = tpu.memref_slice %arg11[%mul3A_2, %dma_wait3A_47] : memref<1024x64xf32, #tpu.memory_space<hbm>> -> memref<32x64xf32, #tpu.memory_space<hbm>>
      %dma_wait3A_49 = arith.constant 0 : i32
      %dma_wait3A_50 = tpu.memref_slice %arg11[%mul3A_2, %dma_wait3A_49] : memref<1024x64xf32, #tpu.memory_space<hbm>> -> memref<32x64xf32, #tpu.memory_space<hbm>>
      tpu.wait_dma2 semaphore(%run_scoped3A : memref<!tpu.dma_semaphore, #tpu.memory_space<semaphore_mem>>) src(%arg18 : memref<32x64xf32, #tpu.memory_space<vmem>>) dst(%dma_wait3A_50 : memref<32x64xf32, #tpu.memory_space<hbm>>)
      tpu.yield
    }) : () -> ()
    %dma_start3A_13 = arith.constant 0 : i32
    %dma_start3A_14 = arith.constant 0 : i32
    %dma_start3A_15 = tpu.memref_slice %arg4[%dma_start3A_13, %dma_start3A_14] : memref<10240x64xf32, #tpu.memory_space<hbm>> -> memref<10240x64xf32, #tpu.memory_space<hbm>>
    tpu.enqueue_indirect_dma source(%dma_start3A_15 : memref<10240x64xf32, #tpu.memory_space<hbm>>) target(%arg18 : memref<32x64xf32, #tpu.memory_space<vmem>>) offsets(%arg17 : memref<32xi32, #tpu.memory_space<vmem>>) semaphore(%arg20 : memref<!tpu.dma_semaphore, #tpu.memory_space<semaphore_mem>>)
    %dma_wait3A_16 = arith.constant 0 : i32
    %dma_wait3A_17 = arith.constant 0 : i32
    %dma_wait3A_18 = tpu.memref_slice %arg4[%dma_wait3A_16, %dma_wait3A_17] : memref<10240x64xf32, #tpu.memory_space<hbm>> -> memref<10240x64xf32, #tpu.memory_space<hbm>>
    tpu.wait_indirect_dma semaphore(%arg20 : memref<!tpu.dma_semaphore, #tpu.memory_space<semaphore_mem>>) src(%dma_wait3A_18 : memref<10240x64xf32, #tpu.memory_space<hbm>>) dst(%arg18 : memref<32x64xf32, #tpu.memory_space<vmem>>)
    "tpu.region"() ({
      %run_scoped3A = tpu.sem_alloc : memref<!tpu.dma_semaphore, #tpu.memory_space<semaphore_mem>>
      %dma_start3A_43 = arith.constant 0 : i32
      %dma_start3A_44 = tpu.memref_slice %arg12[%mul3A_2, %dma_start3A_43] : memref<1024x64xf32, #tpu.memory_space<hbm>> -> memref<32x64xf32, #tpu.memory_space<hbm>>
      %dma_start3A_45 = arith.constant 0 : i32
      %dma_start3A_46 = tpu.memref_slice %arg12[%mul3A_2, %dma_start3A_45] : memref<1024x64xf32, #tpu.memory_space<hbm>> -> memref<32x64xf32, #tpu.memory_space<hbm>>
      tpu.enqueue_dma source(%arg18 : memref<32x64xf32, #tpu.memory_space<vmem>>) target(%dma_start3A_46 : memref<32x64xf32, #tpu.memory_space<hbm>>) target_semaphore(%run_scoped3A : memref<!tpu.dma_semaphore, #tpu.memory_space<semaphore_mem>>)
      %dma_wait3A_47 = arith.constant 0 : i32
      %dma_wait3A_48 = tpu.memref_slice %arg12[%mul3A_2, %dma_wait3A_47] : memref<1024x64xf32, #tpu.memory_space<hbm>> -> memref<32x64xf32, #tpu.memory_space<hbm>>
      %dma_wait3A_49 = arith.constant 0 : i32
      %dma_wait3A_50 = tpu.memref_slice %arg12[%mul3A_2, %dma_wait3A_49] : memref<1024x64xf32, #tpu.memory_space<hbm>> -> memref<32x64xf32, #tpu.memory_space<hbm>>
      tpu.wait_dma2 semaphore(%run_scoped3A : memref<!tpu.dma_semaphore, #tpu.memory_space<semaphore_mem>>) src(%arg18 : memref<32x64xf32, #tpu.memory_space<vmem>>) dst(%dma_wait3A_50 : memref<32x64xf32, #tpu.memory_space<hbm>>)
      tpu.yield
    }) : () -> ()
    %dma_start3A_19 = arith.constant 0 : i32
    %dma_start3A_20 = arith.constant 0 : i32
    %dma_start3A_21 = tpu.memref_slice %arg5[%dma_start3A_19, %dma_start3A_20] : memref<10240x64xf32, #tpu.memory_space<hbm>> -> memref<10240x64xf32, #tpu.memory_space<hbm>>
    tpu.enqueue_indirect_dma source(%dma_start3A_21 : memref<10240x64xf32, #tpu.memory_space<hbm>>) target(%arg18 : memref<32x64xf32, #tpu.memory_space<vmem>>) offsets(%arg17 : memref<32xi32, #tpu.memory_space<vmem>>) semaphore(%arg20 : memref<!tpu.dma_semaphore, #tpu.memory_space<semaphore_mem>>)
    %dma_wait3A_22 = arith.constant 0 : i32
    %dma_wait3A_23 = arith.constant 0 : i32
    %dma_wait3A_24 = tpu.memref_slice %arg5[%dma_wait3A_22, %dma_wait3A_23] : memref<10240x64xf32, #tpu.memory_space<hbm>> -> memref<10240x64xf32, #tpu.memory_space<hbm>>
    tpu.wait_indirect_dma semaphore(%arg20 : memref<!tpu.dma_semaphore, #tpu.memory_space<semaphore_mem>>) src(%dma_wait3A_24 : memref<10240x64xf32, #tpu.memory_space<hbm>>) dst(%arg18 : memref<32x64xf32, #tpu.memory_space<vmem>>)
    "tpu.region"() ({
      %run_scoped3A = tpu.sem_alloc : memref<!tpu.dma_semaphore, #tpu.memory_space<semaphore_mem>>
      %dma_start3A_43 = arith.constant 0 : i32
      %dma_start3A_44 = tpu.memref_slice %arg13[%mul3A_2, %dma_start3A_43] : memref<1024x64xf32, #tpu.memory_space<hbm>> -> memref<32x64xf32, #tpu.memory_space<hbm>>
      %dma_start3A_45 = arith.constant 0 : i32
      %dma_start3A_46 = tpu.memref_slice %arg13[%mul3A_2, %dma_start3A_45] : memref<1024x64xf32, #tpu.memory_space<hbm>> -> memref<32x64xf32, #tpu.memory_space<hbm>>
      tpu.enqueue_dma source(%arg18 : memref<32x64xf32, #tpu.memory_space<vmem>>) target(%dma_start3A_46 : memref<32x64xf32, #tpu.memory_space<hbm>>) target_semaphore(%run_scoped3A : memref<!tpu.dma_semaphore, #tpu.memory_space<semaphore_mem>>)
      %dma_wait3A_47 = arith.constant 0 : i32
      %dma_wait3A_48 = tpu.memref_slice %arg13[%mul3A_2, %dma_wait3A_47] : memref<1024x64xf32, #tpu.memory_space<hbm>> -> memref<32x64xf32, #tpu.memory_space<hbm>>
      %dma_wait3A_49 = arith.constant 0 : i32
      %dma_wait3A_50 = tpu.memref_slice %arg13[%mul3A_2, %dma_wait3A_49] : memref<1024x64xf32, #tpu.memory_space<hbm>> -> memref<32x64xf32, #tpu.memory_space<hbm>>
      tpu.wait_dma2 semaphore(%run_scoped3A : memref<!tpu.dma_semaphore, #tpu.memory_space<semaphore_mem>>) src(%arg18 : memref<32x64xf32, #tpu.memory_space<vmem>>) dst(%dma_wait3A_50 : memref<32x64xf32, #tpu.memory_space<hbm>>)
      tpu.yield
    }) : () -> ()
    %dma_start3A_25 = arith.constant 0 : i32
    %dma_start3A_26 = arith.constant 0 : i32
    %dma_start3A_27 = tpu.memref_slice %arg6[%dma_start3A_25, %dma_start3A_26] : memref<10240x64xf32, #tpu.memory_space<hbm>> -> memref<10240x64xf32, #tpu.memory_space<hbm>>
    tpu.enqueue_indirect_dma source(%dma_start3A_27 : memref<10240x64xf32, #tpu.memory_space<hbm>>) target(%arg18 : memref<32x64xf32, #tpu.memory_space<vmem>>) offsets(%arg17 : memref<32xi32, #tpu.memory_space<vmem>>) semaphore(%arg20 : memref<!tpu.dma_semaphore, #tpu.memory_space<semaphore_mem>>)
    %dma_wait3A_28 = arith.constant 0 : i32
    %dma_wait3A_29 = arith.constant 0 : i32
    %dma_wait3A_30 = tpu.memref_slice %arg6[%dma_wait3A_28, %dma_wait3A_29] : memref<10240x64xf32, #tpu.memory_space<hbm>> -> memref<10240x64xf32, #tpu.memory_space<hbm>>
    tpu.wait_indirect_dma semaphore(%arg20 : memref<!tpu.dma_semaphore, #tpu.memory_space<semaphore_mem>>) src(%dma_wait3A_30 : memref<10240x64xf32, #tpu.memory_space<hbm>>) dst(%arg18 : memref<32x64xf32, #tpu.memory_space<vmem>>)
    "tpu.region"() ({
      %run_scoped3A = tpu.sem_alloc : memref<!tpu.dma_semaphore, #tpu.memory_space<semaphore_mem>>
      %dma_start3A_43 = arith.constant 0 : i32
      %dma_start3A_44 = tpu.memref_slice %arg14[%mul3A_2, %dma_start3A_43] : memref<1024x64xf32, #tpu.memory_space<hbm>> -> memref<32x64xf32, #tpu.memory_space<hbm>>
      %dma_start3A_45 = arith.constant 0 : i32
      %dma_start3A_46 = tpu.memref_slice %arg14[%mul3A_2, %dma_start3A_45] : memref<1024x64xf32, #tpu.memory_space<hbm>> -> memref<32x64xf32, #tpu.memory_space<hbm>>
      tpu.enqueue_dma source(%arg18 : memref<32x64xf32, #tpu.memory_space<vmem>>) target(%dma_start3A_46 : memref<32x64xf32, #tpu.memory_space<hbm>>) target_semaphore(%run_scoped3A : memref<!tpu.dma_semaphore, #tpu.memory_space<semaphore_mem>>)
      %dma_wait3A_47 = arith.constant 0 : i32
      %dma_wait3A_48 = tpu.memref_slice %arg14[%mul3A_2, %dma_wait3A_47] : memref<1024x64xf32, #tpu.memory_space<hbm>> -> memref<32x64xf32, #tpu.memory_space<hbm>>
      %dma_wait3A_49 = arith.constant 0 : i32
      %dma_wait3A_50 = tpu.memref_slice %arg14[%mul3A_2, %dma_wait3A_49] : memref<1024x64xf32, #tpu.memory_space<hbm>> -> memref<32x64xf32, #tpu.memory_space<hbm>>
      tpu.wait_dma2 semaphore(%run_scoped3A : memref<!tpu.dma_semaphore, #tpu.memory_space<semaphore_mem>>) src(%arg18 : memref<32x64xf32, #tpu.memory_space<vmem>>) dst(%dma_wait3A_50 : memref<32x64xf32, #tpu.memory_space<hbm>>)
      tpu.yield
    }) : () -> ()
    %dma_start3A_31 = arith.constant 0 : i32
    %dma_start3A_32 = arith.constant 0 : i32
    %dma_start3A_33 = tpu.memref_slice %arg7[%dma_start3A_31, %dma_start3A_32] : memref<10240x64xf32, #tpu.memory_space<hbm>> -> memref<10240x64xf32, #tpu.memory_space<hbm>>
    tpu.enqueue_indirect_dma source(%dma_start3A_33 : memref<10240x64xf32, #tpu.memory_space<hbm>>) target(%arg18 : memref<32x64xf32, #tpu.memory_space<vmem>>) offsets(%arg17 : memref<32xi32, #tpu.memory_space<vmem>>) semaphore(%arg20 : memref<!tpu.dma_semaphore, #tpu.memory_space<semaphore_mem>>)
    %dma_wait3A_34 = arith.constant 0 : i32
    %dma_wait3A_35 = arith.constant 0 : i32
    %dma_wait3A_36 = tpu.memref_slice %arg7[%dma_wait3A_34, %dma_wait3A_35] : memref<10240x64xf32, #tpu.memory_space<hbm>> -> memref<10240x64xf32, #tpu.memory_space<hbm>>
    tpu.wait_indirect_dma semaphore(%arg20 : memref<!tpu.dma_semaphore, #tpu.memory_space<semaphore_mem>>) src(%dma_wait3A_36 : memref<10240x64xf32, #tpu.memory_space<hbm>>) dst(%arg18 : memref<32x64xf32, #tpu.memory_space<vmem>>)
    "tpu.region"() ({
      %run_scoped3A = tpu.sem_alloc : memref<!tpu.dma_semaphore, #tpu.memory_space<semaphore_mem>>
      %dma_start3A_43 = arith.constant 0 : i32
      %dma_start3A_44 = tpu.memref_slice %arg15[%mul3A_2, %dma_start3A_43] : memref<1024x64xf32, #tpu.memory_space<hbm>> -> memref<32x64xf32, #tpu.memory_space<hbm>>
      %dma_start3A_45 = arith.constant 0 : i32
      %dma_start3A_46 = tpu.memref_slice %arg15[%mul3A_2, %dma_start3A_45] : memref<1024x64xf32, #tpu.memory_space<hbm>> -> memref<32x64xf32, #tpu.memory_space<hbm>>
      tpu.enqueue_dma source(%arg18 : memref<32x64xf32, #tpu.memory_space<vmem>>) target(%dma_start3A_46 : memref<32x64xf32, #tpu.memory_space<hbm>>) target_semaphore(%run_scoped3A : memref<!tpu.dma_semaphore, #tpu.memory_space<semaphore_mem>>)
      %dma_wait3A_47 = arith.constant 0 : i32
      %dma_wait3A_48 = tpu.memref_slice %arg15[%mul3A_2, %dma_wait3A_47] : memref<1024x64xf32, #tpu.memory_space<hbm>> -> memref<32x64xf32, #tpu.memory_space<hbm>>
      %dma_wait3A_49 = arith.constant 0 : i32
      %dma_wait3A_50 = tpu.memref_slice %arg15[%mul3A_2, %dma_wait3A_49] : memref<1024x64xf32, #tpu.memory_space<hbm>> -> memref<32x64xf32, #tpu.memory_space<hbm>>
      tpu.wait_dma2 semaphore(%run_scoped3A : memref<!tpu.dma_semaphore, #tpu.memory_space<semaphore_mem>>) src(%arg18 : memref<32x64xf32, #tpu.memory_space<vmem>>) dst(%dma_wait3A_50 : memref<32x64xf32, #tpu.memory_space<hbm>>)
      tpu.yield
    }) : () -> ()
    %dma_start3A_37 = arith.constant 0 : i32
    %dma_start3A_38 = arith.constant 0 : i32
    %dma_start3A_39 = tpu.memref_slice %arg8[%dma_start3A_37, %dma_start3A_38] : memref<10240x16xf32, #tpu.memory_space<hbm>> -> memref<10240x16xf32, #tpu.memory_space<hbm>>
    tpu.enqueue_indirect_dma source(%dma_start3A_39 : memref<10240x16xf32, #tpu.memory_space<hbm>>) target(%arg19 : memref<32x16xf32, #tpu.memory_space<vmem>>) offsets(%arg17 : memref<32xi32, #tpu.memory_space<vmem>>) semaphore(%arg20 : memref<!tpu.dma_semaphore, #tpu.memory_space<semaphore_mem>>)
    %dma_wait3A_40 = arith.constant 0 : i32
    %dma_wait3A_41 = arith.constant 0 : i32
    %dma_wait3A_42 = tpu.memref_slice %arg8[%dma_wait3A_40, %dma_wait3A_41] : memref<10240x16xf32, #tpu.memory_space<hbm>> -> memref<10240x16xf32, #tpu.memory_space<hbm>>
    tpu.wait_indirect_dma semaphore(%arg20 : memref<!tpu.dma_semaphore, #tpu.memory_space<semaphore_mem>>) src(%dma_wait3A_42 : memref<10240x16xf32, #tpu.memory_space<hbm>>) dst(%arg19 : memref<32x16xf32, #tpu.memory_space<vmem>>)
    "tpu.region"() ({
      %run_scoped3A = tpu.sem_alloc : memref<!tpu.dma_semaphore, #tpu.memory_space<semaphore_mem>>
      %dma_start3A_43 = arith.constant 0 : i32
      %dma_start3A_44 = tpu.memref_slice %arg16[%mul3A_2, %dma_start3A_43] : memref<1024x16xf32, #tpu.memory_space<hbm>> -> memref<32x16xf32, #tpu.memory_space<hbm>>
      %dma_start3A_45 = arith.constant 0 : i32
      %dma_start3A_46 = tpu.memref_slice %arg16[%mul3A_2, %dma_start3A_45] : memref<1024x16xf32, #tpu.memory_space<hbm>> -> memref<32x16xf32, #tpu.memory_space<hbm>>
      tpu.enqueue_dma source(%arg19 : memref<32x16xf32, #tpu.memory_space<vmem>>) target(%dma_start3A_46 : memref<32x16xf32, #tpu.memory_space<hbm>>) target_semaphore(%run_scoped3A : memref<!tpu.dma_semaphore, #tpu.memory_space<semaphore_mem>>)
      %dma_wait3A_47 = arith.constant 0 : i32
      %dma_wait3A_48 = tpu.memref_slice %arg16[%mul3A_2, %dma_wait3A_47] : memref<1024x16xf32, #tpu.memory_space<hbm>> -> memref<32x16xf32, #tpu.memory_space<hbm>>
      %dma_wait3A_49 = arith.constant 0 : i32
      %dma_wait3A_50 = tpu.memref_slice %arg16[%mul3A_2, %dma_wait3A_49] : memref<1024x16xf32, #tpu.memory_space<hbm>> -> memref<32x16xf32, #tpu.memory_space<hbm>>
      tpu.wait_dma2 semaphore(%run_scoped3A : memref<!tpu.dma_semaphore, #tpu.memory_space<semaphore_mem>>) src(%arg19 : memref<32x16xf32, #tpu.memory_space<vmem>>) dst(%dma_wait3A_50 : memref<32x16xf32, #tpu.memory_space<hbm>>)
      tpu.yield
    }) : () -> ()
    return
  }
}

module attributes {stable_mosaic.version = 14 : i64} {
  func.func @_tc1_body(%arg0: i32, %arg1: memref<1024x1xf32, #tpu.memory_space<vmem>>, %arg2: memref<1024x1xf32, #tpu.memory_space<vmem>>, %arg3: memref<1024x128xf32, #tpu.memory_space<vmem>>, %arg4: memref<128x128xf32, #tpu.memory_space<vmem>>, %arg5: memref<1024x64xf32, #tpu.memory_space<vmem>>, %arg6: memref<1024x64xf32, #tpu.memory_space<vmem>>, %arg7: memref<1024x1xf32, #tpu.memory_space<vmem>>, %arg8: memref<1024x16xf32, #tpu.memory_space<vmem>>) attributes {dimension_semantics = [#tpu.dimension_semantics<arbitrary>], iteration_bounds = array<i64: 10>, scalar_prefetch = 0 : i64, scratch_operands = 0 : i64, tpu.core_type = #tpu.core_type<tc>, window_params = [{transform_indices = @transform_0, window_bounds = array<i64: 1024, 1>}, {transform_indices = @transform_1, window_bounds = array<i64: 1024, 1>}, {transform_indices = @transform_2, window_bounds = array<i64: 1024, 128>}, {pipeline_mode = #tpu.pipeline_mode<synchronous>, transform_indices = @transform_3, window_bounds = array<i64: 128, 128>}, {transform_indices = @transform_4, window_bounds = array<i64: 1024, 64>}, {transform_indices = @transform_5, window_bounds = array<i64: 1024, 64>}, {transform_indices = @transform_6, window_bounds = array<i64: 1024, 1>}, {transform_indices = @transform_7, window_bounds = array<i64: 1024, 16>}]} {
    %get3A = arith.constant 0 : index
    %get3A_0 = arith.constant 0 : index
    %get3A_1 = vector.load %arg1[%get3A, %get3A_0] : memref<1024x1xf32, #tpu.memory_space<vmem>>, vector<1024x1xf32>
    %get3A_2 = arith.constant 0 : index
    %get3A_3 = arith.constant 0 : index
    %get3A_4 = vector.load %arg2[%get3A_2, %get3A_3] : memref<1024x1xf32, #tpu.memory_space<vmem>>, vector<1024x1xf32>
    %add3A = arith.addf %get3A_1, %get3A_4 : vector<1024x1xf32>
    %sub3A = arith.constant 1.000000e+00 : f32
    %sub3A_5 = vector.broadcast %sub3A : f32 to vector<1024x1xf32>
    %sub3A_6 = arith.subf %add3A, %sub3A_5 : vector<1024x1xf32>
    %gt3A = arith.constant 0.000000e+00 : f32
    %gt3A_7 = vector.broadcast %gt3A : f32 to vector<1024x1xf32>
    %gt3A_8 = arith.cmpf ogt, %sub3A_6, %gt3A_7 : vector<1024x1xf32>
    %max3A = arith.constant 9.99999996E-13 : f32
    %max3A_9 = vector.broadcast %max3A : f32 to vector<1024x1xf32>
    %max3A_10 = arith.maximumf %sub3A_6, %max3A_9 : vector<1024x1xf32>
    %rsqrt3A = math.rsqrt %max3A_10 : vector<1024x1xf32>
    %jit3A = arith.constant 0.000000e+00 : f32
    %broadcast_in_dim3A = vector.broadcast %jit3A : f32 to vector<1024x1xf32>
    %select_n3A = arith.select %gt3A_8, %rsqrt3A, %broadcast_in_dim3A : vector<1024x1xi1>, vector<1024x1xf32>
    %get3A_11 = arith.constant 0 : index
    %get3A_12 = arith.constant 0 : index
    %get3A_13 = vector.load %arg3[%get3A_11, %get3A_12] : memref<1024x128xf32, #tpu.memory_space<vmem>>, vector<1024x128xf32>
    %get3A_14 = arith.constant 0 : index
    %get3A_15 = arith.constant 0 : index
    %get3A_16 = vector.load %arg4[%get3A_14, %get3A_15] : memref<128x128xf32, #tpu.memory_space<vmem>>, vector<128x128xf32>
    %dot_general3A = arith.constant dense<0.000000e+00> : vector<1024x128xf32>
    %dot_general3A_17 = tpu.matmul %get3A_13, %get3A_16, %dot_general3A {dimension_numbers = #tpu.dot_dimension_numbers<[1], [0], [0], [1], [0, 0, 1, 1], [], []>, transpose_lhs_hint = false} : vector<1024x128xf32>, vector<128x128xf32>, vector<1024x128xf32> -> vector<1024x128xf32>
    %mul3A = vector.broadcast %select_n3A : vector<1024x1xf32> to vector<1024x128xf32>
    %mul3A_18 = arith.mulf %dot_general3A_17, %mul3A : vector<1024x128xf32>
    %slice3A = vector.extract_strided_slice %mul3A_18 {offsets = [0, 0], sizes = [1024, 64], strides = [1, 1]} : vector<1024x128xf32> to vector<1024x64xf32>
    %swap3A = arith.constant 0 : index
    %swap3A_19 = arith.constant 0 : index
    %swap3A_20 = vector.load %arg5[%swap3A, %swap3A_19] : memref<1024x64xf32, #tpu.memory_space<vmem>>, vector<1024x64xf32>
    tpu.vector_store %arg5[%swap3A, %swap3A_19], %slice3A {strides = array<i32>} : memref<1024x64xf32, #tpu.memory_space<vmem>>, vector<1024x64xf32>,
    %slice3A_21 = vector.extract_strided_slice %mul3A_18 {offsets = [0, 64], sizes = [1024, 64], strides = [1, 1]} : vector<1024x128xf32> to vector<1024x64xf32>
    %swap3A_22 = arith.constant 0 : index
    %swap3A_23 = arith.constant 0 : index
    %swap3A_24 = vector.load %arg6[%swap3A_22, %swap3A_23] : memref<1024x64xf32, #tpu.memory_space<vmem>>, vector<1024x64xf32>
    tpu.vector_store %arg6[%swap3A_22, %swap3A_23], %slice3A_21 {strides = array<i32>} : memref<1024x64xf32, #tpu.memory_space<vmem>>, vector<1024x64xf32>,
    %swap3A_25 = arith.constant 0 : index
    %swap3A_26 = arith.constant 0 : index
    %swap3A_27 = vector.load %arg7[%swap3A_25, %swap3A_26] : memref<1024x1xf32, #tpu.memory_space<vmem>>, vector<1024x1xf32>
    tpu.vector_store %arg7[%swap3A_25, %swap3A_26], %select_n3A {strides = array<i32>} : memref<1024x1xf32, #tpu.memory_space<vmem>>, vector<1024x1xf32>,
    %broadcast_in_dim3A_28 = vector.shape_cast %select_n3A : vector<1024x1xf32> to vector<1024x1xf32>
    %broadcast_in_dim3A_29 = vector.broadcast %broadcast_in_dim3A_28 : vector<1024x1xf32> to vector<1024x16xf32>
    %swap3A_30 = arith.constant 0 : index
    %swap3A_31 = arith.constant 0 : index
    %swap3A_32 = vector.load %arg8[%swap3A_30, %swap3A_31] : memref<1024x16xf32, #tpu.memory_space<vmem>>, vector<1024x16xf32>
    tpu.vector_store %arg8[%swap3A_30, %swap3A_31], %broadcast_in_dim3A_29 {strides = array<i32>} : memref<1024x16xf32, #tpu.memory_space<vmem>>, vector<1024x16xf32>,
    return
  }
  func.func @transform_0(%arg0: i32) -> (i32, i32) {
    %c0_i32 = arith.constant 0 : i32
    %c0_i32_0 = arith.constant 0 : i32
    return %arg0, %c0_i32 : i32, i32
  }
  func.func @transform_1(%arg0: i32) -> (i32, i32) {
    %c0_i32 = arith.constant 0 : i32
    %c0_i32_0 = arith.constant 0 : i32
    return %arg0, %c0_i32 : i32, i32
  }
  func.func @transform_2(%arg0: i32) -> (i32, i32) {
    %c0_i32 = arith.constant 0 : i32
    %c0_i32_0 = arith.constant 0 : i32
    return %arg0, %c0_i32 : i32, i32
  }
  func.func @transform_3(%arg0: i32) -> (i32, i32) {
    %c0_i32 = arith.constant 0 : i32
    %c0_i32_0 = arith.constant 0 : i32
    %c0_i32_1 = arith.constant 0 : i32
    return %c0_i32, %c0_i32_0 : i32, i32
  }
  func.func @transform_4(%arg0: i32) -> (i32, i32) {
    %c0_i32 = arith.constant 0 : i32
    %c0_i32_0 = arith.constant 0 : i32
    return %arg0, %c0_i32 : i32, i32
  }
  func.func @transform_5(%arg0: i32) -> (i32, i32) {
    %c0_i32 = arith.constant 0 : i32
    %c0_i32_0 = arith.constant 0 : i32
    return %arg0, %c0_i32 : i32, i32
  }
  func.func @transform_6(%arg0: i32) -> (i32, i32) {
    %c0_i32 = arith.constant 0 : i32
    %c0_i32_0 = arith.constant 0 : i32
    return %arg0, %c0_i32 : i32, i32
  }
  func.func @transform_7(%arg0: i32) -> (i32, i32) {
    %c0_i32 = arith.constant 0 : i32
    %c0_i32_0 = arith.constant 0 : i32
    return %arg0, %c0_i32 : i32, i32
  }
}

module attributes {stable_mosaic.version = 14 : i64} {
  func.func @_tc2_body(%arg0: i32, %arg1: memref<1024x64xf32, #tpu.memory_space<vmem>>, %arg2: memref<1024x64xf32, #tpu.memory_space<vmem>>, %arg3: memref<1024x64xf32, #tpu.memory_space<vmem>>, %arg4: memref<1024x64xf32, #tpu.memory_space<vmem>>, %arg5: memref<1024x64xf32, #tpu.memory_space<vmem>>, %arg6: memref<1024x64xf32, #tpu.memory_space<vmem>>, %arg7: memref<1024x1xf32, #tpu.memory_space<vmem>>, %arg8: memref<1x128xf32, #tpu.memory_space<vmem>>, %arg9: memref<128x128xf32, #tpu.memory_space<vmem>>, %arg10: memref<1024x64xf32, #tpu.memory_space<vmem>>, %arg11: memref<1024x64xf32, #tpu.memory_space<vmem>>) attributes {dimension_semantics = [#tpu.dimension_semantics<arbitrary>], iteration_bounds = array<i64: 10>, scalar_prefetch = 0 : i64, scratch_operands = 0 : i64, tpu.core_type = #tpu.core_type<tc>, window_params = [{transform_indices = @transform_0, window_bounds = array<i64: 1024, 64>}, {transform_indices = @transform_1, window_bounds = array<i64: 1024, 64>}, {transform_indices = @transform_2, window_bounds = array<i64: 1024, 64>}, {transform_indices = @transform_3, window_bounds = array<i64: 1024, 64>}, {transform_indices = @transform_4, window_bounds = array<i64: 1024, 64>}, {transform_indices = @transform_5, window_bounds = array<i64: 1024, 64>}, {transform_indices = @transform_6, window_bounds = array<i64: 1024, 1>}, {pipeline_mode = #tpu.pipeline_mode<synchronous>, transform_indices = @transform_7, window_bounds = array<i64: 1, 128>}, {pipeline_mode = #tpu.pipeline_mode<synchronous>, transform_indices = @transform_8, window_bounds = array<i64: 128, 128>}, {transform_indices = @transform_9, window_bounds = array<i64: 1024, 64>}, {transform_indices = @transform_10, window_bounds = array<i64: 1024, 64>}]} {
    %get3A = arith.constant 0 : index
    %get3A_0 = arith.constant 0 : index
    %get3A_1 = vector.load %arg7[%get3A, %get3A_0] : memref<1024x1xf32, #tpu.memory_space<vmem>>, vector<1024x1xf32>
    %get3A_2 = arith.constant 0 : index
    %get3A_3 = arith.constant 0 : index
    %get3A_4 = vector.load %arg1[%get3A_2, %get3A_3] : memref<1024x64xf32, #tpu.memory_space<vmem>>, vector<1024x64xf32>
    %get3A_5 = arith.constant 0 : index
    %get3A_6 = arith.constant 0 : index
    %get3A_7 = vector.load %arg3[%get3A_5, %get3A_6] : memref<1024x64xf32, #tpu.memory_space<vmem>>, vector<1024x64xf32>
    %add3A = arith.addf %get3A_4, %get3A_7 : vector<1024x64xf32>
    %get3A_8 = arith.constant 0 : index
    %get3A_9 = arith.constant 0 : index
    %get3A_10 = vector.load %arg5[%get3A_8, %get3A_9] : memref<1024x64xf32, #tpu.memory_space<vmem>>, vector<1024x64xf32>
    %add3A_11 = arith.addf %add3A, %get3A_10 : vector<1024x64xf32>
    %get3A_12 = arith.constant 0 : index
    %get3A_13 = arith.constant 0 : index
    %get3A_14 = vector.load %arg2[%get3A_12, %get3A_13] : memref<1024x64xf32, #tpu.memory_space<vmem>>, vector<1024x64xf32>
    %get3A_15 = arith.constant 0 : index
    %get3A_16 = arith.constant 0 : index
    %get3A_17 = vector.load %arg4[%get3A_15, %get3A_16] : memref<1024x64xf32, #tpu.memory_space<vmem>>, vector<1024x64xf32>
    %add3A_18 = arith.addf %get3A_14, %get3A_17 : vector<1024x64xf32>
    %get3A_19 = arith.constant 0 : index
    %get3A_20 = arith.constant 0 : index
    %get3A_21 = vector.load %arg6[%get3A_19, %get3A_20] : memref<1024x64xf32, #tpu.memory_space<vmem>>, vector<1024x64xf32>
    %add3A_22 = arith.addf %add3A_18, %get3A_21 : vector<1024x64xf32>
    %concatenate3A = tpu.concatenate %add3A_11, %add3A_22 in 1 : vector<1024x64xf32>, vector<1024x64xf32> -> vector<1024x128xf32>
    %mul3A = vector.broadcast %get3A_1 : vector<1024x1xf32> to vector<1024x128xf32>
    %mul3A_23 = arith.mulf %mul3A, %concatenate3A : vector<1024x128xf32>
    %get3A_24 = arith.constant 0 : index
    %get3A_25 = arith.constant 0 : index
    %get3A_26 = vector.load %arg8[%get3A_24, %get3A_25] : memref<1x128xf32, #tpu.memory_space<vmem>>, vector<1x128xf32>
    %add3A_27 = vector.broadcast %get3A_26 : vector<1x128xf32> to vector<1024x128xf32>
    %add3A_28 = arith.addf %mul3A_23, %add3A_27 : vector<1024x128xf32>
    %max3A = arith.constant 0.000000e+00 : f32
    %max3A_29 = vector.broadcast %max3A : f32 to vector<1024x128xf32>
    %max3A_30 = arith.maximumf %add3A_28, %max3A_29 : vector<1024x128xf32>
    %get3A_31 = arith.constant 0 : index
    %get3A_32 = arith.constant 0 : index
    %get3A_33 = vector.load %arg9[%get3A_31, %get3A_32] : memref<128x128xf32, #tpu.memory_space<vmem>>, vector<128x128xf32>
    %dot_general3A = arith.constant dense<0.000000e+00> : vector<1024x128xf32>
    %dot_general3A_34 = tpu.matmul %max3A_30, %get3A_33, %dot_general3A {dimension_numbers = #tpu.dot_dimension_numbers<[1], [0], [0], [1], [0, 0, 1, 1], [], []>, transpose_lhs_hint = false} : vector<1024x128xf32>, vector<128x128xf32>, vector<1024x128xf32> -> vector<1024x128xf32>
    %mul3A_35 = vector.broadcast %get3A_1 : vector<1024x1xf32> to vector<1024x128xf32>
    %mul3A_36 = arith.mulf %dot_general3A_34, %mul3A_35 : vector<1024x128xf32>
    %slice3A = vector.extract_strided_slice %mul3A_36 {offsets = [0, 0], sizes = [1024, 64], strides = [1, 1]} : vector<1024x128xf32> to vector<1024x64xf32>
    %swap3A = arith.constant 0 : index
    %swap3A_37 = arith.constant 0 : index
    %swap3A_38 = vector.load %arg10[%swap3A, %swap3A_37] : memref<1024x64xf32, #tpu.memory_space<vmem>>, vector<1024x64xf32>
    tpu.vector_store %arg10[%swap3A, %swap3A_37], %slice3A {strides = array<i32>} : memref<1024x64xf32, #tpu.memory_space<vmem>>, vector<1024x64xf32>,
    %slice3A_39 = vector.extract_strided_slice %mul3A_36 {offsets = [0, 64], sizes = [1024, 64], strides = [1, 1]} : vector<1024x128xf32> to vector<1024x64xf32>
    %swap3A_40 = arith.constant 0 : index
    %swap3A_41 = arith.constant 0 : index
    %swap3A_42 = vector.load %arg11[%swap3A_40, %swap3A_41] : memref<1024x64xf32, #tpu.memory_space<vmem>>, vector<1024x64xf32>
    tpu.vector_store %arg11[%swap3A_40, %swap3A_41], %slice3A_39 {strides = array<i32>} : memref<1024x64xf32, #tpu.memory_space<vmem>>, vector<1024x64xf32>,
    return
  }
  func.func @transform_0(%arg0: i32) -> (i32, i32) {
    %c0_i32 = arith.constant 0 : i32
    %c0_i32_0 = arith.constant 0 : i32
    return %arg0, %c0_i32 : i32, i32
  }
  func.func @transform_1(%arg0: i32) -> (i32, i32) {
    %c0_i32 = arith.constant 0 : i32
    %c0_i32_0 = arith.constant 0 : i32
    return %arg0, %c0_i32 : i32, i32
  }
  func.func @transform_2(%arg0: i32) -> (i32, i32) {
    %c0_i32 = arith.constant 0 : i32
    %c0_i32_0 = arith.constant 0 : i32
    return %arg0, %c0_i32 : i32, i32
  }
  func.func @transform_3(%arg0: i32) -> (i32, i32) {
    %c0_i32 = arith.constant 0 : i32
    %c0_i32_0 = arith.constant 0 : i32
    return %arg0, %c0_i32 : i32, i32
  }
  func.func @transform_4(%arg0: i32) -> (i32, i32) {
    %c0_i32 = arith.constant 0 : i32
    %c0_i32_0 = arith.constant 0 : i32
    return %arg0, %c0_i32 : i32, i32
  }
  func.func @transform_5(%arg0: i32) -> (i32, i32) {
    %c0_i32 = arith.constant 0 : i32
    %c0_i32_0 = arith.constant 0 : i32
    return %arg0, %c0_i32 : i32, i32
  }
  func.func @transform_6(%arg0: i32) -> (i32, i32) {
    %c0_i32 = arith.constant 0 : i32
    %c0_i32_0 = arith.constant 0 : i32
    return %arg0, %c0_i32 : i32, i32
  }
  func.func @transform_7(%arg0: i32) -> (i32, i32) {
    %c0_i32 = arith.constant 0 : i32
    %c0_i32_0 = arith.constant 0 : i32
    %c0_i32_1 = arith.constant 0 : i32
    return %c0_i32, %c0_i32_0 : i32, i32
  }
  func.func @transform_8(%arg0: i32) -> (i32, i32) {
    %c0_i32 = arith.constant 0 : i32
    %c0_i32_0 = arith.constant 0 : i32
    %c0_i32_1 = arith.constant 0 : i32
    return %c0_i32, %c0_i32_0 : i32, i32
  }
  func.func @transform_9(%arg0: i32) -> (i32, i32) {
    %c0_i32 = arith.constant 0 : i32
    %c0_i32_0 = arith.constant 0 : i32
    return %arg0, %c0_i32 : i32, i32
  }
  func.func @transform_10(%arg0: i32) -> (i32, i32) {
    %c0_i32 = arith.constant 0 : i32
    %c0_i32_0 = arith.constant 0 : i32
    return %arg0, %c0_i32 : i32, i32
  }
}

module attributes {stable_mosaic.version = 14 : i64} {
  func.func @_tc3_body(%arg0: i32, %arg1: memref<1024x64xf32, #tpu.memory_space<vmem>>, %arg2: memref<1024x64xf32, #tpu.memory_space<vmem>>, %arg3: memref<1024x64xf32, #tpu.memory_space<vmem>>, %arg4: memref<1024x64xf32, #tpu.memory_space<vmem>>, %arg5: memref<1024x64xf32, #tpu.memory_space<vmem>>, %arg6: memref<1024x64xf32, #tpu.memory_space<vmem>>, %arg7: memref<1024x1xf32, #tpu.memory_space<vmem>>, %arg8: memref<1x128xf32, #tpu.memory_space<vmem>>, %arg9: memref<128x128xf32, #tpu.memory_space<vmem>>, %arg10: memref<1x128xf32, #tpu.memory_space<vmem>>, %arg11: memref<1024x128xf32, #tpu.memory_space<vmem>>) attributes {dimension_semantics = [#tpu.dimension_semantics<arbitrary>], iteration_bounds = array<i64: 1>, scalar_prefetch = 0 : i64, scratch_operands = 0 : i64, tpu.core_type = #tpu.core_type<tc>, window_params = [{pipeline_mode = #tpu.pipeline_mode<synchronous>, transform_indices = @transform_0, window_bounds = array<i64: 1024, 64>}, {pipeline_mode = #tpu.pipeline_mode<synchronous>, transform_indices = @transform_1, window_bounds = array<i64: 1024, 64>}, {pipeline_mode = #tpu.pipeline_mode<synchronous>, transform_indices = @transform_2, window_bounds = array<i64: 1024, 64>}, {pipeline_mode = #tpu.pipeline_mode<synchronous>, transform_indices = @transform_3, window_bounds = array<i64: 1024, 64>}, {pipeline_mode = #tpu.pipeline_mode<synchronous>, transform_indices = @transform_4, window_bounds = array<i64: 1024, 64>}, {pipeline_mode = #tpu.pipeline_mode<synchronous>, transform_indices = @transform_5, window_bounds = array<i64: 1024, 64>}, {pipeline_mode = #tpu.pipeline_mode<synchronous>, transform_indices = @transform_6, window_bounds = array<i64: 1024, 1>}, {pipeline_mode = #tpu.pipeline_mode<synchronous>, transform_indices = @transform_7, window_bounds = array<i64: 1, 128>}, {pipeline_mode = #tpu.pipeline_mode<synchronous>, transform_indices = @transform_8, window_bounds = array<i64: 128, 128>}, {pipeline_mode = #tpu.pipeline_mode<synchronous>, transform_indices = @transform_9, window_bounds = array<i64: 1, 128>}, {pipeline_mode = #tpu.pipeline_mode<synchronous>, transform_indices = @transform_10, window_bounds = array<i64: 1024, 128>}]} {
    %get3A = arith.constant 0 : index
    %get3A_0 = arith.constant 0 : index
    %get3A_1 = vector.load %arg1[%get3A, %get3A_0] : memref<1024x64xf32, #tpu.memory_space<vmem>>, vector<1024x64xf32>
    %get3A_2 = arith.constant 0 : index
    %get3A_3 = arith.constant 0 : index
    %get3A_4 = vector.load %arg3[%get3A_2, %get3A_3] : memref<1024x64xf32, #tpu.memory_space<vmem>>, vector<1024x64xf32>
    %add3A = arith.addf %get3A_1, %get3A_4 : vector<1024x64xf32>
    %get3A_5 = arith.constant 0 : index
    %get3A_6 = arith.constant 0 : index
    %get3A_7 = vector.load %arg5[%get3A_5, %get3A_6] : memref<1024x64xf32, #tpu.memory_space<vmem>>, vector<1024x64xf32>
    %add3A_8 = arith.addf %add3A, %get3A_7 : vector<1024x64xf32>
    %get3A_9 = arith.constant 0 : index
    %get3A_10 = arith.constant 0 : index
    %get3A_11 = vector.load %arg2[%get3A_9, %get3A_10] : memref<1024x64xf32, #tpu.memory_space<vmem>>, vector<1024x64xf32>
    %get3A_12 = arith.constant 0 : index
    %get3A_13 = arith.constant 0 : index
    %get3A_14 = vector.load %arg4[%get3A_12, %get3A_13] : memref<1024x64xf32, #tpu.memory_space<vmem>>, vector<1024x64xf32>
    %add3A_15 = arith.addf %get3A_11, %get3A_14 : vector<1024x64xf32>
    %get3A_16 = arith.constant 0 : index
    %get3A_17 = arith.constant 0 : index
    %get3A_18 = vector.load %arg6[%get3A_16, %get3A_17] : memref<1024x64xf32, #tpu.memory_space<vmem>>, vector<1024x64xf32>
    %add3A_19 = arith.addf %add3A_15, %get3A_18 : vector<1024x64xf32>
    %get3A_20 = arith.constant 0 : index
    %get3A_21 = arith.constant 0 : index
    %get3A_22 = vector.load %arg7[%get3A_20, %get3A_21] : memref<1024x1xf32, #tpu.memory_space<vmem>>, vector<1024x1xf32>
    %concatenate3A = tpu.concatenate %add3A_8, %add3A_19 in 1 : vector<1024x64xf32>, vector<1024x64xf32> -> vector<1024x128xf32>
    %mul3A = vector.broadcast %get3A_22 : vector<1024x1xf32> to vector<1024x128xf32>
    %mul3A_23 = arith.mulf %mul3A, %concatenate3A : vector<1024x128xf32>
    %get3A_24 = arith.constant 0 : index
    %get3A_25 = arith.constant 0 : index
    %get3A_26 = vector.load %arg8[%get3A_24, %get3A_25] : memref<1x128xf32, #tpu.memory_space<vmem>>, vector<1x128xf32>
    %add3A_27 = vector.broadcast %get3A_26 : vector<1x128xf32> to vector<1024x128xf32>
    %add3A_28 = arith.addf %mul3A_23, %add3A_27 : vector<1024x128xf32>
    %get3A_29 = arith.constant 0 : index
    %get3A_30 = arith.constant 0 : index
    %get3A_31 = vector.load %arg9[%get3A_29, %get3A_30] : memref<128x128xf32, #tpu.memory_space<vmem>>, vector<128x128xf32>
    %dot_general3A = arith.constant dense<0.000000e+00> : vector<1024x128xf32>
    %dot_general3A_32 = tpu.matmul %add3A_28, %get3A_31, %dot_general3A {dimension_numbers = #tpu.dot_dimension_numbers<[1], [0], [0], [1], [0, 0, 1, 1], [], []>, transpose_lhs_hint = false} : vector<1024x128xf32>, vector<128x128xf32>, vector<1024x128xf32> -> vector<1024x128xf32>
    %get3A_33 = arith.constant 0 : index
    %get3A_34 = arith.constant 0 : index
    %get3A_35 = vector.load %arg10[%get3A_33, %get3A_34] : memref<1x128xf32, #tpu.memory_space<vmem>>, vector<1x128xf32>
    %add3A_36 = vector.broadcast %get3A_35 : vector<1x128xf32> to vector<1024x128xf32>
    %add3A_37 = arith.addf %dot_general3A_32, %add3A_36 : vector<1024x128xf32>
    %swap3A = arith.constant 0 : index
    %swap3A_38 = arith.constant 0 : index
    %swap3A_39 = vector.load %arg11[%swap3A, %swap3A_38] : memref<1024x128xf32, #tpu.memory_space<vmem>>, vector<1024x128xf32>
    tpu.vector_store %arg11[%swap3A, %swap3A_38], %add3A_37 {strides = array<i32>} : memref<1024x128xf32, #tpu.memory_space<vmem>>, vector<1024x128xf32>,
    return
  }
  func.func @transform_0(%arg0: i32) -> (i32, i32) {
    %c0_i32 = arith.constant 0 : i32
    %c0_i32_0 = arith.constant 0 : i32
    %c0_i32_1 = arith.constant 0 : i32
    return %c0_i32, %c0_i32_0 : i32, i32
  }
  func.func @transform_1(%arg0: i32) -> (i32, i32) {
    %c0_i32 = arith.constant 0 : i32
    %c0_i32_0 = arith.constant 0 : i32
    %c0_i32_1 = arith.constant 0 : i32
    return %c0_i32, %c0_i32_0 : i32, i32
  }
  func.func @transform_2(%arg0: i32) -> (i32, i32) {
    %c0_i32 = arith.constant 0 : i32
    %c0_i32_0 = arith.constant 0 : i32
    %c0_i32_1 = arith.constant 0 : i32
    return %c0_i32, %c0_i32_0 : i32, i32
  }
  func.func @transform_3(%arg0: i32) -> (i32, i32) {
    %c0_i32 = arith.constant 0 : i32
    %c0_i32_0 = arith.constant 0 : i32
    %c0_i32_1 = arith.constant 0 : i32
    return %c0_i32, %c0_i32_0 : i32, i32
  }
  func.func @transform_4(%arg0: i32) -> (i32, i32) {
    %c0_i32 = arith.constant 0 : i32
    %c0_i32_0 = arith.constant 0 : i32
    %c0_i32_1 = arith.constant 0 : i32
    return %c0_i32, %c0_i32_0 : i32, i32
  }
  func.func @transform_5(%arg0: i32) -> (i32, i32) {
    %c0_i32 = arith.constant 0 : i32
    %c0_i32_0 = arith.constant 0 : i32
    %c0_i32_1 = arith.constant 0 : i32
    return %c0_i32, %c0_i32_0 : i32, i32
  }
  func.func @transform_6(%arg0: i32) -> (i32, i32) {
    %c0_i32 = arith.constant 0 : i32
    %c0_i32_0 = arith.constant 0 : i32
    %c0_i32_1 = arith.constant 0 : i32
    return %c0_i32, %c0_i32_0 : i32, i32
  }
  func.func @transform_7(%arg0: i32) -> (i32, i32) {
    %c0_i32 = arith.constant 0 : i32
    %c0_i32_0 = arith.constant 0 : i32
    %c0_i32_1 = arith.constant 0 : i32
    return %c0_i32, %c0_i32_0 : i32, i32
  }
  func.func @transform_8(%arg0: i32) -> (i32, i32) {
    %c0_i32 = arith.constant 0 : i32
    %c0_i32_0 = arith.constant 0 : i32
    %c0_i32_1 = arith.constant 0 : i32
    return %c0_i32, %c0_i32_0 : i32, i32
  }
  func.func @transform_9(%arg0: i32) -> (i32, i32) {
    %c0_i32 = arith.constant 0 : i32
    %c0_i32_0 = arith.constant 0 : i32
    %c0_i32_1 = arith.constant 0 : i32
    return %c0_i32, %c0_i32_0 : i32, i32
  }
  func.func @transform_10(%arg0: i32) -> (i32, i32) {
    %c0_i32 = arith.constant 0 : i32
    %c0_i32_0 = arith.constant 0 : i32
    %c0_i32_1 = arith.constant 0 : i32
    return %c0_i32, %c0_i32_0 : i32, i32
  }
}

</mosaic_0001>

<sc_bundles>
// kernel: kernel.12.cloned.1.call-start
scs
__scs_entry_jumppad:
0x0: {  	(pc) =	sbr.rel $0x88, $3  }
0x1: {  	(tag) =	ssettag $0x0;
	lr =	simm.s32 $0x1  }
0x2: {  	[smem:$0x3F98] =	sst lr;
	_ =	strace $0xD0000000  }
0x3: {  	_ = 	snop  }
0x4: {  	_ = 	snop  }
0x5: {  	_ = 	snop  }
0x6: {  	_ = 	snop  }
0x7: {  	_ = 	snop  }
__scs_overlays_trampoline_lowered:
0x8: {  	[smem:$0x3FA7] =	sst s0  }
0x9: {  	[smem:$0x3FA8] =	sst s1  }
0xa: {  	[smem:$0x3FA9] =	sst s2  }
0xb: {  	[smem:$0x3FAA] =	sst s3  }
0xc: {  	[smem:$0x3FAB] =	sst s4  }
0xd: {  	[smem:$0x3FAC] =	sst s5  }
0xe: {  	[smem:$0x3FAD] =	sst s6  }
0xf: {  	[smem:$0x3FAE] =	sst s7  }
0x10: {  	[smem:$0x3FAF] =	sst s8  }
0x11: {  	[smem:$0x3FB0] =	sst s9;
	s0 =	simm.s32 @!p0 $0x0  }
0x12: {  	s1 =	sld [smem:$0x3F96];
	s0 =	simm.s32 @p0 $0x1  }
0x13: {  	[smem:$0x3FB1] =	sst s0;
	s0 =	simm.s32 @!p1 $0x0  }
0x14: {  	s2 =	sld [smem:$0x3F95];
	s0 =	simm.s32 @p1 $0x1  }
0x15: {  	[smem:$0x3FB2] =	sst s0;
	s0 =	simm.s32 @!p2 $0x0  }
0x16: {  	s3 =	sld [smem:$0x3FDB];
	s0 =	simm.s32 @p2 $0x1  }
0x17: {  	s4 =	simm.s32 $0x1BF5;
	[smem:$0x3FB4] =	sst s0  }
0x18: {  	s0 =	sld [smem:$0x3F97];
	_ =	swait.ge [sflag:s4], $0x0  }
0x19: {  	s7 =	sld [smem:$0x3F98]  }
0x1a: {  	s8 =	sadd.s32 $0xFFFFE003, lr  }
0x1b: {  	s9 =	sadd.s32 $0xFFFFFEF7, lr;
	s5 =	simm.s32 $0xFFFFFFFF;
	p2 =	slt.u32 s8, $0xFFFFF086  }
0x1c: {  	p1 =	slt.u32 s9, $0xF7A;
	s5 =	simm.s32 @!p2 $0x0  }
0x1d: {  	s5 =	simm.s32 @p1 $0x1;
	p0 =	seq.s32 s7, s2  }
0x1e: {  	s7 =	smul.u32 @!p0 $0xF7A, s2;
	p2 =	seq.s32 @!p0 s5, $0x0  }
0x1f: {  	s9 =	smul.u32 $0xF7A, s1;
	s8 =	simm.s32 @!p0 $0x1BF5;
	p2 =	por !p2, p0  }
0x20: {  	[sflag:s8] =	ssyncset.s32 @!p0 $0xFFFFF086;
	s6 =	sadd.s32 @!p0 s3, s7;
	s7 =	simm.s32 @!p0 $0x108  }
0x21: {  	s3 =	sadd.s32 s3, s9;
	s6 =	sadd.s32 @!p0 $0x88, s6;
	s7 =	simm.s32 @p2 $0x1082  }
0x22: {  	[simem:s7], [sflag:s8] =	dma.local @!p0 [hbm:s6], $0xF7A  }
0x23: {  	s9 =	sor.u32 $0xD0000000, s2;
	s6 =	simm.s32 $0x108;
	_ =	swait.ge @!p0 [sflag:s8], $0x0  }
0x24: {  	s3 =	sadd.s32 $0x88, s3;
	s6 =	simm.s32 @!p1 $0x1082;
	[sflag:s4] =	ssyncset.s32 $0xFFFFF086  }
0x25: {  	[simem:s6], [sflag:s4] =	dma.local [hbm:s3], $0xF7A  }
0x26: {  	[smem:$0x3F98] =	sst s1;
	(tag) =	ssettag s2;
	_ =	strace s9  }
0x27: {  	s1 =	sld [smem:$0x3FA8]  }
0x28: {  	s2 =	sld [smem:$0x3FA9]  }
0x29: {  	s4 =	sld [smem:$0x3FAB]  }
0x2a: {  	p0 =	seq.s32 s5, $0x0;
	s5 =	sld [smem:$0x3FAC]  }
0x2b: {  	s6 =	sld [smem:$0x3FAD]  }
0x2c: {  	s7 =	sld [smem:$0x3FAE]  }
0x2d: {  	s3 =	simm.s32 $0x108;
	s8 =	sld [smem:$0x3FAF]  }
0x2e: {  	s3 =	simm.s32 @!p0 $0x1082;
	s9 =	sld [smem:$0x3FB0]  }
0x2f: {  	lr =	sadd.s32 s0, s3;
	s0 =	sld [smem:$0x3FA7]  }
0x30: {  	s3 =	sld [smem:$0x3FAA]  }
0x31: {  	[smem:$0x3FB3] =	sst s10  }
0x32: {  	s10 =	sld [smem:$0x3FB1];
	_ =	sdelay $0x3  }
0x33: {  	p0 =	seq.s32 s10, $0x1;
	s10 =	sld [smem:$0x3FB3];
	_ =	sdelay $0x3  }
0x34: {  	[smem:$0x3FB3] =	sst s10  }
0x35: {  	s10 =	sld [smem:$0x3FB2];
	_ =	sdelay $0x3  }
0x36: {  	p1 =	seq.s32 s10, $0x1;
	s10 =	sld [smem:$0x3FB3];
	_ =	sdelay $0x3  }
0x37: {  	[smem:$0x3FB3] =	sst s10  }
0x38: {  	s10 =	sld [smem:$0x3FB4]  }
0x39: {  	_ = 	snop;
	(pc) =	sbr.ind lr, $3  }
0x3a: {  	_ = 	snop  }
0x3b: {  	_ = 	snop  }
0x3c: {  	p2 =	seq.s32 s10, $0x1;
	s10 =	sld [smem:$0x3FB3]  }
0x3d: {  	_ =	shalt  }
0x3e: {  	_ =	shalt  }
0x3f: {  	_ =	shalt  }
0x40: {  	_ =	shalt  }
0x41: {  	_ =	shalt  }
0x42: {  	_ =	shalt  }
0x43: {  	_ =	shalt  }
0x44: {  	_ =	shalt  }
0x45: {  	_ =	shalt  }
0x46: {  	_ =	shalt  }
0x47: {  	_ =	shalt  }
0x48: {  	_ =	shalt  }
0x49: {  	_ =	shalt  }
0x4a: {  	_ =	shalt  }
0x4b: {  	_ =	shalt  }
0x4c: {  	_ =	shalt  }
0x4d: {  	_ =	shalt  }
0x4e: {  	_ =	shalt  }
0x4f: {  	_ =	shalt  }
0x50: {  	_ =	shalt  }
0x51: {  	_ =	shalt  }
0x52: {  	_ =	shalt  }
0x53: {  	_ =	shalt  }
0x54: {  	_ =	shalt  }
0x55: {  	_ =	shalt  }
0x56: {  	_ =	shalt  }
0x57: {  	_ =	shalt  }
0x58: {  	_ =	shalt  }
0x59: {  	_ =	shalt  }
0x5a: {  	_ =	shalt  }
0x5b: {  	_ =	shalt  }
0x5c: {  	_ =	shalt  }
0x5d: {  	_ =	shalt  }
0x5e: {  	_ =	shalt  }
0x5f: {  	_ =	shalt  }
0x60: {  	_ =	shalt  }
0x61: {  	_ =	shalt  }
0x62: {  	_ =	shalt  }
0x63: {  	_ =	shalt  }
0x64: {  	_ =	shalt  }
0x65: {  	_ =	shalt  }
0x66: {  	_ =	shalt  }
0x67: {  	_ =	shalt  }
0x68: {  	_ =	shalt  }
0x69: {  	_ =	shalt  }
0x6a: {  	_ =	shalt  }
0x6b: {  	_ =	shalt  }
0x6c: {  	_ =	shalt  }
0x6d: {  	_ =	shalt  }
0x6e: {  	_ =	shalt  }
0x6f: {  	_ =	shalt  }
0x70: {  	_ =	shalt  }
0x71: {  	_ =	shalt  }
0x72: {  	_ =	shalt  }
0x73: {  	_ =	shalt  }
0x74: {  	_ =	shalt  }
0x75: {  	_ =	shalt  }
0x76: {  	_ =	shalt  }
0x77: {  	_ =	shalt  }
0x78: {  	_ =	shalt  }
0x79: {  	_ =	shalt  }
0x7a: {  	_ =	shalt  }
0x7b: {  	_ =	shalt  }
0x7c: {  	_ =	shalt  }
0x7d: {  	_ =	shalt  }
0x7e: {  	_ =	shalt  }
0x7f: {  	_ =	shalt  }
0x80: {  	_ =	shalt  }
0x81: {  	_ =	shalt  }
0x82: {  	_ =	shalt  }
0x83: {  	_ =	shalt  }
0x84: {  	_ =	shalt  }
0x85: {  	_ =	shalt  }
0x86: {  	_ =	shalt  }
0x87: {  	_ =	shalt  }
.Lfunc_end0:
.L_simem_size_0:
called_computation.1_lowered:
.L_overlay_start_0:
0x88: {  	s2 =	sld [smem:$0x3FD9]  }
0x89: {  	s3 =	sld [smem:$0x3FFE];
	_ =	sdelay $0x1  }
0x8a: {  	s1 =	srdreg.scid  }
0x8b: {  	s0 =	sand.u32 $0x1, s1  }
0x8c: {  	s16 =	sshll.u32 s0, $0xA;
	s2 =	sadd.s32 s3, s2  }
0x8d: {  	s2 =	sadd.s32 s2, s16  }
0x8e: {  	[smem:$0x3FBF] =	sst s2  }
0x8f: {  	_ = 	snop  }
0x90: {  	(tm) =	ssettm $0x1  }
0x91: {  	s17 =	sld [smem:$0x3FFB];
	_ =	sdelay $0x3  }
0x92: {  	_ =	strace s17  }
0x93: {  	s2 =	sld [smem:$0x3FFC];
	_ =	sdelay $0x3  }
0x94: {  	_ =	strace s2  }
0x95: {  	s2 =	sld [smem:$0x3FFD];
	_ =	sdelay $0x3  }
0x96: {  	_ =	strace s2  }
0x97: {  	_ =	strace $0x8FFFFFFF  }
0x98: {  	s18 =	sld [smem:$0x3FDB];
	_ =	sdelay $0x1  }
0x99: {  	s19 =	simm.s32 $_scs_section_size  }
0x9a: {  	s4 =	simm.s32 $_size__tile_overlayer_lowered;
	s5 =	simm.s32 $_tile_overlayer_lowered  }
0x9b: {  	s22 =	simm.s32 $0x1BFF;
	s21 =	sshll.u32 s5, $0x1;
	s2 =	sadd.s32 s19, s18  }
0x9c: {  	s6 =	simm.s32 $0x0;
	s20 =	sshll.u32 s4, $0x1;
	s4 =	sadd.s32 s21, s2  }
0x9d: {  	[timem:s6], [sflag:s22] =	dma.local [hbm:s4], s20  }
0x9e: {  	_ =	swait.ge [sflag:s22], s20  }
0x9f: {  	s3 =	ssub.s32 $0x0, s20;
	[sflag:s22] =	ssyncset.done $0x0  }
0xa0: {  	[sflag:s22] =	ssyncadd.s32 s3;
	_ =	sdelay $0x1  }
0xa1: {  	s23 =	simm.s32 $0x1B8B  }
0xa2: {  	_ =	swait.ge [sflag:s23], $0x1  }
0xa3: {  	[sflag:s23] =	ssyncset.done $0x0  }
0xa4: {  	s25 =	simm.s32 $0x1B8E;
	s24 =	sld [smem:$0x3FFE];
	[sflag:s23] =	ssyncadd.s32 $0xFFFFFFFF  }
0xa5: {  	s26 =	simm.s32 $execute0_lowered;
	[smem:$0x3FD2] =	sst s25  }
0xa6: {  	s4 =	sshll.u32 s26, $0x1;
	_ =	strace $0x80000049;
	[dreg:$0x1] =	wrdreg $0xFFFFFFFF  }
0xa7: {  	s28 =	simm.s32 $_size_execute0_lowered;
	s2 =	sadd.s32 s2, s4;
	[dreg:$0x0] =	wrdreg $0x0  }
0xa8: {  	s4 =	sshll.u32 s28, $0x1;
	[dreg:$0x2] =	wrdreg s2  }
0xa9: {  	[dreg:$0x3] =	wrdreg s4  }
0xaa: {  	[dreg:$0x4] =	wrdreg $0xC0  }
0xab: {  	_ =	task [dreg:s6], $0x5FFFF  }
0xac: {  	[dreg:$0x1] =	wrdreg $0xFFFFFFFF  }
0xad: {  	[dreg:$0x0] =	wrdreg $0x60  }
0xae: {  	[dreg:$0x2] =	wrdreg s24  }
0xaf: {  	[dreg:$0x3] =	wrdreg $0xB8000  }
0xb0: {  	[dreg:$0x4] =	wrdreg $0x9  }
0xb1: {  	_ =	task.clear_ibuf [dreg:s6], $0x5FFFF;
	_ =	strace $0x90000049  }
0xb2: {  	s29 =	simm.s32 $0x9;
	_ =	strace $0x8000004B  }
0xb3: {  	_ =	swait.ge [sflag:s29], $0x1  }
0xb4: {  	[sflag:s29] =	ssyncadd.s32 $0xFFFFFFFF  }
0xb5: {  	_ =	strace $0x9000004B  }
0xb6: {  	_ =	sfence  }
0xb7: {  	s30 =	sld [smem:$0x0];
	_ =	sdelay $0x2  }
0xb8: {  	s31 =	sshll.u32 s1, $0xD;
	s1 =	sshrl.u32 s1, $0x2  }
0xb9: {  	s3 =	sand.u32 $0x4000, s31;
	s1 =	sadd.s32 s1, s30  }
0xba: {  	s0 =	sor.u32 s3, s0;
	s1 =	sshll.u32 s1, $0x11  }
0xbb: {  	s0 =	sor.u32 s1, s0  }
0xbc: {  	s0 =	sadd.s32 $0x8F2B, s0  }
0xbd: {  	[sflag:s0] =	ssyncadd.remote.s32 $0x1  }
0xbe: {  	_ =	sfence.sel $0xFFFF  }
0xbf: {  	[dreg:$0x0] =	wrdreg $0xFFFFFFFF;
	(pc) =	sbr.abs _section_cstart, $3  }
0xc0: {  	[dreg:$0x1] =	wrdreg $0xFFFFFFFF  }
0xc1: {  	_ =	task.clear_ibuf [dreg:s6], $0x2FFFF;
	_ =	strace $0x9FFFFFFF  }
0xc2: {  	(tm) =	ssettm $0x7FFFFFFF  }
0xc3: {  	_ =	shalt  }
tec
execute0_lowered:
.L_overlay_start_1:
0x0: {  	(tag) =	ssettag $0x1  }
0x1: {  	s6 =	rddreg [dreg:$0x0]  }
0x2: {  	s2 =	rddreg [dreg:$0x1];
	s3 =	srdreg.scid  }
0x3: {  	s1 =	stileid.u32;
	s0 =	rddreg [dreg:$0x2];
	s18 =	simm.s32 $0x1  }
0x4: {  	s19 =	simm.s32 $0x2;
	s20 =	simm.s32 $0x4F80;
	s21 =	simm.s32 $0x7700  }
0x5: {  	s22 =	simm.s32 $0x7780;
	s23 =	simm.s32 $0x0;
	s7 =	sand.u32 $0x1, s3  }
0x6: {  	s4 =	sshll.u32 s1, $0x1;
	s3 =	simm.s32 $0x0;
	s8 =	smul.u32 $0xA000, s1  }
0x7: {  	s5 =	sadd.s32 $0xC2E00, s6;
	s12 =	sadd.s32 $0xFEE00, s6;
	s13 =	sadd.s32 $0xEAE00, s6  }
0x8: {  	s15 =	sadd.s32 $0x112E00, s6;
	s16 =	sadd.s32 $0x126E00, s6;
	s31 =	sshll.u32 s1, $0x6  }
0x9: {  	s4 =	sor.u32 s7, s4;
	[smem:$0x7FF] =	sst s3;
	s14 =	ssub.s32 $0x2, s7  }
0xa: {  	p0 =	seq.s32 s7, $0x0;
	s9 =	smul.u32 $0x500, s4;
	_ =	strace $0x8000004A  }
0xb: {  	s4 =	sadd.s32 $0xAEE00, s6;
	s10 =	sshrl.u32 s8, $0x3;
	s30 =	sshrl.u32 s14, $0x1  }
0xc: {  	s17 =	sadd.s32 s8, s2;
	s15 =	smov.u32 @p0 s12;
	s16 =	smov.u32 @p0 s13  }
0xd: {  	s12 =	sor.u32 $0x1C03, s31;
	s11 =	sadd.s32 s10, s6;
	s14 =	ssub.s32 s14, s30  }
0xe: {  	s13 =	sshrl.u32 s17, $0x3;
	s17 =	simm.s32 $0x9800;
	s9 =	sadd.s32 s9, s6  }
0xf: {  	s7 =	sadd.s32 $0xD6E00, s11;
	s8 =	smax.u32 s14, $0x1;
	s11 =	simm.s32 $0x3  }
0x10: {  	s14 =	simm.s32 $0x80;
	s6 =	sadd.s32 $0x4E00, s9;
	s9 =	sadd.s32 s15, s10  }
0x11: {  	s10 =	sadd.s32 s16, s10;
	s15 =	simm.s32 $0x2800;
	s16 =	simm.s32 $0x7800  }
.LBB2_1:
0x12: {  	[tilespmem:s3], [sflag:$0x3] =	stream.linear.gather [hbm4b:s6+s3], $0x2800, $0x38;
	[tilespmem:$0x15800] =	vst v63  }
0x13: {  	_ =	swait.ge [sflag:s11], $0x2800  }
0x14: {  	[sflag:s11] =	ssyncset.done $0x0  }
0x15: {  	s24 =	simm.s32 $0x0;
	[sflag:s11] =	ssyncadd.s32 $0xFFFFD800  }
0x16: {  	v0 =	vld [tilespmem:s24+$0x70]  }
0x17: {  	v1 =	vld [tilespmem:s24+$0x0];
	_ =	sdelay $0x1  }
0x18: {  	v2 =	vld [tilespmem:s24+$0x10]  }
0x19: {  	v5 =	vld [tilespmem:s24+$0x40]  }
0x1a: {  	v6 =	vshrl.u32 v0, $0xE  }
0x1b: {  	v3 =	vld [tilespmem:s24+$0x20];
	v8 =	vand.u32 $0x3FFF, v1;
	[tilespmem:s24+$0x5070] =	vst v6  }
0x1c: {  	v1 =	vshrl.u32 v1, $0xE;
	[tilespmem:s24+$0x2800] =	vst v8  }
0x1d: {  	v4 =	vld [tilespmem:s24+$0x30];
	v62 =	vand.u32 $0x3FFF, v2;
	[tilespmem:s24+$0x5000] =	vst v1  }
0x1e: {  	v7 =	vld [tilespmem:s24+$0x50];
	v63 =	vand.u32 $0x3FFF, v5;
	[tilespmem:s24+$0x2810] =	vst v62  }
0x1f: {  	v6 =	vld [tilespmem:s24+$0x60];
	v1 =	vshrl.u32 v2, $0xE;
	[tilespmem:s24+$0x2840] =	vst v63  }
0x20: {  	v2 =	vand.u32 $0x3FFF, v3;
	[tilespmem:s24+$0x5010] =	vst v1  }
0x21: {  	v1 =	vshrl.u32 v3, $0xE;
	[tilespmem:s24+$0x2820] =	vst v2  }
0x22: {  	v0 =	vand.u32 $0x3FFF, v0;
	v2 =	vand.u32 $0x3FFF, v4;
	[tilespmem:s24+$0x5020] =	vst v1  }
0x23: {  	v5 =	vshrl.u32 v5, $0xE;
	v3 =	vshrl.u32 v7, $0xE;
	v1 =	vshrl.u32 v4, $0xE;
	[tilespmem:s24+$0x2830] =	vst v2  }
0x24: {  	s25 =	simm.s32 $0x80;
	s26 =	simm.s32 $0x400;
	v4 =	vand.u32 $0x3FFF, v7;
	[tilespmem:s24+$0x5030] =	vst v1;
	v2 =	vand.u32 $0x3FFF, v6;
	v1 =	vshrl.u32 v6, $0xE  }
.LBB2_2:
0x25: {  	p0 =	sne.s32 s26, $0x9E00;
	v6 =	vld [tilespmem:s25+$0x70];
	[tilespmem:s24+$0x5040] =	vst v5  }
0x26: {  	v5 =	vld [tilespmem:s25+$0x0];
	[tilespmem:s24+$0x2850] =	vst v4  }
0x27: {  	v4 =	vld [tilespmem:s25+$0x10];
	[tilespmem:s24+$0x5050] =	vst v3  }
0x28: {  	v3 =	vld [tilespmem:s25+$0x20];
	[tilespmem:s24+$0x2860] =	vst v2  }
0x29: {  	v2 =	vld [tilespmem:s25+$0x30];
	[tilespmem:s24+$0x5060] =	vst v1  }
0x2a: {  	v1 =	vld [tilespmem:s25+$0x40];
	v7 =	vshrl.u32 v6, $0xE;
	[tilespmem:s24+$0x2870] =	vst v0;
	v0 =	vand.u32 $0x3FFF, v6;
	s24 =	smov.u32 s25  }
0x2b: {  	v6 =	vand.u32 $0x3FFF, v5;
	v5 =	vshrl.u32 v5, $0xE;
	v8 =	vld [tilespmem:s24+$0x50];
	[tilespmem:s24+$0x5070] =	vst v7  }
0x2c: {  	[tilespmem:s24+$0x2800] =	vst v6;
	v6 =	vand.u32 $0x3FFF, v4;
	v4 =	vshrl.u32 v4, $0xE;
	v7 =	vld [tilespmem:s24+$0x60]  }
0x2d: {  	[tilespmem:s24+$0x5000] =	vst v5;
	v9 =	vand.u32 $0x3FFF, v3;
	v10 =	vshrl.u32 v3, $0xE  }
0x2e: {  	[tilespmem:s24+$0x2810] =	vst v6;
	v6 =	vand.u32 $0x3FFF, v2;
	v11 =	vshrl.u32 v2, $0xE  }
0x2f: {  	[tilespmem:s24+$0x5010] =	vst v4;
	v12 =	vand.u32 $0x3FFF, v1;
	v5 =	vshrl.u32 v1, $0xE  }
.Ltmp0:
0x30: {  	[tilespmem:s24+$0x2820] =	vst v9;
	v4 =	vand.u32 $0x3FFF, v8;
	v3 =	vshrl.u32 v8, $0xE;
	(pc) =	sbr.rel @p0 .LBB2_2-.Ltmp0, $4  }
0x31: {  	[tilespmem:s24+$0x5020] =	vst v10;
	v2 =	vand.u32 $0x3FFF, v7;
	v1 =	vshrl.u32 v7, $0xE  }
0x32: {  	[tilespmem:s24+$0x2830] =	vst v6  }
0x33: {  	[tilespmem:s24+$0x5030] =	vst v11  }
0x34: {  	s25 =	sshra.s32 s26, $0x2;
	s26 =	sadd.s32 $0x200, s26;
	[tilespmem:s24+$0x2840] =	vst v12  }
0x35: {  	v6 =	vld [tilespmem:s25+$0x70];
	[tilespmem:s24+$0x5040] =	vst v5  }
0x36: {  	v5 =	vld [tilespmem:s25+$0x0];
	[tilespmem:s24+$0x2850] =	vst v4  }
0x37: {  	v4 =	vld [tilespmem:s25+$0x10];
	[tilespmem:s24+$0x5050] =	vst v3  }
0x38: {  	v3 =	vld [tilespmem:s25+$0x20];
	[tilespmem:s24+$0x2860] =	vst v2  }
0x39: {  	v2 =	vld [tilespmem:s25+$0x30];
	[tilespmem:s24+$0x5060] =	vst v1  }
0x3a: {  	v1 =	vld [tilespmem:s25+$0x40];
	[tilespmem:s24+$0x2870] =	vst v0;
	v48 =	vshrl.u32 v6, $0xE  }
0x3b: {  	v63 =	vand.u32 $0x3FFF, v6;
	[tilespmem:s25+$0x5070] =	vst v48  }
0x3c: {  	v8 =	vand.u32 $0x3FFF, v5;
	[tilespmem:s25+$0x2870] =	vst v63  }
0x3d: {  	v49 =	vshrl.u32 v5, $0xE;
	[tilespmem:s25+$0x2800] =	vst v8  }
0x3e: {  	v51 =	vand.u32 $0x3FFF, v4;
	[tilespmem:s25+$0x5000] =	vst v49  }
0x3f: {  	v52 =	vshrl.u32 v4, $0xE;
	[tilespmem:s25+$0x2810] =	vst v51  }
0x40: {  	v53 =	vand.u32 $0x3FFF, v3;
	[tilespmem:s25+$0x5010] =	vst v52  }
0x41: {  	v7 =	vld [tilespmem:s25+$0x50];
	v54 =	vshrl.u32 v3, $0xE;
	[tilespmem:s25+$0x2820] =	vst v53  }
0x42: {  	v55 =	vand.u32 $0x3FFF, v2;
	[tilespmem:s25+$0x5020] =	vst v54  }
0x43: {  	v50 =	vld [tilespmem:s25+$0x60];
	v56 =	vshrl.u32 v2, $0xE;
	[tilespmem:s25+$0x2830] =	vst v55  }
0x44: {  	v57 =	vand.u32 $0x3FFF, v1;
	[tilespmem:s25+$0x5030] =	vst v56  }
0x45: {  	v58 =	vshrl.u32 v1, $0xE;
	[tilespmem:s25+$0x2840] =	vst v57  }
0x46: {  	v59 =	vand.u32 $0x3FFF, v7;
	[tilespmem:s25+$0x5040] =	vst v58  }
0x47: {  	v60 =	vshrl.u32 v7, $0xE;
	[tilespmem:s25+$0x2850] =	vst v59  }
0x48: {  	v61 =	vand.u32 $0x3FFF, v50;
	[tilespmem:s25+$0x5050] =	vst v60  }
0x49: {  	v62 =	vshrl.u32 v50, $0xE;
	[tilespmem:s25+$0x2860] =	vst v61  }
0x4a: {  	[tilespmem:s25+$0x5060] =	vst v62  }
0x4b: {  	[spmem:s13], [sflag:s12] =	dma.local [hbm:s7], $0x1400  }
0x4c: {  	_ =	swait.ge [sflag:s11], $0x1400  }
0x4d: {  	[sflag:s11] =	ssyncset.done $0x0  }
0x4e: {  	[sflag:s11] =	ssyncadd.s32 $0xFFFFEC00  }
0x4f: {  	[bflag:$0x0] =	sbarrier.arrive $0xFFFF  }
0x50: {  	[tilespmem:s16], [sflag:$0x1] =	stream.indirect.gather [hbm4b:s4+s14], $0x40, s15, s14, $0xb8;
	[tilespmem:$0x15800] =	vst v63  }
0x51: {  	s28 =	simm.s32 $0x2880  }
0x52: {  	[tilespmem:s17], [sflag:$0x2] =	stream.indirect.gather [hbm4b:s4+s14], $0x40, s28, s14, $0xb8;
	[tilespmem:$0x15800] =	vst v63  }
0x53: {  	_ =	swait.ge [sflag:s18], $0x2000  }
0x54: {  	[sflag:s18] =	ssyncset.done $0x0  }
0x55: {  	s29 =	simm.s32 $0x5000;
	[sflag:s18] =	ssyncadd.s32 $0xFFFFE000  }
0x56: {  	[spmem:s2] =	stream.indirect.scatter.add.f32 [tilespmem:s16], [sflag:$0x3], $0x40, s29, s14, $0xb8;
	[tilespmem:$0x15800] =	vst v63  }
0x57: {  	_ =	swait.ge [sflag:s11], $0x2000  }
0x58: {  	[sflag:s11] =	ssyncset.done $0x0  }
0x59: {  	s30 =	simm.s32 $0x2900;
	[sflag:s11] =	ssyncadd.s32 $0xFFFFE000  }
0x5a: {  	[tilespmem:s16], [sflag:$0x1] =	stream.indirect.gather [hbm4b:s4+s14], $0x40, s30, s14, $0xb8;
	[tilespmem:$0x15800] =	vst v63  }
0x5b: {  	_ =	swait.ge [sflag:s19], $0x2000  }
0x5c: {  	[sflag:s19] =	ssyncset.done $0x0  }
0x5d: {  	s31 =	simm.s32 $0x5080;
	[sflag:s19] =	ssyncadd.s32 $0xFFFFE000  }
0x5e: {  	[spmem:s2] =	stream.indirect.scatter.add.f32 [tilespmem:s17], [sflag:$0x3], $0x40, s31, s14, $0xb8;
	[tilespmem:$0x15800] =	vst v63  }
0x5f: {  	_ =	swait.ge [sflag:s11], $0x2000  }
0x60: {  	s24 =	simm.s32 $0x100;
	s25 =	simm.s32 $0x800;
	[sflag:s11] =	ssyncset.done $0x0  }
.LBB2_4:
0x61: {  	s26 =	sadd.s32 $0x2880, s24  }
0x62: {  	[sflag:s11] =	ssyncadd.s32 $0xFFFFE000;
	s28 =	smov.u32 s25;
	s29 =	sadd.s32 $0x400, s25  }
0x63: {  	[tilespmem:s17], [sflag:$0x2] =	stream.indirect.gather [hbm4b:s4+s14], $0x40, s26, s14, $0xb8;
	[tilespmem:$0x15800] =	vst v63  }
0x64: {  	p0 =	sne.s32 s25, $0x9800;
	_ =	swait.ge [sflag:s18], $0x2000  }
0x65: {  	[sflag:s18] =	ssyncset.done $0x0  }
0x66: {  	s25 =	sadd.s32 $0x5000, s24;
	[sflag:s18] =	ssyncadd.s32 $0xFFFFE000  }
0x67: {  	[spmem:s2] =	stream.indirect.scatter.add.f32 [tilespmem:s16], [sflag:$0x3], $0x40, s25, s14, $0xb8;
	[tilespmem:$0x15800] =	vst v63  }
0x68: {  	_ =	swait.ge [sflag:s11], $0x2000  }
0x69: {  	[sflag:s11] =	ssyncset.done $0x0  }
0x6a: {  	s25 =	sadd.s32 $0x2900, s24;
	[sflag:s11] =	ssyncadd.s32 $0xFFFFE000  }
0x6b: {  	[tilespmem:s16], [sflag:$0x1] =	stream.indirect.gather [hbm4b:s4+s14], $0x40, s25, s14, $0xb8;
	[tilespmem:$0x15800] =	vst v63  }
0x6c: {  	_ =	swait.ge [sflag:s19], $0x2000  }
.Ltmp1:
0x6d: {  	[sflag:s19] =	ssyncset.done $0x0;
	(pc) =	sbr.rel @p0 .LBB2_4-.Ltmp1, $4  }
0x6e: {  	s24 =	sadd.s32 $0x5080, s24;
	[sflag:s19] =	ssyncadd.s32 $0xFFFFE000  }
0x6f: {  	[spmem:s2] =	stream.indirect.scatter.add.f32 [tilespmem:s17], [sflag:$0x3], $0x40, s24, s14, $0xb8;
	[tilespmem:$0x15800] =	vst v63  }
0x70: {  	_ =	swait.ge [sflag:s11], $0x2000  }
0x71: {  	s25 =	smov.u32 s29;
	s24 =	sshra.s32 s28, $0x2;
	[sflag:s11] =	ssyncset.done $0x0  }
0x72: {  	s25 =	sadd.s32 $0x2880, s24;
	[sflag:s11] =	ssyncadd.s32 $0xFFFFE000  }
0x73: {  	[tilespmem:s17], [sflag:$0x2] =	stream.indirect.gather [hbm4b:s4+s14], $0x40, s25, s14, $0xb8;
	[tilespmem:$0x15800] =	vst v63  }
0x74: {  	_ =	swait.ge [sflag:s18], $0x2000  }
0x75: {  	[sflag:s18] =	ssyncset.done $0x0  }
0x76: {  	s30 =	sadd.s32 $0x5000, s24;
	[sflag:s18] =	ssyncadd.s32 $0xFFFFE000  }
0x77: {  	[spmem:s2] =	stream.indirect.scatter.add.f32 [tilespmem:s16], [sflag:$0x3], $0x40, s30, s14, $0xb8;
	[tilespmem:$0x15800] =	vst v63  }
0x78: {  	_ =	swait.ge [sflag:s11], $0x2000  }
0x79: {  	[sflag:s11] =	ssyncset.done $0x0  }
0x7a: {  	s31 =	sadd.s32 $0x2900, s24;
	[sflag:s11] =	ssyncadd.s32 $0xFFFFE000  }
0x7b: {  	[tilespmem:s16], [sflag:$0x1] =	stream.indirect.gather [hbm4b:s4+s14], $0x40, s31, s14, $0xb8;
	[tilespmem:$0x15800] =	vst v63  }
0x7c: {  	_ =	swait.ge [sflag:s19], $0x2000  }
0x7d: {  	[sflag:s19] =	ssyncset.done $0x0  }
0x7e: {  	s26 =	sadd.s32 $0x5080, s24;
	[sflag:s19] =	ssyncadd.s32 $0xFFFFE000  }
0x7f: {  	[spmem:s2] =	stream.indirect.scatter.add.f32 [tilespmem:s17], [sflag:$0x3], $0x40, s26, s14, $0xb8;
	[tilespmem:$0x15800] =	vst v63  }
0x80: {  	_ =	swait.ge [sflag:s11], $0x2000  }
0x81: {  	[sflag:s11] =	ssyncset.done $0x0  }
0x82: {  	[sflag:s11] =	ssyncadd.s32 $0xFFFFE000  }
0x83: {  	[tilespmem:s17], [sflag:$0x2] =	stream.indirect.gather [hbm4b:s4+s14], $0x40, s20, s14, $0xb8;
	[tilespmem:$0x15800] =	vst v63  }
0x84: {  	_ =	swait.ge [sflag:s18], $0x2000  }
0x85: {  	[sflag:s18] =	ssyncset.done $0x0  }
0x86: {  	[sflag:s18] =	ssyncadd.s32 $0xFFFFE000  }
0x87: {  	[spmem:s2] =	stream.indirect.scatter.add.f32 [tilespmem:s16], [sflag:$0x3], $0x40, s21, s14, $0xb8;
	[tilespmem:$0x15800] =	vst v63  }
0x88: {  	_ =	swait.ge [sflag:s11], $0x2000  }
0x89: {  	[sflag:s11] =	ssyncset.done $0x0  }
0x8a: {  	[sflag:s11] =	ssyncadd.s32 $0xFFFFE000  }
0x8b: {  	_ =	swait.ge [sflag:s19], $0x2000  }
0x8c: {  	[sflag:s19] =	ssyncset.done $0x0  }
0x8d: {  	[sflag:s19] =	ssyncadd.s32 $0xFFFFE000  }
0x8e: {  	[spmem:s2] =	stream.indirect.scatter.add.f32 [tilespmem:s17], [sflag:$0x3], $0x40, s22, s14, $0xb8;
	[tilespmem:$0x15800] =	vst v63  }
0x8f: {  	_ =	swait.ge [sflag:s11], $0x2000  }
0x90: {  	[sflag:s11] =	ssyncset.done $0x0  }
0x91: {  	[sflag:s11] =	ssyncadd.s32 $0xFFFFE000  }
0x92: {  	[bflag:$0x0] =	sbarrier.arrive $0xFFFF  }
0x93: {  	[hbm:s9], [sflag:s12] =	dma.local [spmem:s13], $0x1400  }
0x94: {  	_ =	swait.ge [sflag:s11], $0x1400  }
0x95: {  	[sflag:s11] =	ssyncset.done $0x0  }
0x96: {  	[sflag:s11] =	ssyncadd.s32 $0xFFFFEC00  }
0x97: {  	[bflag:$0x0] =	sbarrier.arrive $0xFFFF  }
0x98: {  	[spmem:s13], [sflag:s12] =	dma.local [hbm:s7], $0x1400  }
0x99: {  	_ =	swait.ge [sflag:s11], $0x1400  }
0x9a: {  	[sflag:s11] =	ssyncset.done $0x0  }
0x9b: {  	[sflag:s11] =	ssyncadd.s32 $0xFFFFEC00  }
0x9c: {  	[bflag:$0x0] =	sbarrier.arrive $0xFFFF  }
0x9d: {  	[tilespmem:s16], [sflag:$0x1] =	stream.indirect.gather [hbm4b:s5+s14], $0x40, s15, s14, $0xb8;
	[tilespmem:$0x15800] =	vst v63  }
0x9e: {  	s28 =	simm.s32 $0x2880  }
0x9f: {  	[tilespmem:s17], [sflag:$0x2] =	stream.indirect.gather [hbm4b:s5+s14], $0x40, s28, s14, $0xb8;
	[tilespmem:$0x15800] =	vst v63  }
0xa0: {  	_ =	swait.ge [sflag:s18], $0x2000  }
0xa1: {  	[sflag:s18] =	ssyncset.done $0x0  }
0xa2: {  	s29 =	simm.s32 $0x5000;
	[sflag:s18] =	ssyncadd.s32 $0xFFFFE000  }
0xa3: {  	[spmem:s2] =	stream.indirect.scatter.add.f32 [tilespmem:s16], [sflag:$0x3], $0x40, s29, s14, $0xb8;
	[tilespmem:$0x15800] =	vst v63  }
0xa4: {  	_ =	swait.ge [sflag:s11], $0x2000  }
0xa5: {  	[sflag:s11] =	ssyncset.done $0x0  }
0xa6: {  	s30 =	simm.s32 $0x2900;
	[sflag:s11] =	ssyncadd.s32 $0xFFFFE000  }
0xa7: {  	[tilespmem:s16], [sflag:$0x1] =	stream.indirect.gather [hbm4b:s5+s14], $0x40, s30, s14, $0xb8;
	[tilespmem:$0x15800] =	vst v63  }
0xa8: {  	_ =	swait.ge [sflag:s19], $0x2000  }
0xa9: {  	[sflag:s19] =	ssyncset.done $0x0  }
0xaa: {  	s31 =	simm.s32 $0x5080;
	[sflag:s19] =	ssyncadd.s32 $0xFFFFE000  }
0xab: {  	[spmem:s2] =	stream.indirect.scatter.add.f32 [tilespmem:s17], [sflag:$0x3], $0x40, s31, s14, $0xb8;
	[tilespmem:$0x15800] =	vst v63  }
0xac: {  	_ =	swait.ge [sflag:s11], $0x2000  }
0xad: {  	s24 =	simm.s32 $0x100;
	s25 =	simm.s32 $0x800;
	[sflag:s11] =	ssyncset.done $0x0  }
.LBB2_6:
0xae: {  	s26 =	sadd.s32 $0x2880, s24  }
0xaf: {  	[sflag:s11] =	ssyncadd.s32 $0xFFFFE000;
	s28 =	smov.u32 s25;
	s29 =	sadd.s32 $0x400, s25  }
0xb0: {  	[tilespmem:s17], [sflag:$0x2] =	stream.indirect.gather [hbm4b:s5+s14], $0x40, s26, s14, $0xb8;
	[tilespmem:$0x15800] =	vst v63  }
0xb1: {  	p0 =	sne.s32 s25, $0x9800;
	_ =	swait.ge [sflag:s18], $0x2000  }
0xb2: {  	[sflag:s18] =	ssyncset.done $0x0  }
0xb3: {  	s25 =	sadd.s32 $0x5000, s24;
	[sflag:s18] =	ssyncadd.s32 $0xFFFFE000  }
0xb4: {  	[spmem:s2] =	stream.indirect.scatter.add.f32 [tilespmem:s16], [sflag:$0x3], $0x40, s25, s14, $0xb8;
	[tilespmem:$0x15800] =	vst v63  }
0xb5: {  	_ =	swait.ge [sflag:s11], $0x2000  }
0xb6: {  	[sflag:s11] =	ssyncset.done $0x0  }
0xb7: {  	s25 =	sadd.s32 $0x2900, s24;
	[sflag:s11] =	ssyncadd.s32 $0xFFFFE000  }
0xb8: {  	[tilespmem:s16], [sflag:$0x1] =	stream.indirect.gather [hbm4b:s5+s14], $0x40, s25, s14, $0xb8;
	[tilespmem:$0x15800] =	vst v63  }
0xb9: {  	_ =	swait.ge [sflag:s19], $0x2000  }
.Ltmp2:
0xba: {  	[sflag:s19] =	ssyncset.done $0x0;
	(pc) =	sbr.rel @p0 .LBB2_6-.Ltmp2, $4  }
0xbb: {  	s24 =	sadd.s32 $0x5080, s24;
	[sflag:s19] =	ssyncadd.s32 $0xFFFFE000  }
0xbc: {  	[spmem:s2] =	stream.indirect.scatter.add.f32 [tilespmem:s17], [sflag:$0x3], $0x40, s24, s14, $0xb8;
	[tilespmem:$0x15800] =	vst v63  }
0xbd: {  	_ =	swait.ge [sflag:s11], $0x2000  }
0xbe: {  	s25 =	smov.u32 s29;
	s24 =	sshra.s32 s28, $0x2;
	[sflag:s11] =	ssyncset.done $0x0  }
0xbf: {  	s25 =	sadd.s32 $0x2880, s24;
	[sflag:s11] =	ssyncadd.s32 $0xFFFFE000  }
0xc0: {  	[tilespmem:s17], [sflag:$0x2] =	stream.indirect.gather [hbm4b:s5+s14], $0x40, s25, s14, $0xb8;
	[tilespmem:$0x15800] =	vst v63  }
0xc1: {  	_ =	swait.ge [sflag:s18], $0x2000  }
0xc2: {  	[sflag:s18] =	ssyncset.done $0x0  }
0xc3: {  	s29 =	sadd.s32 $0x5000, s24;
	[sflag:s18] =	ssyncadd.s32 $0xFFFFE000  }
0xc4: {  	[spmem:s2] =	stream.indirect.scatter.add.f32 [tilespmem:s16], [sflag:$0x3], $0x40, s29, s14, $0xb8;
	[tilespmem:$0x15800] =	vst v63  }
0xc5: {  	_ =	swait.ge [sflag:s11], $0x2000  }
0xc6: {  	[sflag:s11] =	ssyncset.done $0x0  }
0xc7: {  	s30 =	sadd.s32 $0x2900, s24;
	[sflag:s11] =	ssyncadd.s32 $0xFFFFE000  }
0xc8: {  	[tilespmem:s16], [sflag:$0x1] =	stream.indirect.gather [hbm4b:s5+s14], $0x40, s30, s14, $0xb8;
	[tilespmem:$0x15800] =	vst v63  }
0xc9: {  	_ =	swait.ge [sflag:s19], $0x2000  }
0xca: {  	[sflag:s19] =	ssyncset.done $0x0  }
0xcb: {  	s31 =	sadd.s32 $0x5080, s24;
	[sflag:s19] =	ssyncadd.s32 $0xFFFFE000  }
0xcc: {  	[spmem:s2] =	stream.indirect.scatter.add.f32 [tilespmem:s17], [sflag:$0x3], $0x40, s31, s14, $0xb8;
	[tilespmem:$0x15800] =	vst v63  }
0xcd: {  	_ =	swait.ge [sflag:s11], $0x2000  }
0xce: {  	[sflag:s11] =	ssyncset.done $0x0  }
0xcf: {  	[sflag:s11] =	ssyncadd.s32 $0xFFFFE000  }
0xd0: {  	[tilespmem:s17], [sflag:$0x2] =	stream.indirect.gather [hbm4b:s5+s14], $0x40, s20, s14, $0xb8;
	[tilespmem:$0x15800] =	vst v63  }
0xd1: {  	_ =	swait.ge [sflag:s18], $0x2000  }
0xd2: {  	[sflag:s18] =	ssyncset.done $0x0  }
0xd3: {  	[sflag:s18] =	ssyncadd.s32 $0xFFFFE000  }
0xd4: {  	[spmem:s2] =	stream.indirect.scatter.add.f32 [tilespmem:s16], [sflag:$0x3], $0x40, s21, s14, $0xb8;
	[tilespmem:$0x15800] =	vst v63  }
0xd5: {  	_ =	swait.ge [sflag:s11], $0x2000  }
0xd6: {  	[sflag:s11] =	ssyncset.done $0x0  }
0xd7: {  	[sflag:s11] =	ssyncadd.s32 $0xFFFFE000  }
0xd8: {  	_ =	swait.ge [sflag:s19], $0x2000  }
0xd9: {  	[sflag:s19] =	ssyncset.done $0x0  }
0xda: {  	[sflag:s19] =	ssyncadd.s32 $0xFFFFE000  }
0xdb: {  	[spmem:s2] =	stream.indirect.scatter.add.f32 [tilespmem:s17], [sflag:$0x3], $0x40, s22, s14, $0xb8;
	[tilespmem:$0x15800] =	vst v63  }
0xdc: {  	_ =	swait.ge [sflag:s11], $0x2000  }
0xdd: {  	[sflag:s11] =	ssyncset.done $0x0  }
0xde: {  	s23 =	sadd.s32 $0x1, s23;
	[sflag:s11] =	ssyncadd.s32 $0xFFFFE000  }
0xdf: {  	p0 =	sne.s32 s23, s8;
	[bflag:$0x0] =	sbarrier.arrive $0xFFFF  }
0xe0: {  	[hbm:s10], [sflag:s12] =	dma.local [spmem:s13], $0x1400  }
.Ltmp3:
0xe1: {  	_ =	swait.ge [sflag:s11], $0x1400;
	(pc) =	sbr.rel @p0 .LBB2_1-.Ltmp3, $3  }
0xe2: {  	[sflag:s11] =	ssyncset.done $0x0  }
0xe3: {  	[sflag:s11] =	ssyncadd.s32 $0xFFFFEC00  }
0xe4: {  	[bflag:$0x0] =	sbarrier.arrive $0xFFFF;
	_ =	sdelay $0x1  }
0xe5: {  	_ =	sfence.sel $0x180000  }
0xe6: {  	[bflag:$0x0] =	sbarrier.arrive $0xFFFF  }
0xe7: {  	p0 =	sne.s32 s1, $0x0;
	_ =	strace $0x9000004A  }
0xe8: {  	s0 =	sadd.s32 @!p0 $0x100000, s0;
	[bflag:$0x2] =	sbarrier.arrive $0xFFFF  }
0xe9: {  	[sflag:s0] =	ssyncadd.tile.s32 @!p0 $0x1;
	_ =	shalt  }
.Lfunc_end2:
_tile_overlayer_lowered:
.L_overlay_start_2:
0xea: {  	(tag) =	ssettag $0x2  }
0xeb: {  	s0 =	rddreg [dreg:$0x0];
	s2 =	stileid.u32  }
0xec: {  	s1 =	rddreg [dreg:$0x1];
	p0 =	sne.s32 s2, $0x0  }
0xed: {  	s3 =	rddreg [dreg:$0x2];
	[bflag:$0x3] =	sbarrier.arrive $0xFFFF;
	s2 =	simm.s32 @!p0 $0x1C03  }
0xee: {  	[timem:s3], [sflag:s2] =	dma.local @!p0 [hbm:s0], s1  }
0xef: {  	s0 =	simm.s32 @!p0 $0x3  }
0xf0: {  	_ =	swait.ge @!p0 [sflag:s0], s1  }
0xf1: {  	s1 =	ssub.s32 @!p0 $0x0, s1;
	[sflag:s0] =	ssyncset.done @!p0 $0x0  }
0xf2: {  	[sflag:s0] =	ssyncadd.s32 @!p0 s1  }
0xf3: {  	[bflag:$0x3] =	sbarrier.arrive $0xFFFF  }
0xf4: {  	_ =	shalt  }

// kernel: kernel.15.cloned.1.call-start
scs
__scs_entry_jumppad:
0x0: {  	(pc) =	sbr.rel $0x88, $3  }
0x1: {  	(tag) =	ssettag $0x0;
	lr =	simm.s32 $0x1  }
0x2: {  	[smem:$0x3F98] =	sst lr;
	_ =	strace $0xD0000000  }
0x3: {  	_ = 	snop  }
0x4: {  	_ = 	snop  }
0x5: {  	_ = 	snop  }
0x6: {  	_ = 	snop  }
0x7: {  	_ = 	snop  }
__scs_overlays_trampoline_lowered:
0x8: {  	[smem:$0x3FA7] =	sst s0  }
0x9: {  	[smem:$0x3FA8] =	sst s1  }
0xa: {  	[smem:$0x3FA9] =	sst s2  }
0xb: {  	[smem:$0x3FAA] =	sst s3  }
0xc: {  	[smem:$0x3FAB] =	sst s4  }
0xd: {  	[smem:$0x3FAC] =	sst s5  }
0xe: {  	[smem:$0x3FAD] =	sst s6  }
0xf: {  	[smem:$0x3FAE] =	sst s7  }
0x10: {  	[smem:$0x3FAF] =	sst s8  }
0x11: {  	[smem:$0x3FB0] =	sst s9;
	s0 =	simm.s32 @!p0 $0x0  }
0x12: {  	s1 =	sld [smem:$0x3F96];
	s0 =	simm.s32 @p0 $0x1  }
0x13: {  	[smem:$0x3FB1] =	sst s0;
	s0 =	simm.s32 @!p1 $0x0  }
0x14: {  	s2 =	sld [smem:$0x3F95];
	s0 =	simm.s32 @p1 $0x1  }
0x15: {  	[smem:$0x3FB2] =	sst s0;
	s0 =	simm.s32 @!p2 $0x0  }
0x16: {  	s3 =	sld [smem:$0x3FDB];
	s0 =	simm.s32 @p2 $0x1  }
0x17: {  	s4 =	simm.s32 $0x1BF5;
	[smem:$0x3FB4] =	sst s0  }
0x18: {  	s0 =	sld [smem:$0x3F97];
	_ =	swait.ge [sflag:s4], $0x0  }
0x19: {  	s7 =	sld [smem:$0x3F98]  }
0x1a: {  	s8 =	sadd.s32 $0xFFFFE003, lr  }
0x1b: {  	s9 =	sadd.s32 $0xFFFFFEF7, lr;
	s5 =	simm.s32 $0xFFFFFFFF;
	p2 =	slt.u32 s8, $0xFFFFF086  }
0x1c: {  	p1 =	slt.u32 s9, $0xF7A;
	s5 =	simm.s32 @!p2 $0x0  }
0x1d: {  	s5 =	simm.s32 @p1 $0x1;
	p0 =	seq.s32 s7, s2  }
0x1e: {  	s7 =	smul.u32 @!p0 $0xF7A, s2;
	p2 =	seq.s32 @!p0 s5, $0x0  }
0x1f: {  	s9 =	smul.u32 $0xF7A, s1;
	s8 =	simm.s32 @!p0 $0x1BF5;
	p2 =	por !p2, p0  }
0x20: {  	[sflag:s8] =	ssyncset.s32 @!p0 $0xFFFFF086;
	s6 =	sadd.s32 @!p0 s3, s7;
	s7 =	simm.s32 @!p0 $0x108  }
0x21: {  	s3 =	sadd.s32 s3, s9;
	s6 =	sadd.s32 @!p0 $0x88, s6;
	s7 =	simm.s32 @p2 $0x1082  }
0x22: {  	[simem:s7], [sflag:s8] =	dma.local @!p0 [hbm:s6], $0xF7A  }
0x23: {  	s9 =	sor.u32 $0xD0000000, s2;
	s6 =	simm.s32 $0x108;
	_ =	swait.ge @!p0 [sflag:s8], $0x0  }
0x24: {  	s3 =	sadd.s32 $0x88, s3;
	s6 =	simm.s32 @!p1 $0x1082;
	[sflag:s4] =	ssyncset.s32 $0xFFFFF086  }
0x25: {  	[simem:s6], [sflag:s4] =	dma.local [hbm:s3], $0xF7A  }
0x26: {  	[smem:$0x3F98] =	sst s1;
	(tag) =	ssettag s2;
	_ =	strace s9  }
0x27: {  	s1 =	sld [smem:$0x3FA8]  }
0x28: {  	s2 =	sld [smem:$0x3FA9]  }
0x29: {  	s4 =	sld [smem:$0x3FAB]  }
0x2a: {  	p0 =	seq.s32 s5, $0x0;
	s5 =	sld [smem:$0x3FAC]  }
0x2b: {  	s6 =	sld [smem:$0x3FAD]  }
0x2c: {  	s7 =	sld [smem:$0x3FAE]  }
0x2d: {  	s3 =	simm.s32 $0x108;
	s8 =	sld [smem:$0x3FAF]  }
0x2e: {  	s3 =	simm.s32 @!p0 $0x1082;
	s9 =	sld [smem:$0x3FB0]  }
0x2f: {  	lr =	sadd.s32 s0, s3;
	s0 =	sld [smem:$0x3FA7]  }
0x30: {  	s3 =	sld [smem:$0x3FAA]  }
0x31: {  	[smem:$0x3FB3] =	sst s10  }
0x32: {  	s10 =	sld [smem:$0x3FB1];
	_ =	sdelay $0x3  }
0x33: {  	p0 =	seq.s32 s10, $0x1;
	s10 =	sld [smem:$0x3FB3];
	_ =	sdelay $0x3  }
0x34: {  	[smem:$0x3FB3] =	sst s10  }
0x35: {  	s10 =	sld [smem:$0x3FB2];
	_ =	sdelay $0x3  }
0x36: {  	p1 =	seq.s32 s10, $0x1;
	s10 =	sld [smem:$0x3FB3];
	_ =	sdelay $0x3  }
0x37: {  	[smem:$0x3FB3] =	sst s10  }
0x38: {  	s10 =	sld [smem:$0x3FB4]  }
0x39: {  	_ = 	snop;
	(pc) =	sbr.ind lr, $3  }
0x3a: {  	_ = 	snop  }
0x3b: {  	_ = 	snop  }
0x3c: {  	p2 =	seq.s32 s10, $0x1;
	s10 =	sld [smem:$0x3FB3]  }
0x3d: {  	_ =	shalt  }
0x3e: {  	_ =	shalt  }
0x3f: {  	_ =	shalt  }
0x40: {  	_ =	shalt  }
0x41: {  	_ =	shalt  }
0x42: {  	_ =	shalt  }
0x43: {  	_ =	shalt  }
0x44: {  	_ =	shalt  }
0x45: {  	_ =	shalt  }
0x46: {  	_ =	shalt  }
0x47: {  	_ =	shalt  }
0x48: {  	_ =	shalt  }
0x49: {  	_ =	shalt  }
0x4a: {  	_ =	shalt  }
0x4b: {  	_ =	shalt  }
0x4c: {  	_ =	shalt  }
0x4d: {  	_ =	shalt  }
0x4e: {  	_ =	shalt  }
0x4f: {  	_ =	shalt  }
0x50: {  	_ =	shalt  }
0x51: {  	_ =	shalt  }
0x52: {  	_ =	shalt  }
0x53: {  	_ =	shalt  }
0x54: {  	_ =	shalt  }
0x55: {  	_ =	shalt  }
0x56: {  	_ =	shalt  }
0x57: {  	_ =	shalt  }
0x58: {  	_ =	shalt  }
0x59: {  	_ =	shalt  }
0x5a: {  	_ =	shalt  }
0x5b: {  	_ =	shalt  }
0x5c: {  	_ =	shalt  }
0x5d: {  	_ =	shalt  }
0x5e: {  	_ =	shalt  }
0x5f: {  	_ =	shalt  }
0x60: {  	_ =	shalt  }
0x61: {  	_ =	shalt  }
0x62: {  	_ =	shalt  }
0x63: {  	_ =	shalt  }
0x64: {  	_ =	shalt  }
0x65: {  	_ =	shalt  }
0x66: {  	_ =	shalt  }
0x67: {  	_ =	shalt  }
0x68: {  	_ =	shalt  }
0x69: {  	_ =	shalt  }
0x6a: {  	_ =	shalt  }
0x6b: {  	_ =	shalt  }
0x6c: {  	_ =	shalt  }
0x6d: {  	_ =	shalt  }
0x6e: {  	_ =	shalt  }
0x6f: {  	_ =	shalt  }
0x70: {  	_ =	shalt  }
0x71: {  	_ =	shalt  }
0x72: {  	_ =	shalt  }
0x73: {  	_ =	shalt  }
0x74: {  	_ =	shalt  }
0x75: {  	_ =	shalt  }
0x76: {  	_ =	shalt  }
0x77: {  	_ =	shalt  }
0x78: {  	_ =	shalt  }
0x79: {  	_ =	shalt  }
0x7a: {  	_ =	shalt  }
0x7b: {  	_ =	shalt  }
0x7c: {  	_ =	shalt  }
0x7d: {  	_ =	shalt  }
0x7e: {  	_ =	shalt  }
0x7f: {  	_ =	shalt  }
0x80: {  	_ =	shalt  }
0x81: {  	_ =	shalt  }
0x82: {  	_ =	shalt  }
0x83: {  	_ =	shalt  }
0x84: {  	_ =	shalt  }
0x85: {  	_ =	shalt  }
0x86: {  	_ =	shalt  }
0x87: {  	_ =	shalt  }
.Lfunc_end0:
.L_simem_size_0:
called_computation.2_lowered:
.L_overlay_start_0:
0x88: {  	s2 =	sld [smem:$0x3FD9]  }
0x89: {  	s3 =	sld [smem:$0x3FFE];
	_ =	sdelay $0x1  }
0x8a: {  	s1 =	srdreg.scid  }
0x8b: {  	s0 =	sand.u32 $0x1, s1  }
0x8c: {  	s16 =	sshll.u32 s0, $0xA;
	s2 =	sadd.s32 s3, s2  }
0x8d: {  	s2 =	sadd.s32 s2, s16  }
0x8e: {  	[smem:$0x3FBF] =	sst s2  }
0x8f: {  	_ = 	snop  }
0x90: {  	(tm) =	ssettm $0x1  }
0x91: {  	s17 =	sld [smem:$0x3FFB];
	_ =	sdelay $0x3  }
0x92: {  	_ =	strace s17  }
0x93: {  	s2 =	sld [smem:$0x3FFC];
	_ =	sdelay $0x3  }
0x94: {  	_ =	strace s2  }
0x95: {  	s2 =	sld [smem:$0x3FFD];
	_ =	sdelay $0x3  }
0x96: {  	_ =	strace s2  }
0x97: {  	_ =	strace $0x8FFFFFFF  }
0x98: {  	s18 =	sld [smem:$0x3FDB];
	_ =	sdelay $0x1  }
0x99: {  	s19 =	simm.s32 $_scs_section_size  }
0x9a: {  	s4 =	simm.s32 $_size__tile_overlayer_lowered;
	s5 =	simm.s32 $_tile_overlayer_lowered  }
0x9b: {  	s22 =	simm.s32 $0x1BFF;
	s21 =	sshll.u32 s5, $0x1;
	s2 =	sadd.s32 s19, s18  }
0x9c: {  	s6 =	simm.s32 $0x0;
	s20 =	sshll.u32 s4, $0x1;
	s4 =	sadd.s32 s21, s2  }
0x9d: {  	[timem:s6], [sflag:s22] =	dma.local [hbm:s4], s20  }
0x9e: {  	_ =	swait.ge [sflag:s22], s20  }
0x9f: {  	s3 =	ssub.s32 $0x0, s20;
	[sflag:s22] =	ssyncset.done $0x0  }
0xa0: {  	[sflag:s22] =	ssyncadd.s32 s3;
	_ =	sdelay $0x1  }
0xa1: {  	s23 =	simm.s32 $0x1B8B  }
0xa2: {  	_ =	swait.ge [sflag:s23], $0x1  }
0xa3: {  	[sflag:s23] =	ssyncset.done $0x0  }
0xa4: {  	s25 =	simm.s32 $0x1B8E;
	s24 =	sld [smem:$0x3FFE];
	[sflag:s23] =	ssyncadd.s32 $0xFFFFFFFF  }
0xa5: {  	s26 =	simm.s32 $execute0_lowered;
	[smem:$0x3FD2] =	sst s25  }
0xa6: {  	s4 =	sshll.u32 s26, $0x1;
	_ =	strace $0x8000004C;
	[dreg:$0x1] =	wrdreg $0xFFFFFFFF  }
0xa7: {  	s28 =	simm.s32 $_size_execute0_lowered;
	s2 =	sadd.s32 s2, s4;
	[dreg:$0x0] =	wrdreg $0x0  }
0xa8: {  	s4 =	sshll.u32 s28, $0x1;
	[dreg:$0x2] =	wrdreg s2  }
0xa9: {  	[dreg:$0x3] =	wrdreg s4  }
0xaa: {  	[dreg:$0x4] =	wrdreg $0xC0  }
0xab: {  	_ =	task [dreg:s6], $0x5FFFF  }
0xac: {  	[dreg:$0x1] =	wrdreg $0xFFFFFFFF  }
0xad: {  	[dreg:$0x0] =	wrdreg $0x60  }
0xae: {  	[dreg:$0x2] =	wrdreg s24  }
0xaf: {  	[dreg:$0x3] =	wrdreg $0xB8000  }
0xb0: {  	[dreg:$0x4] =	wrdreg $0x9  }
0xb1: {  	_ =	task.clear_ibuf [dreg:s6], $0x5FFFF;
	_ =	strace $0x9000004C  }
0xb2: {  	s29 =	simm.s32 $0x9;
	_ =	strace $0x8000004E  }
0xb3: {  	_ =	swait.ge [sflag:s29], $0x1  }
0xb4: {  	[sflag:s29] =	ssyncadd.s32 $0xFFFFFFFF  }
0xb5: {  	_ =	strace $0x9000004E  }
0xb6: {  	_ =	sfence  }
0xb7: {  	s30 =	sld [smem:$0x0];
	_ =	sdelay $0x2  }
0xb8: {  	s31 =	sshll.u32 s1, $0xD;
	s1 =	sshrl.u32 s1, $0x2  }
0xb9: {  	s3 =	sand.u32 $0x4000, s31;
	s1 =	sadd.s32 s1, s30  }
0xba: {  	s0 =	sor.u32 s3, s0;
	s1 =	sshll.u32 s1, $0x11  }
0xbb: {  	s0 =	sor.u32 s1, s0  }
0xbc: {  	s0 =	sadd.s32 $0x8F2B, s0  }
0xbd: {  	[sflag:s0] =	ssyncadd.remote.s32 $0x1  }
0xbe: {  	_ =	sfence.sel $0xFFFF  }
0xbf: {  	[dreg:$0x0] =	wrdreg $0xFFFFFFFF;
	(pc) =	sbr.abs _section_cstart, $3  }
0xc0: {  	[dreg:$0x1] =	wrdreg $0xFFFFFFFF  }
0xc1: {  	_ =	task.clear_ibuf [dreg:s6], $0x2FFFF;
	_ =	strace $0x9FFFFFFF  }
0xc2: {  	(tm) =	ssettm $0x7FFFFFFF  }
0xc3: {  	_ =	shalt  }
tec
execute0_lowered:
.L_overlay_start_1:
0x0: {  	(tag) =	ssettag $0x1  }
0x1: {  	s6 =	rddreg [dreg:$0x0]  }
0x2: {  	s2 =	rddreg [dreg:$0x1];
	s3 =	srdreg.scid  }
0x3: {  	s1 =	stileid.u32;
	s0 =	rddreg [dreg:$0x2];
	s18 =	simm.s32 $0x1  }
0x4: {  	s19 =	simm.s32 $0x2;
	s20 =	simm.s32 $0x4F80;
	s21 =	simm.s32 $0x7700  }
0x5: {  	s22 =	simm.s32 $0x7780;
	s23 =	simm.s32 $0x0;
	s7 =	sand.u32 $0x1, s3  }
0x6: {  	s4 =	sshll.u32 s1, $0x1;
	s3 =	simm.s32 $0x0;
	s8 =	smul.u32 $0xA000, s1  }
0x7: {  	s5 =	sadd.s32 $0x22E00, s6;
	s12 =	sadd.s32 $0x5EE00, s6;
	s13 =	sadd.s32 $0x72E00, s6  }
0x8: {  	s15 =	sadd.s32 $0x86E00, s6;
	s16 =	sadd.s32 $0x9AE00, s6;
	s31 =	sshll.u32 s1, $0x6  }
0x9: {  	s4 =	sor.u32 s7, s4;
	[smem:$0x7FF] =	sst s3;
	s14 =	ssub.s32 $0x2, s7  }
0xa: {  	p0 =	seq.s32 s7, $0x0;
	s9 =	smul.u32 $0x500, s4;
	_ =	strace $0x8000004D  }
0xb: {  	s4 =	sadd.s32 $0xEE00, s6;
	s10 =	sshrl.u32 s8, $0x3;
	s30 =	sshrl.u32 s14, $0x1  }
0xc: {  	s17 =	sadd.s32 s8, s2;
	s15 =	smov.u32 @p0 s12;
	s16 =	smov.u32 @p0 s13  }
0xd: {  	s12 =	sor.u32 $0x1C03, s31;
	s11 =	sadd.s32 s10, s6;
	s14 =	ssub.s32 s14, s30  }
0xe: {  	s13 =	sshrl.u32 s17, $0x3;
	s17 =	simm.s32 $0x9800;
	s9 =	sadd.s32 s9, s6  }
0xf: {  	s7 =	sadd.s32 $0xD6E00, s11;
	s8 =	smax.u32 s14, $0x1;
	s11 =	simm.s32 $0x3  }
0x10: {  	s14 =	simm.s32 $0x80;
	s6 =	sadd.s32 $0x4E00, s9;
	s9 =	sadd.s32 s15, s10  }
0x11: {  	s10 =	sadd.s32 s16, s10;
	s15 =	simm.s32 $0x2800;
	s16 =	simm.s32 $0x7800  }
.LBB2_1:
0x12: {  	[tilespmem:s3], [sflag:$0x3] =	stream.linear.gather [hbm4b:s6+s3], $0x2800, $0x38;
	[tilespmem:$0x15800] =	vst v63  }
0x13: {  	_ =	swait.ge [sflag:s11], $0x2800  }
0x14: {  	[sflag:s11] =	ssyncset.done $0x0  }
0x15: {  	s24 =	simm.s32 $0x0;
	[sflag:s11] =	ssyncadd.s32 $0xFFFFD800  }
0x16: {  	v0 =	vld [tilespmem:s24+$0x70]  }
0x17: {  	v1 =	vld [tilespmem:s24+$0x0];
	_ =	sdelay $0x1  }
0x18: {  	v2 =	vld [tilespmem:s24+$0x10]  }
0x19: {  	v5 =	vld [tilespmem:s24+$0x40]  }
0x1a: {  	v6 =	vshrl.u32 v0, $0xE  }
0x1b: {  	v3 =	vld [tilespmem:s24+$0x20];
	v8 =	vand.u32 $0x3FFF, v1;
	[tilespmem:s24+$0x5070] =	vst v6  }
0x1c: {  	v1 =	vshrl.u32 v1, $0xE;
	[tilespmem:s24+$0x2800] =	vst v8  }
0x1d: {  	v4 =	vld [tilespmem:s24+$0x30];
	v62 =	vand.u32 $0x3FFF, v2;
	[tilespmem:s24+$0x5000] =	vst v1  }
0x1e: {  	v7 =	vld [tilespmem:s24+$0x50];
	v63 =	vand.u32 $0x3FFF, v5;
	[tilespmem:s24+$0x2810] =	vst v62  }
0x1f: {  	v6 =	vld [tilespmem:s24+$0x60];
	v1 =	vshrl.u32 v2, $0xE;
	[tilespmem:s24+$0x2840] =	vst v63  }
0x20: {  	v2 =	vand.u32 $0x3FFF, v3;
	[tilespmem:s24+$0x5010] =	vst v1  }
0x21: {  	v1 =	vshrl.u32 v3, $0xE;
	[tilespmem:s24+$0x2820] =	vst v2  }
0x22: {  	v0 =	vand.u32 $0x3FFF, v0;
	v2 =	vand.u32 $0x3FFF, v4;
	[tilespmem:s24+$0x5020] =	vst v1  }
0x23: {  	v5 =	vshrl.u32 v5, $0xE;
	v3 =	vshrl.u32 v7, $0xE;
	v1 =	vshrl.u32 v4, $0xE;
	[tilespmem:s24+$0x2830] =	vst v2  }
0x24: {  	s25 =	simm.s32 $0x80;
	s26 =	simm.s32 $0x400;
	v4 =	vand.u32 $0x3FFF, v7;
	[tilespmem:s24+$0x5030] =	vst v1;
	v2 =	vand.u32 $0x3FFF, v6;
	v1 =	vshrl.u32 v6, $0xE  }
.LBB2_2:
0x25: {  	p0 =	sne.s32 s26, $0x9E00;
	v6 =	vld [tilespmem:s25+$0x70];
	[tilespmem:s24+$0x5040] =	vst v5  }
0x26: {  	v5 =	vld [tilespmem:s25+$0x0];
	[tilespmem:s24+$0x2850] =	vst v4  }
0x27: {  	v4 =	vld [tilespmem:s25+$0x10];
	[tilespmem:s24+$0x5050] =	vst v3  }
0x28: {  	v3 =	vld [tilespmem:s25+$0x20];
	[tilespmem:s24+$0x2860] =	vst v2  }
0x29: {  	v2 =	vld [tilespmem:s25+$0x30];
	[tilespmem:s24+$0x5060] =	vst v1  }
0x2a: {  	v1 =	vld [tilespmem:s25+$0x40];
	v7 =	vshrl.u32 v6, $0xE;
	[tilespmem:s24+$0x2870] =	vst v0;
	v0 =	vand.u32 $0x3FFF, v6;
	s24 =	smov.u32 s25  }
0x2b: {  	v6 =	vand.u32 $0x3FFF, v5;
	v5 =	vshrl.u32 v5, $0xE;
	v8 =	vld [tilespmem:s24+$0x50];
	[tilespmem:s24+$0x5070] =	vst v7  }
0x2c: {  	[tilespmem:s24+$0x2800] =	vst v6;
	v6 =	vand.u32 $0x3FFF, v4;
	v4 =	vshrl.u32 v4, $0xE;
	v7 =	vld [tilespmem:s24+$0x60]  }
0x2d: {  	[tilespmem:s24+$0x5000] =	vst v5;
	v9 =	vand.u32 $0x3FFF, v3;
	v10 =	vshrl.u32 v3, $0xE  }
0x2e: {  	[tilespmem:s24+$0x2810] =	vst v6;
	v6 =	vand.u32 $0x3FFF, v2;
	v11 =	vshrl.u32 v2, $0xE  }
0x2f: {  	[tilespmem:s24+$0x5010] =	vst v4;
	v12 =	vand.u32 $0x3FFF, v1;
	v5 =	vshrl.u32 v1, $0xE  }
.Ltmp0:
0x30: {  	[tilespmem:s24+$0x2820] =	vst v9;
	v4 =	vand.u32 $0x3FFF, v8;
	v3 =	vshrl.u32 v8, $0xE;
	(pc) =	sbr.rel @p0 .LBB2_2-.Ltmp0, $4  }
0x31: {  	[tilespmem:s24+$0x5020] =	vst v10;
	v2 =	vand.u32 $0x3FFF, v7;
	v1 =	vshrl.u32 v7, $0xE  }
0x32: {  	[tilespmem:s24+$0x2830] =	vst v6  }
0x33: {  	[tilespmem:s24+$0x5030] =	vst v11  }
0x34: {  	s25 =	sshra.s32 s26, $0x2;
	s26 =	sadd.s32 $0x200, s26;
	[tilespmem:s24+$0x2840] =	vst v12  }
0x35: {  	v6 =	vld [tilespmem:s25+$0x70];
	[tilespmem:s24+$0x5040] =	vst v5  }
0x36: {  	v5 =	vld [tilespmem:s25+$0x0];
	[tilespmem:s24+$0x2850] =	vst v4  }
0x37: {  	v4 =	vld [tilespmem:s25+$0x10];
	[tilespmem:s24+$0x5050] =	vst v3  }
0x38: {  	v3 =	vld [tilespmem:s25+$0x20];
	[tilespmem:s24+$0x2860] =	vst v2  }
0x39: {  	v2 =	vld [tilespmem:s25+$0x30];
	[tilespmem:s24+$0x5060] =	vst v1  }
0x3a: {  	v1 =	vld [tilespmem:s25+$0x40];
	[tilespmem:s24+$0x2870] =	vst v0;
	v48 =	vshrl.u32 v6, $0xE  }
0x3b: {  	v63 =	vand.u32 $0x3FFF, v6;
	[tilespmem:s25+$0x5070] =	vst v48  }
0x3c: {  	v8 =	vand.u32 $0x3FFF, v5;
	[tilespmem:s25+$0x2870] =	vst v63  }
0x3d: {  	v49 =	vshrl.u32 v5, $0xE;
	[tilespmem:s25+$0x2800] =	vst v8  }
0x3e: {  	v51 =	vand.u32 $0x3FFF, v4;
	[tilespmem:s25+$0x5000] =	vst v49  }
0x3f: {  	v52 =	vshrl.u32 v4, $0xE;
	[tilespmem:s25+$0x2810] =	vst v51  }
0x40: {  	v53 =	vand.u32 $0x3FFF, v3;
	[tilespmem:s25+$0x5010] =	vst v52  }
0x41: {  	v7 =	vld [tilespmem:s25+$0x50];
	v54 =	vshrl.u32 v3, $0xE;
	[tilespmem:s25+$0x2820] =	vst v53  }
0x42: {  	v55 =	vand.u32 $0x3FFF, v2;
	[tilespmem:s25+$0x5020] =	vst v54  }
0x43: {  	v50 =	vld [tilespmem:s25+$0x60];
	v56 =	vshrl.u32 v2, $0xE;
	[tilespmem:s25+$0x2830] =	vst v55  }
0x44: {  	v57 =	vand.u32 $0x3FFF, v1;
	[tilespmem:s25+$0x5030] =	vst v56  }
0x45: {  	v58 =	vshrl.u32 v1, $0xE;
	[tilespmem:s25+$0x2840] =	vst v57  }
0x46: {  	v59 =	vand.u32 $0x3FFF, v7;
	[tilespmem:s25+$0x5040] =	vst v58  }
0x47: {  	v60 =	vshrl.u32 v7, $0xE;
	[tilespmem:s25+$0x2850] =	vst v59  }
0x48: {  	v61 =	vand.u32 $0x3FFF, v50;
	[tilespmem:s25+$0x5050] =	vst v60  }
0x49: {  	v62 =	vshrl.u32 v50, $0xE;
	[tilespmem:s25+$0x2860] =	vst v61  }
0x4a: {  	[tilespmem:s25+$0x5060] =	vst v62  }
0x4b: {  	[spmem:s13], [sflag:s12] =	dma.local [hbm:s7], $0x1400  }
0x4c: {  	_ =	swait.ge [sflag:s11], $0x1400  }
0x4d: {  	[sflag:s11] =	ssyncset.done $0x0  }
0x4e: {  	[sflag:s11] =	ssyncadd.s32 $0xFFFFEC00  }
0x4f: {  	[bflag:$0x0] =	sbarrier.arrive $0xFFFF  }
0x50: {  	[tilespmem:s16], [sflag:$0x1] =	stream.indirect.gather [hbm4b:s4+s14], $0x40, s15, s14, $0xb8;
	[tilespmem:$0x15800] =	vst v63  }
0x51: {  	s28 =	simm.s32 $0x2880  }
0x52: {  	[tilespmem:s17], [sflag:$0x2] =	stream.indirect.gather [hbm4b:s4+s14], $0x40, s28, s14, $0xb8;
	[tilespmem:$0x15800] =	vst v63  }
0x53: {  	_ =	swait.ge [sflag:s18], $0x2000  }
0x54: {  	[sflag:s18] =	ssyncset.done $0x0  }
0x55: {  	s29 =	simm.s32 $0x5000;
	[sflag:s18] =	ssyncadd.s32 $0xFFFFE000  }
0x56: {  	[spmem:s2] =	stream.indirect.scatter.add.f32 [tilespmem:s16], [sflag:$0x3], $0x40, s29, s14, $0xb8;
	[tilespmem:$0x15800] =	vst v63  }
0x57: {  	_ =	swait.ge [sflag:s11], $0x2000  }
0x58: {  	[sflag:s11] =	ssyncset.done $0x0  }
0x59: {  	s30 =	simm.s32 $0x2900;
	[sflag:s11] =	ssyncadd.s32 $0xFFFFE000  }
0x5a: {  	[tilespmem:s16], [sflag:$0x1] =	stream.indirect.gather [hbm4b:s4+s14], $0x40, s30, s14, $0xb8;
	[tilespmem:$0x15800] =	vst v63  }
0x5b: {  	_ =	swait.ge [sflag:s19], $0x2000  }
0x5c: {  	[sflag:s19] =	ssyncset.done $0x0  }
0x5d: {  	s31 =	simm.s32 $0x5080;
	[sflag:s19] =	ssyncadd.s32 $0xFFFFE000  }
0x5e: {  	[spmem:s2] =	stream.indirect.scatter.add.f32 [tilespmem:s17], [sflag:$0x3], $0x40, s31, s14, $0xb8;
	[tilespmem:$0x15800] =	vst v63  }
0x5f: {  	_ =	swait.ge [sflag:s11], $0x2000  }
0x60: {  	s24 =	simm.s32 $0x100;
	s25 =	simm.s32 $0x800;
	[sflag:s11] =	ssyncset.done $0x0  }
.LBB2_4:
0x61: {  	s26 =	sadd.s32 $0x2880, s24  }
0x62: {  	[sflag:s11] =	ssyncadd.s32 $0xFFFFE000;
	s28 =	smov.u32 s25;
	s29 =	sadd.s32 $0x400, s25  }
0x63: {  	[tilespmem:s17], [sflag:$0x2] =	stream.indirect.gather [hbm4b:s4+s14], $0x40, s26, s14, $0xb8;
	[tilespmem:$0x15800] =	vst v63  }
0x64: {  	p0 =	sne.s32 s25, $0x9800;
	_ =	swait.ge [sflag:s18], $0x2000  }
0x65: {  	[sflag:s18] =	ssyncset.done $0x0  }
0x66: {  	s25 =	sadd.s32 $0x5000, s24;
	[sflag:s18] =	ssyncadd.s32 $0xFFFFE000  }
0x67: {  	[spmem:s2] =	stream.indirect.scatter.add.f32 [tilespmem:s16], [sflag:$0x3], $0x40, s25, s14, $0xb8;
	[tilespmem:$0x15800] =	vst v63  }
0x68: {  	_ =	swait.ge [sflag:s11], $0x2000  }
0x69: {  	[sflag:s11] =	ssyncset.done $0x0  }
0x6a: {  	s25 =	sadd.s32 $0x2900, s24;
	[sflag:s11] =	ssyncadd.s32 $0xFFFFE000  }
0x6b: {  	[tilespmem:s16], [sflag:$0x1] =	stream.indirect.gather [hbm4b:s4+s14], $0x40, s25, s14, $0xb8;
	[tilespmem:$0x15800] =	vst v63  }
0x6c: {  	_ =	swait.ge [sflag:s19], $0x2000  }
.Ltmp1:
0x6d: {  	[sflag:s19] =	ssyncset.done $0x0;
	(pc) =	sbr.rel @p0 .LBB2_4-.Ltmp1, $4  }
0x6e: {  	s24 =	sadd.s32 $0x5080, s24;
	[sflag:s19] =	ssyncadd.s32 $0xFFFFE000  }
0x6f: {  	[spmem:s2] =	stream.indirect.scatter.add.f32 [tilespmem:s17], [sflag:$0x3], $0x40, s24, s14, $0xb8;
	[tilespmem:$0x15800] =	vst v63  }
0x70: {  	_ =	swait.ge [sflag:s11], $0x2000  }
0x71: {  	s25 =	smov.u32 s29;
	s24 =	sshra.s32 s28, $0x2;
	[sflag:s11] =	ssyncset.done $0x0  }
0x72: {  	s25 =	sadd.s32 $0x2880, s24;
	[sflag:s11] =	ssyncadd.s32 $0xFFFFE000  }
0x73: {  	[tilespmem:s17], [sflag:$0x2] =	stream.indirect.gather [hbm4b:s4+s14], $0x40, s25, s14, $0xb8;
	[tilespmem:$0x15800] =	vst v63  }
0x74: {  	_ =	swait.ge [sflag:s18], $0x2000  }
0x75: {  	[sflag:s18] =	ssyncset.done $0x0  }
0x76: {  	s30 =	sadd.s32 $0x5000, s24;
	[sflag:s18] =	ssyncadd.s32 $0xFFFFE000  }
0x77: {  	[spmem:s2] =	stream.indirect.scatter.add.f32 [tilespmem:s16], [sflag:$0x3], $0x40, s30, s14, $0xb8;
	[tilespmem:$0x15800] =	vst v63  }
0x78: {  	_ =	swait.ge [sflag:s11], $0x2000  }
0x79: {  	[sflag:s11] =	ssyncset.done $0x0  }
0x7a: {  	s31 =	sadd.s32 $0x2900, s24;
	[sflag:s11] =	ssyncadd.s32 $0xFFFFE000  }
0x7b: {  	[tilespmem:s16], [sflag:$0x1] =	stream.indirect.gather [hbm4b:s4+s14], $0x40, s31, s14, $0xb8;
	[tilespmem:$0x15800] =	vst v63  }
0x7c: {  	_ =	swait.ge [sflag:s19], $0x2000  }
0x7d: {  	[sflag:s19] =	ssyncset.done $0x0  }
0x7e: {  	s26 =	sadd.s32 $0x5080, s24;
	[sflag:s19] =	ssyncadd.s32 $0xFFFFE000  }
0x7f: {  	[spmem:s2] =	stream.indirect.scatter.add.f32 [tilespmem:s17], [sflag:$0x3], $0x40, s26, s14, $0xb8;
	[tilespmem:$0x15800] =	vst v63  }
0x80: {  	_ =	swait.ge [sflag:s11], $0x2000  }
0x81: {  	[sflag:s11] =	ssyncset.done $0x0  }
0x82: {  	[sflag:s11] =	ssyncadd.s32 $0xFFFFE000  }
0x83: {  	[tilespmem:s17], [sflag:$0x2] =	stream.indirect.gather [hbm4b:s4+s14], $0x40, s20, s14, $0xb8;
	[tilespmem:$0x15800] =	vst v63  }
0x84: {  	_ =	swait.ge [sflag:s18], $0x2000  }
0x85: {  	[sflag:s18] =	ssyncset.done $0x0  }
0x86: {  	[sflag:s18] =	ssyncadd.s32 $0xFFFFE000  }
0x87: {  	[spmem:s2] =	stream.indirect.scatter.add.f32 [tilespmem:s16], [sflag:$0x3], $0x40, s21, s14, $0xb8;
	[tilespmem:$0x15800] =	vst v63  }
0x88: {  	_ =	swait.ge [sflag:s11], $0x2000  }
0x89: {  	[sflag:s11] =	ssyncset.done $0x0  }
0x8a: {  	[sflag:s11] =	ssyncadd.s32 $0xFFFFE000  }
0x8b: {  	_ =	swait.ge [sflag:s19], $0x2000  }
0x8c: {  	[sflag:s19] =	ssyncset.done $0x0  }
0x8d: {  	[sflag:s19] =	ssyncadd.s32 $0xFFFFE000  }
0x8e: {  	[spmem:s2] =	stream.indirect.scatter.add.f32 [tilespmem:s17], [sflag:$0x3], $0x40, s22, s14, $0xb8;
	[tilespmem:$0x15800] =	vst v63  }
0x8f: {  	_ =	swait.ge [sflag:s11], $0x2000  }
0x90: {  	[sflag:s11] =	ssyncset.done $0x0  }
0x91: {  	[sflag:s11] =	ssyncadd.s32 $0xFFFFE000  }
0x92: {  	[bflag:$0x0] =	sbarrier.arrive $0xFFFF  }
0x93: {  	[hbm:s9], [sflag:s12] =	dma.local [spmem:s13], $0x1400  }
0x94: {  	_ =	swait.ge [sflag:s11], $0x1400  }
0x95: {  	[sflag:s11] =	ssyncset.done $0x0  }
0x96: {  	[sflag:s11] =	ssyncadd.s32 $0xFFFFEC00  }
0x97: {  	[bflag:$0x0] =	sbarrier.arrive $0xFFFF  }
0x98: {  	[spmem:s13], [sflag:s12] =	dma.local [hbm:s7], $0x1400  }
0x99: {  	_ =	swait.ge [sflag:s11], $0x1400  }
0x9a: {  	[sflag:s11] =	ssyncset.done $0x0  }
0x9b: {  	[sflag:s11] =	ssyncadd.s32 $0xFFFFEC00  }
0x9c: {  	[bflag:$0x0] =	sbarrier.arrive $0xFFFF  }
0x9d: {  	[tilespmem:s16], [sflag:$0x1] =	stream.indirect.gather [hbm4b:s5+s14], $0x40, s15, s14, $0xb8;
	[tilespmem:$0x15800] =	vst v63  }
0x9e: {  	s28 =	simm.s32 $0x2880  }
0x9f: {  	[tilespmem:s17], [sflag:$0x2] =	stream.indirect.gather [hbm4b:s5+s14], $0x40, s28, s14, $0xb8;
	[tilespmem:$0x15800] =	vst v63  }
0xa0: {  	_ =	swait.ge [sflag:s18], $0x2000  }
0xa1: {  	[sflag:s18] =	ssyncset.done $0x0  }
0xa2: {  	s29 =	simm.s32 $0x5000;
	[sflag:s18] =	ssyncadd.s32 $0xFFFFE000  }
0xa3: {  	[spmem:s2] =	stream.indirect.scatter.add.f32 [tilespmem:s16], [sflag:$0x3], $0x40, s29, s14, $0xb8;
	[tilespmem:$0x15800] =	vst v63  }
0xa4: {  	_ =	swait.ge [sflag:s11], $0x2000  }
0xa5: {  	[sflag:s11] =	ssyncset.done $0x0  }
0xa6: {  	s30 =	simm.s32 $0x2900;
	[sflag:s11] =	ssyncadd.s32 $0xFFFFE000  }
0xa7: {  	[tilespmem:s16], [sflag:$0x1] =	stream.indirect.gather [hbm4b:s5+s14], $0x40, s30, s14, $0xb8;
	[tilespmem:$0x15800] =	vst v63  }
0xa8: {  	_ =	swait.ge [sflag:s19], $0x2000  }
0xa9: {  	[sflag:s19] =	ssyncset.done $0x0  }
0xaa: {  	s31 =	simm.s32 $0x5080;
	[sflag:s19] =	ssyncadd.s32 $0xFFFFE000  }
0xab: {  	[spmem:s2] =	stream.indirect.scatter.add.f32 [tilespmem:s17], [sflag:$0x3], $0x40, s31, s14, $0xb8;
	[tilespmem:$0x15800] =	vst v63  }
0xac: {  	_ =	swait.ge [sflag:s11], $0x2000  }
0xad: {  	s24 =	simm.s32 $0x100;
	s25 =	simm.s32 $0x800;
	[sflag:s11] =	ssyncset.done $0x0  }
.LBB2_6:
0xae: {  	s26 =	sadd.s32 $0x2880, s24  }
0xaf: {  	[sflag:s11] =	ssyncadd.s32 $0xFFFFE000;
	s28 =	smov.u32 s25;
	s29 =	sadd.s32 $0x400, s25  }
0xb0: {  	[tilespmem:s17], [sflag:$0x2] =	stream.indirect.gather [hbm4b:s5+s14], $0x40, s26, s14, $0xb8;
	[tilespmem:$0x15800] =	vst v63  }
0xb1: {  	p0 =	sne.s32 s25, $0x9800;
	_ =	swait.ge [sflag:s18], $0x2000  }
0xb2: {  	[sflag:s18] =	ssyncset.done $0x0  }
0xb3: {  	s25 =	sadd.s32 $0x5000, s24;
	[sflag:s18] =	ssyncadd.s32 $0xFFFFE000  }
0xb4: {  	[spmem:s2] =	stream.indirect.scatter.add.f32 [tilespmem:s16], [sflag:$0x3], $0x40, s25, s14, $0xb8;
	[tilespmem:$0x15800] =	vst v63  }
0xb5: {  	_ =	swait.ge [sflag:s11], $0x2000  }
0xb6: {  	[sflag:s11] =	ssyncset.done $0x0  }
0xb7: {  	s25 =	sadd.s32 $0x2900, s24;
	[sflag:s11] =	ssyncadd.s32 $0xFFFFE000  }
0xb8: {  	[tilespmem:s16], [sflag:$0x1] =	stream.indirect.gather [hbm4b:s5+s14], $0x40, s25, s14, $0xb8;
	[tilespmem:$0x15800] =	vst v63  }
0xb9: {  	_ =	swait.ge [sflag:s19], $0x2000  }
.Ltmp2:
0xba: {  	[sflag:s19] =	ssyncset.done $0x0;
	(pc) =	sbr.rel @p0 .LBB2_6-.Ltmp2, $4  }
0xbb: {  	s24 =	sadd.s32 $0x5080, s24;
	[sflag:s19] =	ssyncadd.s32 $0xFFFFE000  }
0xbc: {  	[spmem:s2] =	stream.indirect.scatter.add.f32 [tilespmem:s17], [sflag:$0x3], $0x40, s24, s14, $0xb8;
	[tilespmem:$0x15800] =	vst v63  }
0xbd: {  	_ =	swait.ge [sflag:s11], $0x2000  }
0xbe: {  	s25 =	smov.u32 s29;
	s24 =	sshra.s32 s28, $0x2;
	[sflag:s11] =	ssyncset.done $0x0  }
0xbf: {  	s25 =	sadd.s32 $0x2880, s24;
	[sflag:s11] =	ssyncadd.s32 $0xFFFFE000  }
0xc0: {  	[tilespmem:s17], [sflag:$0x2] =	stream.indirect.gather [hbm4b:s5+s14], $0x40, s25, s14, $0xb8;
	[tilespmem:$0x15800] =	vst v63  }
0xc1: {  	_ =	swait.ge [sflag:s18], $0x2000  }
0xc2: {  	[sflag:s18] =	ssyncset.done $0x0  }
0xc3: {  	s29 =	sadd.s32 $0x5000, s24;
	[sflag:s18] =	ssyncadd.s32 $0xFFFFE000  }
0xc4: {  	[spmem:s2] =	stream.indirect.scatter.add.f32 [tilespmem:s16], [sflag:$0x3], $0x40, s29, s14, $0xb8;
	[tilespmem:$0x15800] =	vst v63  }
0xc5: {  	_ =	swait.ge [sflag:s11], $0x2000  }
0xc6: {  	[sflag:s11] =	ssyncset.done $0x0  }
0xc7: {  	s30 =	sadd.s32 $0x2900, s24;
	[sflag:s11] =	ssyncadd.s32 $0xFFFFE000  }
0xc8: {  	[tilespmem:s16], [sflag:$0x1] =	stream.indirect.gather [hbm4b:s5+s14], $0x40, s30, s14, $0xb8;
	[tilespmem:$0x15800] =	vst v63  }
0xc9: {  	_ =	swait.ge [sflag:s19], $0x2000  }
0xca: {  	[sflag:s19] =	ssyncset.done $0x0  }
0xcb: {  	s31 =	sadd.s32 $0x5080, s24;
	[sflag:s19] =	ssyncadd.s32 $0xFFFFE000  }
0xcc: {  	[spmem:s2] =	stream.indirect.scatter.add.f32 [tilespmem:s17], [sflag:$0x3], $0x40, s31, s14, $0xb8;
	[tilespmem:$0x15800] =	vst v63  }
0xcd: {  	_ =	swait.ge [sflag:s11], $0x2000  }
0xce: {  	[sflag:s11] =	ssyncset.done $0x0  }
0xcf: {  	[sflag:s11] =	ssyncadd.s32 $0xFFFFE000  }
0xd0: {  	[tilespmem:s17], [sflag:$0x2] =	stream.indirect.gather [hbm4b:s5+s14], $0x40, s20, s14, $0xb8;
	[tilespmem:$0x15800] =	vst v63  }
0xd1: {  	_ =	swait.ge [sflag:s18], $0x2000  }
0xd2: {  	[sflag:s18] =	ssyncset.done $0x0  }
0xd3: {  	[sflag:s18] =	ssyncadd.s32 $0xFFFFE000  }
0xd4: {  	[spmem:s2] =	stream.indirect.scatter.add.f32 [tilespmem:s16], [sflag:$0x3], $0x40, s21, s14, $0xb8;
	[tilespmem:$0x15800] =	vst v63  }
0xd5: {  	_ =	swait.ge [sflag:s11], $0x2000  }
0xd6: {  	[sflag:s11] =	ssyncset.done $0x0  }
0xd7: {  	[sflag:s11] =	ssyncadd.s32 $0xFFFFE000  }
0xd8: {  	_ =	swait.ge [sflag:s19], $0x2000  }
0xd9: {  	[sflag:s19] =	ssyncset.done $0x0  }
0xda: {  	[sflag:s19] =	ssyncadd.s32 $0xFFFFE000  }
0xdb: {  	[spmem:s2] =	stream.indirect.scatter.add.f32 [tilespmem:s17], [sflag:$0x3], $0x40, s22, s14, $0xb8;
	[tilespmem:$0x15800] =	vst v63  }
0xdc: {  	_ =	swait.ge [sflag:s11], $0x2000  }
0xdd: {  	[sflag:s11] =	ssyncset.done $0x0  }
0xde: {  	s23 =	sadd.s32 $0x1, s23;
	[sflag:s11] =	ssyncadd.s32 $0xFFFFE000  }
0xdf: {  	p0 =	sne.s32 s23, s8;
	[bflag:$0x0] =	sbarrier.arrive $0xFFFF  }
0xe0: {  	[hbm:s10], [sflag:s12] =	dma.local [spmem:s13], $0x1400  }
.Ltmp3:
0xe1: {  	_ =	swait.ge [sflag:s11], $0x1400;
	(pc) =	sbr.rel @p0 .LBB2_1-.Ltmp3, $3  }
0xe2: {  	[sflag:s11] =	ssyncset.done $0x0  }
0xe3: {  	[sflag:s11] =	ssyncadd.s32 $0xFFFFEC00  }
0xe4: {  	[bflag:$0x0] =	sbarrier.arrive $0xFFFF;
	_ =	sdelay $0x1  }
0xe5: {  	_ =	sfence.sel $0x180000  }
0xe6: {  	[bflag:$0x0] =	sbarrier.arrive $0xFFFF  }
0xe7: {  	p0 =	sne.s32 s1, $0x0;
	_ =	strace $0x9000004D  }
0xe8: {  	s0 =	sadd.s32 @!p0 $0x100000, s0;
	[bflag:$0x2] =	sbarrier.arrive $0xFFFF  }
0xe9: {  	[sflag:s0] =	ssyncadd.tile.s32 @!p0 $0x1;
	_ =	shalt  }
.Lfunc_end2:
_tile_overlayer_lowered:
.L_overlay_start_2:
0xea: {  	(tag) =	ssettag $0x2  }
0xeb: {  	s0 =	rddreg [dreg:$0x0];
	s2 =	stileid.u32  }
0xec: {  	s1 =	rddreg [dreg:$0x1];
	p0 =	sne.s32 s2, $0x0  }
0xed: {  	s3 =	rddreg [dreg:$0x2];
	[bflag:$0x3] =	sbarrier.arrive $0xFFFF;
	s2 =	simm.s32 @!p0 $0x1C03  }
0xee: {  	[timem:s3], [sflag:s2] =	dma.local @!p0 [hbm:s0], s1  }
0xef: {  	s0 =	simm.s32 @!p0 $0x3  }
0xf0: {  	_ =	swait.ge @!p0 [sflag:s0], s1  }
0xf1: {  	s1 =	ssub.s32 @!p0 $0x0, s1;
	[sflag:s0] =	ssyncset.done @!p0 $0x0  }
0xf2: {  	[sflag:s0] =	ssyncadd.s32 @!p0 s1  }
0xf3: {  	[bflag:$0x3] =	sbarrier.arrive $0xFFFF  }
0xf4: {  	_ =	shalt  }

// kernel: kernel.18.cloned.1.call-start
scs
__scs_entry_jumppad:
0x0: {  	(pc) =	sbr.rel $0x88, $3  }
0x1: {  	(tag) =	ssettag $0x0;
	lr =	simm.s32 $0x1  }
0x2: {  	[smem:$0x3F98] =	sst lr;
	_ =	strace $0xD0000000  }
0x3: {  	_ = 	snop  }
0x4: {  	_ = 	snop  }
0x5: {  	_ = 	snop  }
0x6: {  	_ = 	snop  }
0x7: {  	_ = 	snop  }
__scs_overlays_trampoline_lowered:
0x8: {  	[smem:$0x3FA7] =	sst s0  }
0x9: {  	[smem:$0x3FA8] =	sst s1  }
0xa: {  	[smem:$0x3FA9] =	sst s2  }
0xb: {  	[smem:$0x3FAA] =	sst s3  }
0xc: {  	[smem:$0x3FAB] =	sst s4  }
0xd: {  	[smem:$0x3FAC] =	sst s5  }
0xe: {  	[smem:$0x3FAD] =	sst s6  }
0xf: {  	[smem:$0x3FAE] =	sst s7  }
0x10: {  	[smem:$0x3FAF] =	sst s8  }
0x11: {  	[smem:$0x3FB0] =	sst s9;
	s0 =	simm.s32 @!p0 $0x0  }
0x12: {  	s1 =	sld [smem:$0x3F96];
	s0 =	simm.s32 @p0 $0x1  }
0x13: {  	[smem:$0x3FB1] =	sst s0;
	s0 =	simm.s32 @!p1 $0x0  }
0x14: {  	s2 =	sld [smem:$0x3F95];
	s0 =	simm.s32 @p1 $0x1  }
0x15: {  	[smem:$0x3FB2] =	sst s0;
	s0 =	simm.s32 @!p2 $0x0  }
0x16: {  	s3 =	sld [smem:$0x3FDB];
	s0 =	simm.s32 @p2 $0x1  }
0x17: {  	s4 =	simm.s32 $0x1BF5;
	[smem:$0x3FB4] =	sst s0  }
0x18: {  	s0 =	sld [smem:$0x3F97];
	_ =	swait.ge [sflag:s4], $0x0  }
0x19: {  	s7 =	sld [smem:$0x3F98]  }
0x1a: {  	s8 =	sadd.s32 $0xFFFFE003, lr  }
0x1b: {  	s9 =	sadd.s32 $0xFFFFFEF7, lr;
	s5 =	simm.s32 $0xFFFFFFFF;
	p2 =	slt.u32 s8, $0xFFFFF086  }
0x1c: {  	p1 =	slt.u32 s9, $0xF7A;
	s5 =	simm.s32 @!p2 $0x0  }
0x1d: {  	s5 =	simm.s32 @p1 $0x1;
	p0 =	seq.s32 s7, s2  }
0x1e: {  	s7 =	smul.u32 @!p0 $0xF7A, s2;
	p2 =	seq.s32 @!p0 s5, $0x0  }
0x1f: {  	s9 =	smul.u32 $0xF7A, s1;
	s8 =	simm.s32 @!p0 $0x1BF5;
	p2 =	por !p2, p0  }
0x20: {  	[sflag:s8] =	ssyncset.s32 @!p0 $0xFFFFF086;
	s6 =	sadd.s32 @!p0 s3, s7;
	s7 =	simm.s32 @!p0 $0x108  }
0x21: {  	s3 =	sadd.s32 s3, s9;
	s6 =	sadd.s32 @!p0 $0x88, s6;
	s7 =	simm.s32 @p2 $0x1082  }
0x22: {  	[simem:s7], [sflag:s8] =	dma.local @!p0 [hbm:s6], $0xF7A  }
0x23: {  	s9 =	sor.u32 $0xD0000000, s2;
	s6 =	simm.s32 $0x108;
	_ =	swait.ge @!p0 [sflag:s8], $0x0  }
0x24: {  	s3 =	sadd.s32 $0x88, s3;
	s6 =	simm.s32 @!p1 $0x1082;
	[sflag:s4] =	ssyncset.s32 $0xFFFFF086  }
0x25: {  	[simem:s6], [sflag:s4] =	dma.local [hbm:s3], $0xF7A  }
0x26: {  	[smem:$0x3F98] =	sst s1;
	(tag) =	ssettag s2;
	_ =	strace s9  }
0x27: {  	s1 =	sld [smem:$0x3FA8]  }
0x28: {  	s2 =	sld [smem:$0x3FA9]  }
0x29: {  	s4 =	sld [smem:$0x3FAB]  }
0x2a: {  	p0 =	seq.s32 s5, $0x0;
	s5 =	sld [smem:$0x3FAC]  }
0x2b: {  	s6 =	sld [smem:$0x3FAD]  }
0x2c: {  	s7 =	sld [smem:$0x3FAE]  }
0x2d: {  	s3 =	simm.s32 $0x108;
	s8 =	sld [smem:$0x3FAF]  }
0x2e: {  	s3 =	simm.s32 @!p0 $0x1082;
	s9 =	sld [smem:$0x3FB0]  }
0x2f: {  	lr =	sadd.s32 s0, s3;
	s0 =	sld [smem:$0x3FA7]  }
0x30: {  	s3 =	sld [smem:$0x3FAA]  }
0x31: {  	[smem:$0x3FB3] =	sst s10  }
0x32: {  	s10 =	sld [smem:$0x3FB1];
	_ =	sdelay $0x3  }
0x33: {  	p0 =	seq.s32 s10, $0x1;
	s10 =	sld [smem:$0x3FB3];
	_ =	sdelay $0x3  }
0x34: {  	[smem:$0x3FB3] =	sst s10  }
0x35: {  	s10 =	sld [smem:$0x3FB2];
	_ =	sdelay $0x3  }
0x36: {  	p1 =	seq.s32 s10, $0x1;
	s10 =	sld [smem:$0x3FB3];
	_ =	sdelay $0x3  }
0x37: {  	[smem:$0x3FB3] =	sst s10  }
0x38: {  	s10 =	sld [smem:$0x3FB4]  }
0x39: {  	_ = 	snop;
	(pc) =	sbr.ind lr, $3  }
0x3a: {  	_ = 	snop  }
0x3b: {  	_ = 	snop  }
0x3c: {  	p2 =	seq.s32 s10, $0x1;
	s10 =	sld [smem:$0x3FB3]  }
0x3d: {  	_ =	shalt  }
0x3e: {  	_ =	shalt  }
0x3f: {  	_ =	shalt  }
0x40: {  	_ =	shalt  }
0x41: {  	_ =	shalt  }
0x42: {  	_ =	shalt  }
0x43: {  	_ =	shalt  }
0x44: {  	_ =	shalt  }
0x45: {  	_ =	shalt  }
0x46: {  	_ =	shalt  }
0x47: {  	_ =	shalt  }
0x48: {  	_ =	shalt  }
0x49: {  	_ =	shalt  }
0x4a: {  	_ =	shalt  }
0x4b: {  	_ =	shalt  }
0x4c: {  	_ =	shalt  }
0x4d: {  	_ =	shalt  }
0x4e: {  	_ =	shalt  }
0x4f: {  	_ =	shalt  }
0x50: {  	_ =	shalt  }
0x51: {  	_ =	shalt  }
0x52: {  	_ =	shalt  }
0x53: {  	_ =	shalt  }
0x54: {  	_ =	shalt  }
0x55: {  	_ =	shalt  }
0x56: {  	_ =	shalt  }
0x57: {  	_ =	shalt  }
0x58: {  	_ =	shalt  }
0x59: {  	_ =	shalt  }
0x5a: {  	_ =	shalt  }
0x5b: {  	_ =	shalt  }
0x5c: {  	_ =	shalt  }
0x5d: {  	_ =	shalt  }
0x5e: {  	_ =	shalt  }
0x5f: {  	_ =	shalt  }
0x60: {  	_ =	shalt  }
0x61: {  	_ =	shalt  }
0x62: {  	_ =	shalt  }
0x63: {  	_ =	shalt  }
0x64: {  	_ =	shalt  }
0x65: {  	_ =	shalt  }
0x66: {  	_ =	shalt  }
0x67: {  	_ =	shalt  }
0x68: {  	_ =	shalt  }
0x69: {  	_ =	shalt  }
0x6a: {  	_ =	shalt  }
0x6b: {  	_ =	shalt  }
0x6c: {  	_ =	shalt  }
0x6d: {  	_ =	shalt  }
0x6e: {  	_ =	shalt  }
0x6f: {  	_ =	shalt  }
0x70: {  	_ =	shalt  }
0x71: {  	_ =	shalt  }
0x72: {  	_ =	shalt  }
0x73: {  	_ =	shalt  }
0x74: {  	_ =	shalt  }
0x75: {  	_ =	shalt  }
0x76: {  	_ =	shalt  }
0x77: {  	_ =	shalt  }
0x78: {  	_ =	shalt  }
0x79: {  	_ =	shalt  }
0x7a: {  	_ =	shalt  }
0x7b: {  	_ =	shalt  }
0x7c: {  	_ =	shalt  }
0x7d: {  	_ =	shalt  }
0x7e: {  	_ =	shalt  }
0x7f: {  	_ =	shalt  }
0x80: {  	_ =	shalt  }
0x81: {  	_ =	shalt  }
0x82: {  	_ =	shalt  }
0x83: {  	_ =	shalt  }
0x84: {  	_ =	shalt  }
0x85: {  	_ =	shalt  }
0x86: {  	_ =	shalt  }
0x87: {  	_ =	shalt  }
.Lfunc_end0:
.L_simem_size_0:
called_computation.3_lowered:
.L_overlay_start_0:
0x88: {  	s2 =	sld [smem:$0x3FD9]  }
0x89: {  	s3 =	sld [smem:$0x3FFE];
	_ =	sdelay $0x1  }
0x8a: {  	s1 =	srdreg.scid  }
0x8b: {  	s0 =	sand.u32 $0x1, s1  }
0x8c: {  	s17 =	sshll.u32 s0, $0xA;
	s2 =	sadd.s32 s3, s2  }
0x8d: {  	s2 =	sadd.s32 s2, s17  }
0x8e: {  	[smem:$0x3FBF] =	sst s2  }
0x8f: {  	_ = 	snop  }
0x90: {  	s2 =	sld [smem:$0x3FC7];
	(tm) =	ssettm $0x1  }
0x91: {  	s18 =	sld [smem:$0x3FFB];
	_ =	sdelay $0x3  }
0x92: {  	_ =	strace s18  }
0x93: {  	s3 =	sld [smem:$0x3FFC];
	_ =	sdelay $0x3  }
0x94: {  	_ =	strace s3  }
0x95: {  	s3 =	sld [smem:$0x3FFD];
	_ =	sdelay $0x3  }
0x96: {  	_ =	strace s3  }
0x97: {  	_ =	strace $0x8FFFFFFF  }
0x98: {  	s19 =	sld [smem:$0x3FDB];
	_ =	sdelay $0x1  }
0x99: {  	s4 =	simm.s32 $_scs_section_size  }
0x9a: {  	s5 =	simm.s32 $_size__tile_overlayer_lowered;
	s6 =	simm.s32 $_tile_overlayer_lowered  }
0x9b: {  	s22 =	simm.s32 $0x1BFF;
	s21 =	sshll.u32 s6, $0x1;
	s3 =	sadd.s32 s4, s19  }
0x9c: {  	s7 =	simm.s32 $0x0;
	s20 =	sshll.u32 s5, $0x1;
	s5 =	sadd.s32 s21, s3  }
0x9d: {  	[timem:s7], [sflag:s22] =	dma.local [hbm:s5], s20  }
0x9e: {  	_ =	swait.ge [sflag:s22], s20  }
0x9f: {  	s4 =	ssub.s32 $0x0, s20;
	[sflag:s22] =	ssyncset.done $0x0  }
0xa0: {  	[sflag:s22] =	ssyncadd.s32 s4;
	_ =	sdelay $0x1  }
0xa1: {  	s23 =	simm.s32 $0x1B8B  }
0xa2: {  	_ =	swait.ge [sflag:s23], $0x1  }
0xa3: {  	[sflag:s23] =	ssyncset.done $0x0  }
0xa4: {  	s25 =	simm.s32 $0x1B8E;
	s24 =	sld [smem:$0x3FFE];
	[sflag:s23] =	ssyncadd.s32 $0xFFFFFFFF  }
0xa5: {  	s26 =	simm.s32 $execute0_lowered;
	[smem:$0x3FD2] =	sst s25  }
0xa6: {  	s5 =	sshll.u32 s26, $0x1;
	_ =	strace $0x8000004F;
	[dreg:$0x1] =	wrdreg $0xFFFFFFFF  }
0xa7: {  	s28 =	simm.s32 $_size_execute0_lowered;
	s3 =	sadd.s32 s3, s5;
	[dreg:$0x0] =	wrdreg $0x0  }
0xa8: {  	s5 =	sshll.u32 s28, $0x1;
	[dreg:$0x2] =	wrdreg s3  }
0xa9: {  	[dreg:$0x3] =	wrdreg s5  }
0xaa: {  	[dreg:$0x4] =	wrdreg $0xC0  }
0xab: {  	_ =	task [dreg:s7], $0x5FFFF  }
0xac: {  	[dreg:$0x1] =	wrdreg $0xFFFFFFFF  }
0xad: {  	[dreg:$0x0] =	wrdreg $0x60  }
0xae: {  	[dreg:$0x2] =	wrdreg s24  }
0xaf: {  	[dreg:$0x3] =	wrdreg s2  }
0xb0: {  	[dreg:$0x4] =	wrdreg $0x9  }
0xb1: {  	_ =	task.clear_ibuf [dreg:s7], $0x5FFFF;
	_ =	strace $0x9000004F  }
0xb2: {  	s29 =	simm.s32 $0x9;
	_ =	strace $0x80000051  }
0xb3: {  	_ =	swait.ge [sflag:s29], $0x1  }
0xb4: {  	[sflag:s29] =	ssyncadd.s32 $0xFFFFFFFF  }
0xb5: {  	_ =	strace $0x90000051  }
0xb6: {  	_ =	sfence  }
0xb7: {  	s30 =	sld [smem:$0x0];
	_ =	sdelay $0x2  }
0xb8: {  	s31 =	sshll.u32 s1, $0xD;
	s1 =	sshrl.u32 s1, $0x2  }
0xb9: {  	s3 =	sand.u32 $0x4000, s31;
	s1 =	sadd.s32 s1, s30  }
0xba: {  	s0 =	sor.u32 s3, s0;
	s1 =	sshll.u32 s1, $0x11  }
0xbb: {  	s0 =	sor.u32 s1, s0  }
0xbc: {  	s0 =	sadd.s32 $0x8F2B, s0  }
0xbd: {  	[sflag:s0] =	ssyncadd.remote.s32 $0x1  }
0xbe: {  	_ =	sfence.sel $0xFFFF  }
0xbf: {  	[dreg:$0x0] =	wrdreg $0xFFFFFFFF;
	(pc) =	sbr.abs _section_cstart, $3  }
0xc0: {  	[dreg:$0x1] =	wrdreg $0xFFFFFFFF  }
0xc1: {  	_ =	task.clear_ibuf [dreg:s7], $0x2FFFF;
	_ =	strace $0x9FFFFFFF  }
0xc2: {  	(tm) =	ssettm $0x7FFFFFFF  }
0xc3: {  	_ =	shalt  }
tec
execute0_lowered:
.L_overlay_start_1:
0x0: {  	(tag) =	ssettag $0x1  }
0x1: {  	s1 =	srdreg.scid  }
0x2: {  	s21 =	rddreg [dreg:$0x0];
	s0 =	stileid.u32;
	s20 =	sand.u32 $0x1, s1  }
0x3: {  	s3 =	rddreg [dreg:$0x1];
	s4 =	sshll.u32 s0, $0x6;
	s5 =	sshll.u32 s20, $0x5  }
0x4: {  	s2 =	simm.s32 $0x0;
	s1 =	rddreg [dreg:$0x2];
	s22 =	sor.u32 s5, s4  }
0x5: {  	[smem:$0x7FF] =	sst s2;
	s4 =	sshrl.u32 s22, $0x3  }
0x6: {  	_ =	strace $0x80000050;
	s4 =	sadd.s32 s3, s4;
	s3 =	simm.s32 $0x2  }
0x7: {  	[tilespmem:s2], [sflag:$0x2] =	stream.linear.gather [hbm4b:s4+s2], $0x20, $0x38;
	[tilespmem:$0xA20] =	vst v63  }
0x8: {  	_ =	swait.ge [sflag:s3], $0x20  }
0x9: {  	s6 =	simm.s32 $0x20;
	[sflag:s3] =	ssyncset.done $0x0  }
0xa: {  	s7 =	simm.s32 $0x1;
	s5 =	sadd.s32 $0x5EE00, s21;
	[sflag:s3] =	ssyncadd.s32 $0xFFFFFFE0  }
0xb: {  	[tilespmem:s6], [sflag:$0x1] =	stream.indirect.gather [hbm4b:s5+s6], $0x40, s2, s6, $0xb8;
	[tilespmem:$0xA20] =	vst v63  }
0xc: {  	s8 =	sshll.u32 s22, $0x3;
	_ =	swait.ge [sflag:s7], $0x800  }
0xd: {  	s18 =	sadd.s32 s8, s21;
	[sflag:s7] =	ssyncset.done $0x0  }
0xe: {  	s8 =	sadd.s32 $0x6E00, s18;
	[sflag:s7] =	ssyncadd.s32 $0xFFFFF800  }
0xf: {  	[hbm4b:s8+s2] =	stream.linear.scatter [tilespmem:s6], [sflag:$0x2], $0x800, $0x38;
	[tilespmem:$0xA20] =	vst v63  }
0x10: {  	_ =	swait.ge [sflag:s3], $0x800  }
0x11: {  	[sflag:s3] =	ssyncset.done $0x0  }
0x12: {  	s9 =	sadd.s32 $0x72E00, s21;
	[sflag:s3] =	ssyncadd.s32 $0xFFFFF800  }
0x13: {  	[tilespmem:s6], [sflag:$0x1] =	stream.indirect.gather [hbm4b:s9+s6], $0x40, s2, s6, $0xb8;
	[tilespmem:$0xA20] =	vst v63  }
0x14: {  	_ =	swait.ge [sflag:s7], $0x800  }
0x15: {  	[sflag:s7] =	ssyncset.done $0x0  }
0x16: {  	s10 =	sadd.s32 $0x4E00, s18;
	[sflag:s7] =	ssyncadd.s32 $0xFFFFF800  }
0x17: {  	[hbm4b:s10+s2] =	stream.linear.scatter [tilespmem:s6], [sflag:$0x2], $0x800, $0x38;
	[tilespmem:$0xA20] =	vst v63  }
0x18: {  	_ =	swait.ge [sflag:s3], $0x800  }
0x19: {  	[sflag:s3] =	ssyncset.done $0x0  }
0x1a: {  	s11 =	sadd.s32 $0x86E00, s21;
	[sflag:s3] =	ssyncadd.s32 $0xFFFFF800  }
0x1b: {  	[tilespmem:s6], [sflag:$0x1] =	stream.indirect.gather [hbm4b:s11+s6], $0x40, s2, s6, $0xb8;
	[tilespmem:$0xA20] =	vst v63  }
0x1c: {  	_ =	swait.ge [sflag:s7], $0x800  }
0x1d: {  	[sflag:s7] =	ssyncset.done $0x0  }
0x1e: {  	s12 =	sadd.s32 $0x8E00, s18;
	[sflag:s7] =	ssyncadd.s32 $0xFFFFF800  }
0x1f: {  	[hbm4b:s12+s2] =	stream.linear.scatter [tilespmem:s6], [sflag:$0x2], $0x800, $0x38;
	[tilespmem:$0xA20] =	vst v63  }
0x20: {  	_ =	swait.ge [sflag:s3], $0x800  }
0x21: {  	[sflag:s3] =	ssyncset.done $0x0  }
0x22: {  	s13 =	sadd.s32 $0x9AE00, s21;
	[sflag:s3] =	ssyncadd.s32 $0xFFFFF800  }
0x23: {  	[tilespmem:s6], [sflag:$0x1] =	stream.indirect.gather [hbm4b:s13+s6], $0x40, s2, s6, $0xb8;
	[tilespmem:$0xA20] =	vst v63  }
0x24: {  	_ =	swait.ge [sflag:s7], $0x800  }
0x25: {  	[sflag:s7] =	ssyncset.done $0x0  }
0x26: {  	s14 =	sadd.s32 $0xAE00, s18;
	[sflag:s7] =	ssyncadd.s32 $0xFFFFF800  }
0x27: {  	[hbm4b:s14+s2] =	stream.linear.scatter [tilespmem:s6], [sflag:$0x2], $0x800, $0x38;
	[tilespmem:$0xA20] =	vst v63  }
0x28: {  	_ =	swait.ge [sflag:s3], $0x800  }
0x29: {  	[sflag:s3] =	ssyncset.done $0x0  }
0x2a: {  	s15 =	sadd.s32 $0xEE00, s21;
	[sflag:s3] =	ssyncadd.s32 $0xFFFFF800  }
0x2b: {  	[tilespmem:s6], [sflag:$0x1] =	stream.indirect.gather [hbm4b:s15+s6], $0x40, s2, s6, $0xb8;
	[tilespmem:$0xA20] =	vst v63  }
0x2c: {  	_ =	swait.ge [sflag:s7], $0x800  }
0x2d: {  	[sflag:s7] =	ssyncset.done $0x0  }
0x2e: {  	s16 =	sadd.s32 $0xCE00, s18;
	[sflag:s7] =	ssyncadd.s32 $0xFFFFF800  }
0x2f: {  	[hbm4b:s16+s2] =	stream.linear.scatter [tilespmem:s6], [sflag:$0x2], $0x800, $0x38;
	[tilespmem:$0xA20] =	vst v63  }
0x30: {  	_ =	swait.ge [sflag:s3], $0x800  }
0x31: {  	[sflag:s3] =	ssyncset.done $0x0  }
0x32: {  	s17 =	sadd.s32 $0x22E00, s21;
	[sflag:s3] =	ssyncadd.s32 $0xFFFFF800  }
0x33: {  	[tilespmem:s6], [sflag:$0x1] =	stream.indirect.gather [hbm4b:s17+s6], $0x40, s2, s6, $0xb8;
	[tilespmem:$0xA20] =	vst v63  }
0x34: {  	_ =	swait.ge [sflag:s7], $0x800  }
0x35: {  	s19 =	sadd.s32 $0x36E00, s21;
	[sflag:s7] =	ssyncset.done $0x0  }
0x36: {  	s23 =	ssub.s32 $0x2, s20;
	s18 =	sadd.s32 $0x3BE00, s18;
	[sflag:s7] =	ssyncadd.s32 $0xFFFFF800  }
0x37: {  	[hbm4b:s18+s2] =	stream.linear.scatter [tilespmem:s6], [sflag:$0x2], $0x800, $0x38;
	[tilespmem:$0xA20] =	vst v63  }
0x38: {  	s20 =	simm.s32 $0x820;
	s24 =	sshrl.u32 s23, $0x1;
	_ =	swait.ge [sflag:s3], $0x800  }
0x39: {  	s22 =	sshll.u32 s22, $0x1;
	s31 =	ssub.s32 s23, s24;
	[sflag:s3] =	ssyncset.done $0x0  }
0x3a: {  	s21 =	sadd.s32 s22, s21;
	s22 =	smax.u32 s31, $0x1;
	[sflag:s3] =	ssyncadd.s32 $0xFFFFF800  }
0x3b: {  	[tilespmem:s20], [sflag:$0x1] =	stream.indirect.gather [hbm4b:s19+s6], $0x10, s2, s6, $0xb8;
	[tilespmem:$0xA20] =	vst v63  }
0x3c: {  	p0 =	sne.s32 s22, $0x1;
	_ =	swait.ge [sflag:s7], $0x200  }
.Ltmp0:
0x3d: {  	[sflag:s7] =	ssyncset.done $0x0;
	(pc) =	sbr.rel @!p0 .LBB2_2-.Ltmp0, $4  }
0x3e: {  	s21 =	sadd.s32 $0x3DE00, s21;
	[sflag:s7] =	ssyncadd.s32 $0xFFFFFE00  }
0x3f: {  	[hbm4b:s21+s2] =	stream.linear.scatter [tilespmem:s20], [sflag:$0x2], $0x200, $0x38;
	[tilespmem:$0xA20] =	vst v63  }
0x40: {  	_ =	swait.ge [sflag:s3], $0x200  }
0x41: {  	s22 =	sadd.s32 $0xFFFFFFFF, s22;
	[sflag:s3] =	ssyncset.done $0x0  }
.LBB2_1:
0x42: {  	p0 =	sne.s32 s22, $0x1;
	s22 =	sadd.s32 $0xFFFFFFFF, s22;
	[sflag:s3] =	ssyncadd.s32 $0xFFFFFE00  }
0x43: {  	[tilespmem:s2], [sflag:$0x2] =	stream.linear.gather [hbm4b:s4+s2], $0x20, $0x38;
	[tilespmem:$0xA20] =	vst v63  }
0x44: {  	_ =	swait.ge [sflag:s3], $0x20  }
0x45: {  	[sflag:s3] =	ssyncset.done $0x0  }
0x46: {  	[sflag:s3] =	ssyncadd.s32 $0xFFFFFFE0  }
0x47: {  	[tilespmem:s6], [sflag:$0x1] =	stream.indirect.gather [hbm4b:s5+s6], $0x40, s2, s6, $0xb8;
	[tilespmem:$0xA20] =	vst v63  }
0x48: {  	_ =	swait.ge [sflag:s7], $0x800  }
0x49: {  	[sflag:s7] =	ssyncset.done $0x0  }
0x4a: {  	[sflag:s7] =	ssyncadd.s32 $0xFFFFF800  }
0x4b: {  	[hbm4b:s8+s2] =	stream.linear.scatter [tilespmem:s6], [sflag:$0x2], $0x800, $0x38;
	[tilespmem:$0xA20] =	vst v63  }
0x4c: {  	_ =	swait.ge [sflag:s3], $0x800  }
0x4d: {  	[sflag:s3] =	ssyncset.done $0x0  }
0x4e: {  	[sflag:s3] =	ssyncadd.s32 $0xFFFFF800  }
0x4f: {  	[tilespmem:s6], [sflag:$0x1] =	stream.indirect.gather [hbm4b:s9+s6], $0x40, s2, s6, $0xb8;
	[tilespmem:$0xA20] =	vst v63  }
0x50: {  	_ =	swait.ge [sflag:s7], $0x800  }
0x51: {  	[sflag:s7] =	ssyncset.done $0x0  }
0x52: {  	[sflag:s7] =	ssyncadd.s32 $0xFFFFF800  }
0x53: {  	[hbm4b:s10+s2] =	stream.linear.scatter [tilespmem:s6], [sflag:$0x2], $0x800, $0x38;
	[tilespmem:$0xA20] =	vst v63  }
0x54: {  	_ =	swait.ge [sflag:s3], $0x800  }
0x55: {  	[sflag:s3] =	ssyncset.done $0x0  }
0x56: {  	[sflag:s3] =	ssyncadd.s32 $0xFFFFF800  }
0x57: {  	[tilespmem:s6], [sflag:$0x1] =	stream.indirect.gather [hbm4b:s11+s6], $0x40, s2, s6, $0xb8;
	[tilespmem:$0xA20] =	vst v63  }
0x58: {  	_ =	swait.ge [sflag:s7], $0x800  }
0x59: {  	[sflag:s7] =	ssyncset.done $0x0  }
0x5a: {  	[sflag:s7] =	ssyncadd.s32 $0xFFFFF800  }
0x5b: {  	[hbm4b:s12+s2] =	stream.linear.scatter [tilespmem:s6], [sflag:$0x2], $0x800, $0x38;
	[tilespmem:$0xA20] =	vst v63  }
0x5c: {  	_ =	swait.ge [sflag:s3], $0x800  }
0x5d: {  	[sflag:s3] =	ssyncset.done $0x0  }
0x5e: {  	[sflag:s3] =	ssyncadd.s32 $0xFFFFF800  }
0x5f: {  	[tilespmem:s6], [sflag:$0x1] =	stream.indirect.gather [hbm4b:s13+s6], $0x40, s2, s6, $0xb8;
	[tilespmem:$0xA20] =	vst v63  }
0x60: {  	_ =	swait.ge [sflag:s7], $0x800  }
0x61: {  	[sflag:s7] =	ssyncset.done $0x0  }
0x62: {  	[sflag:s7] =	ssyncadd.s32 $0xFFFFF800  }
0x63: {  	[hbm4b:s14+s2] =	stream.linear.scatter [tilespmem:s6], [sflag:$0x2], $0x800, $0x38;
	[tilespmem:$0xA20] =	vst v63  }
0x64: {  	_ =	swait.ge [sflag:s3], $0x800  }
0x65: {  	[sflag:s3] =	ssyncset.done $0x0  }
0x66: {  	[sflag:s3] =	ssyncadd.s32 $0xFFFFF800  }
0x67: {  	[tilespmem:s6], [sflag:$0x1] =	stream.indirect.gather [hbm4b:s15+s6], $0x40, s2, s6, $0xb8;
	[tilespmem:$0xA20] =	vst v63  }
0x68: {  	_ =	swait.ge [sflag:s7], $0x800  }
0x69: {  	[sflag:s7] =	ssyncset.done $0x0  }
0x6a: {  	[sflag:s7] =	ssyncadd.s32 $0xFFFFF800  }
0x6b: {  	[hbm4b:s16+s2] =	stream.linear.scatter [tilespmem:s6], [sflag:$0x2], $0x800, $0x38;
	[tilespmem:$0xA20] =	vst v63  }
0x6c: {  	_ =	swait.ge [sflag:s3], $0x800  }
0x6d: {  	[sflag:s3] =	ssyncset.done $0x0  }
0x6e: {  	[sflag:s3] =	ssyncadd.s32 $0xFFFFF800  }
0x6f: {  	[tilespmem:s6], [sflag:$0x1] =	stream.indirect.gather [hbm4b:s17+s6], $0x40, s2, s6, $0xb8;
	[tilespmem:$0xA20] =	vst v63  }
0x70: {  	_ =	swait.ge [sflag:s7], $0x800  }
0x71: {  	[sflag:s7] =	ssyncset.done $0x0  }
0x72: {  	[sflag:s7] =	ssyncadd.s32 $0xFFFFF800  }
0x73: {  	[hbm4b:s18+s2] =	stream.linear.scatter [tilespmem:s6], [sflag:$0x2], $0x800, $0x38;
	[tilespmem:$0xA20] =	vst v63  }
0x74: {  	_ =	swait.ge [sflag:s3], $0x800  }
0x75: {  	[sflag:s3] =	ssyncset.done $0x0  }
0x76: {  	[sflag:s3] =	ssyncadd.s32 $0xFFFFF800  }
0x77: {  	[tilespmem:s20], [sflag:$0x1] =	stream.indirect.gather [hbm4b:s19+s6], $0x10, s2, s6, $0xb8;
	[tilespmem:$0xA20] =	vst v63  }
0x78: {  	_ =	swait.ge [sflag:s7], $0x200  }
.Ltmp1:
0x79: {  	[sflag:s7] =	ssyncset.done $0x0;
	(pc) =	sbr.rel @p0 .LBB2_1-.Ltmp1, $4  }
0x7a: {  	[sflag:s7] =	ssyncadd.s32 $0xFFFFFE00  }
0x7b: {  	[hbm4b:s21+s2] =	stream.linear.scatter [tilespmem:s20], [sflag:$0x2], $0x200, $0x38;
	[tilespmem:$0xA20] =	vst v63  }
0x7c: {  	_ =	swait.ge [sflag:s3], $0x200  }
0x7d: {  	[sflag:s3] =	ssyncset.done $0x0  }
.LBB2_2:
0x7e: {  	[sflag:s3] =	ssyncadd.s32 $0xFFFFFE00  }
0x7f: {  	_ =	sfence.sel $0x180000  }
0x80: {  	[bflag:$0x0] =	sbarrier.arrive $0xFFFF  }
0x81: {  	p0 =	sne.s32 s0, $0x0;
	_ =	strace $0x90000050  }
0x82: {  	s0 =	sadd.s32 @!p0 $0x100000, s1;
	[bflag:$0x2] =	sbarrier.arrive $0xFFFF  }
0x83: {  	[sflag:s0] =	ssyncadd.tile.s32 @!p0 $0x1;
	_ =	shalt  }
.Lfunc_end2:
_tile_overlayer_lowered:
.L_overlay_start_2:
0x84: {  	(tag) =	ssettag $0x2  }
0x85: {  	s0 =	rddreg [dreg:$0x0];
	s2 =	stileid.u32  }
0x86: {  	s1 =	rddreg [dreg:$0x1];
	p0 =	sne.s32 s2, $0x0  }
0x87: {  	s3 =	rddreg [dreg:$0x2];
	[bflag:$0x3] =	sbarrier.arrive $0xFFFF;
	s2 =	simm.s32 @!p0 $0x1C02  }
0x88: {  	[timem:s3], [sflag:s2] =	dma.local @!p0 [hbm:s0], s1  }
0x89: {  	s0 =	simm.s32 @!p0 $0x2  }
0x8a: {  	_ =	swait.ge @!p0 [sflag:s0], s1  }
0x8b: {  	s1 =	ssub.s32 @!p0 $0x0, s1;
	[sflag:s0] =	ssyncset.done @!p0 $0x0  }
0x8c: {  	[sflag:s0] =	ssyncadd.s32 @!p0 s1  }
0x8d: {  	[bflag:$0x3] =	sbarrier.arrive $0xFFFF  }
0x8e: {  	_ =	shalt  }

// kernel: kernel.9.cloned.1.call-start
scs
__scs_entry_jumppad:
0x0: {  	(pc) =	sbr.rel $0x88, $3  }
0x1: {  	(tag) =	ssettag $0x0;
	lr =	simm.s32 $0x1  }
0x2: {  	[smem:$0x3F98] =	sst lr;
	_ =	strace $0xD0000000  }
0x3: {  	_ = 	snop  }
0x4: {  	_ = 	snop  }
0x5: {  	_ = 	snop  }
0x6: {  	_ = 	snop  }
0x7: {  	_ = 	snop  }
__scs_overlays_trampoline_lowered:
0x8: {  	[smem:$0x3FA7] =	sst s0  }
0x9: {  	[smem:$0x3FA8] =	sst s1  }
0xa: {  	[smem:$0x3FA9] =	sst s2  }
0xb: {  	[smem:$0x3FAA] =	sst s3  }
0xc: {  	[smem:$0x3FAB] =	sst s4  }
0xd: {  	[smem:$0x3FAC] =	sst s5  }
0xe: {  	[smem:$0x3FAD] =	sst s6  }
0xf: {  	[smem:$0x3FAE] =	sst s7  }
0x10: {  	[smem:$0x3FAF] =	sst s8  }
0x11: {  	[smem:$0x3FB0] =	sst s9;
	s0 =	simm.s32 @!p0 $0x0  }
0x12: {  	s1 =	sld [smem:$0x3F96];
	s0 =	simm.s32 @p0 $0x1  }
0x13: {  	[smem:$0x3FB1] =	sst s0;
	s0 =	simm.s32 @!p1 $0x0  }
0x14: {  	s2 =	sld [smem:$0x3F95];
	s0 =	simm.s32 @p1 $0x1  }
0x15: {  	[smem:$0x3FB2] =	sst s0;
	s0 =	simm.s32 @!p2 $0x0  }
0x16: {  	s3 =	sld [smem:$0x3FDB];
	s0 =	simm.s32 @p2 $0x1  }
0x17: {  	s4 =	simm.s32 $0x1BF5;
	[smem:$0x3FB4] =	sst s0  }
0x18: {  	s0 =	sld [smem:$0x3F97];
	_ =	swait.ge [sflag:s4], $0x0  }
0x19: {  	s7 =	sld [smem:$0x3F98]  }
0x1a: {  	s8 =	sadd.s32 $0xFFFFE003, lr  }
0x1b: {  	s9 =	sadd.s32 $0xFFFFFEF7, lr;
	s5 =	simm.s32 $0xFFFFFFFF;
	p2 =	slt.u32 s8, $0xFFFFF086  }
0x1c: {  	p1 =	slt.u32 s9, $0xF7A;
	s5 =	simm.s32 @!p2 $0x0  }
0x1d: {  	s5 =	simm.s32 @p1 $0x1;
	p0 =	seq.s32 s7, s2  }
0x1e: {  	s7 =	smul.u32 @!p0 $0xF7A, s2;
	p2 =	seq.s32 @!p0 s5, $0x0  }
0x1f: {  	s9 =	smul.u32 $0xF7A, s1;
	s8 =	simm.s32 @!p0 $0x1BF5;
	p2 =	por !p2, p0  }
0x20: {  	[sflag:s8] =	ssyncset.s32 @!p0 $0xFFFFF086;
	s6 =	sadd.s32 @!p0 s3, s7;
	s7 =	simm.s32 @!p0 $0x108  }
0x21: {  	s3 =	sadd.s32 s3, s9;
	s6 =	sadd.s32 @!p0 $0x88, s6;
	s7 =	simm.s32 @p2 $0x1082  }
0x22: {  	[simem:s7], [sflag:s8] =	dma.local @!p0 [hbm:s6], $0xF7A  }
0x23: {  	s9 =	sor.u32 $0xD0000000, s2;
	s6 =	simm.s32 $0x108;
	_ =	swait.ge @!p0 [sflag:s8], $0x0  }
0x24: {  	s3 =	sadd.s32 $0x88, s3;
	s6 =	simm.s32 @!p1 $0x1082;
	[sflag:s4] =	ssyncset.s32 $0xFFFFF086  }
0x25: {  	[simem:s6], [sflag:s4] =	dma.local [hbm:s3], $0xF7A  }
0x26: {  	[smem:$0x3F98] =	sst s1;
	(tag) =	ssettag s2;
	_ =	strace s9  }
0x27: {  	s1 =	sld [smem:$0x3FA8]  }
0x28: {  	s2 =	sld [smem:$0x3FA9]  }
0x29: {  	s4 =	sld [smem:$0x3FAB]  }
0x2a: {  	p0 =	seq.s32 s5, $0x0;
	s5 =	sld [smem:$0x3FAC]  }
0x2b: {  	s6 =	sld [smem:$0x3FAD]  }
0x2c: {  	s7 =	sld [smem:$0x3FAE]  }
0x2d: {  	s3 =	simm.s32 $0x108;
	s8 =	sld [smem:$0x3FAF]  }
0x2e: {  	s3 =	simm.s32 @!p0 $0x1082;
	s9 =	sld [smem:$0x3FB0]  }
0x2f: {  	lr =	sadd.s32 s0, s3;
	s0 =	sld [smem:$0x3FA7]  }
0x30: {  	s3 =	sld [smem:$0x3FAA]  }
0x31: {  	[smem:$0x3FB3] =	sst s10  }
0x32: {  	s10 =	sld [smem:$0x3FB1];
	_ =	sdelay $0x3  }
0x33: {  	p0 =	seq.s32 s10, $0x1;
	s10 =	sld [smem:$0x3FB3];
	_ =	sdelay $0x3  }
0x34: {  	[smem:$0x3FB3] =	sst s10  }
0x35: {  	s10 =	sld [smem:$0x3FB2];
	_ =	sdelay $0x3  }
0x36: {  	p1 =	seq.s32 s10, $0x1;
	s10 =	sld [smem:$0x3FB3];
	_ =	sdelay $0x3  }
0x37: {  	[smem:$0x3FB3] =	sst s10  }
0x38: {  	s10 =	sld [smem:$0x3FB4]  }
0x39: {  	_ = 	snop;
	(pc) =	sbr.ind lr, $3  }
0x3a: {  	_ = 	snop  }
0x3b: {  	_ = 	snop  }
0x3c: {  	p2 =	seq.s32 s10, $0x1;
	s10 =	sld [smem:$0x3FB3]  }
0x3d: {  	_ =	shalt  }
0x3e: {  	_ =	shalt  }
0x3f: {  	_ =	shalt  }
0x40: {  	_ =	shalt  }
0x41: {  	_ =	shalt  }
0x42: {  	_ =	shalt  }
0x43: {  	_ =	shalt  }
0x44: {  	_ =	shalt  }
0x45: {  	_ =	shalt  }
0x46: {  	_ =	shalt  }
0x47: {  	_ =	shalt  }
0x48: {  	_ =	shalt  }
0x49: {  	_ =	shalt  }
0x4a: {  	_ =	shalt  }
0x4b: {  	_ =	shalt  }
0x4c: {  	_ =	shalt  }
0x4d: {  	_ =	shalt  }
0x4e: {  	_ =	shalt  }
0x4f: {  	_ =	shalt  }
0x50: {  	_ =	shalt  }
0x51: {  	_ =	shalt  }
0x52: {  	_ =	shalt  }
0x53: {  	_ =	shalt  }
0x54: {  	_ =	shalt  }
0x55: {  	_ =	shalt  }
0x56: {  	_ =	shalt  }
0x57: {  	_ =	shalt  }
0x58: {  	_ =	shalt  }
0x59: {  	_ =	shalt  }
0x5a: {  	_ =	shalt  }
0x5b: {  	_ =	shalt  }
0x5c: {  	_ =	shalt  }
0x5d: {  	_ =	shalt  }
0x5e: {  	_ =	shalt  }
0x5f: {  	_ =	shalt  }
0x60: {  	_ =	shalt  }
0x61: {  	_ =	shalt  }
0x62: {  	_ =	shalt  }
0x63: {  	_ =	shalt  }
0x64: {  	_ =	shalt  }
0x65: {  	_ =	shalt  }
0x66: {  	_ =	shalt  }
0x67: {  	_ =	shalt  }
0x68: {  	_ =	shalt  }
0x69: {  	_ =	shalt  }
0x6a: {  	_ =	shalt  }
0x6b: {  	_ =	shalt  }
0x6c: {  	_ =	shalt  }
0x6d: {  	_ =	shalt  }
0x6e: {  	_ =	shalt  }
0x6f: {  	_ =	shalt  }
0x70: {  	_ =	shalt  }
0x71: {  	_ =	shalt  }
0x72: {  	_ =	shalt  }
0x73: {  	_ =	shalt  }
0x74: {  	_ =	shalt  }
0x75: {  	_ =	shalt  }
0x76: {  	_ =	shalt  }
0x77: {  	_ =	shalt  }
0x78: {  	_ =	shalt  }
0x79: {  	_ =	shalt  }
0x7a: {  	_ =	shalt  }
0x7b: {  	_ =	shalt  }
0x7c: {  	_ =	shalt  }
0x7d: {  	_ =	shalt  }
0x7e: {  	_ =	shalt  }
0x7f: {  	_ =	shalt  }
0x80: {  	_ =	shalt  }
0x81: {  	_ =	shalt  }
0x82: {  	_ =	shalt  }
0x83: {  	_ =	shalt  }
0x84: {  	_ =	shalt  }
0x85: {  	_ =	shalt  }
0x86: {  	_ =	shalt  }
0x87: {  	_ =	shalt  }
.Lfunc_end0:
.L_simem_size_0:
called_computation_lowered:
.L_overlay_start_0:
0x88: {  	s2 =	sld [smem:$0x3FD9]  }
0x89: {  	s3 =	sld [smem:$0x3FFE];
	_ =	sdelay $0x1  }
0x8a: {  	s1 =	srdreg.scid  }
0x8b: {  	s0 =	sand.u32 $0x1, s1  }
0x8c: {  	s16 =	sshll.u32 s0, $0xA;
	s2 =	sadd.s32 s3, s2  }
0x8d: {  	s2 =	sadd.s32 s2, s16  }
0x8e: {  	[smem:$0x3FBF] =	sst s2  }
0x8f: {  	_ = 	snop  }
0x90: {  	(tm) =	ssettm $0x1  }
0x91: {  	s17 =	sld [smem:$0x3FFB];
	_ =	sdelay $0x3  }
0x92: {  	_ =	strace s17  }
0x93: {  	s2 =	sld [smem:$0x3FFC];
	_ =	sdelay $0x3  }
0x94: {  	_ =	strace s2  }
0x95: {  	s2 =	sld [smem:$0x3FFD];
	_ =	sdelay $0x3  }
0x96: {  	_ =	strace s2  }
0x97: {  	_ =	strace $0x8FFFFFFF  }
0x98: {  	s18 =	sld [smem:$0x3FDB];
	_ =	sdelay $0x1  }
0x99: {  	s19 =	simm.s32 $_scs_section_size  }
0x9a: {  	s4 =	simm.s32 $_size__tile_overlayer_lowered;
	s5 =	simm.s32 $_tile_overlayer_lowered  }
0x9b: {  	s22 =	simm.s32 $0x1BFF;
	s21 =	sshll.u32 s5, $0x1;
	s2 =	sadd.s32 s19, s18  }
0x9c: {  	s6 =	simm.s32 $0x0;
	s20 =	sshll.u32 s4, $0x1;
	s4 =	sadd.s32 s21, s2  }
0x9d: {  	[timem:s6], [sflag:s22] =	dma.local [hbm:s4], s20  }
0x9e: {  	_ =	swait.ge [sflag:s22], s20  }
0x9f: {  	s3 =	ssub.s32 $0x0, s20;
	[sflag:s22] =	ssyncset.done $0x0  }
0xa0: {  	[sflag:s22] =	ssyncadd.s32 s3;
	_ =	sdelay $0x1  }
0xa1: {  	s23 =	simm.s32 $0x1B8B  }
0xa2: {  	_ =	swait.ge [sflag:s23], $0x1  }
0xa3: {  	[sflag:s23] =	ssyncset.done $0x0  }
0xa4: {  	s25 =	simm.s32 $0x1B8E;
	s24 =	sld [smem:$0x3FFE];
	[sflag:s23] =	ssyncadd.s32 $0xFFFFFFFF  }
0xa5: {  	s26 =	simm.s32 $execute0_lowered;
	[smem:$0x3FD2] =	sst s25  }
0xa6: {  	s4 =	sshll.u32 s26, $0x1;
	_ =	strace $0x80000046;
	[dreg:$0x1] =	wrdreg $0xFFFFFFFF  }
0xa7: {  	s28 =	simm.s32 $_size_execute0_lowered;
	s2 =	sadd.s32 s2, s4;
	[dreg:$0x0] =	wrdreg $0x0  }
0xa8: {  	s4 =	sshll.u32 s28, $0x1;
	[dreg:$0x2] =	wrdreg s2  }
0xa9: {  	[dreg:$0x3] =	wrdreg s4  }
0xaa: {  	[dreg:$0x4] =	wrdreg $0xC0  }
0xab: {  	_ =	task [dreg:s6], $0x5FFFF  }
0xac: {  	[dreg:$0x1] =	wrdreg $0xFFFFFFFF  }
0xad: {  	[dreg:$0x0] =	wrdreg $0x60  }
0xae: {  	[dreg:$0x2] =	wrdreg s24  }
0xaf: {  	[dreg:$0x3] =	wrdreg $0x58000  }
0xb0: {  	[dreg:$0x4] =	wrdreg $0x9  }
0xb1: {  	_ =	task.clear_ibuf [dreg:s6], $0x5FFFF;
	_ =	strace $0x90000046  }
0xb2: {  	s29 =	simm.s32 $0x9;
	_ =	strace $0x80000048  }
0xb3: {  	_ =	swait.ge [sflag:s29], $0x1  }
0xb4: {  	[sflag:s29] =	ssyncadd.s32 $0xFFFFFFFF  }
0xb5: {  	_ =	strace $0x90000048  }
0xb6: {  	_ =	sfence  }
0xb7: {  	s30 =	sld [smem:$0x0];
	_ =	sdelay $0x2  }
0xb8: {  	s31 =	sshll.u32 s1, $0xD;
	s1 =	sshrl.u32 s1, $0x2  }
0xb9: {  	s3 =	sand.u32 $0x4000, s31;
	s1 =	sadd.s32 s1, s30  }
0xba: {  	s0 =	sor.u32 s3, s0;
	s1 =	sshll.u32 s1, $0x11  }
0xbb: {  	s0 =	sor.u32 s1, s0  }
0xbc: {  	s0 =	sadd.s32 $0x8F2B, s0  }
0xbd: {  	[sflag:s0] =	ssyncadd.remote.s32 $0x1  }
0xbe: {  	_ =	sfence.sel $0xFFFF  }
0xbf: {  	[dreg:$0x0] =	wrdreg $0xFFFFFFFF;
	(pc) =	sbr.abs _section_cstart, $3  }
0xc0: {  	[dreg:$0x1] =	wrdreg $0xFFFFFFFF  }
0xc1: {  	_ =	task.clear_ibuf [dreg:s6], $0x2FFFF;
	_ =	strace $0x9FFFFFFF  }
0xc2: {  	(tm) =	ssettm $0x7FFFFFFF  }
0xc3: {  	_ =	shalt  }
tec
execute0_lowered:
.L_overlay_start_1:
0x0: {  	(tag) =	ssettag $0x1  }
0x1: {  	s1 =	srdreg.scid;
	s7 =	rddreg [dreg:$0x0]  }
0x2: {  	s0 =	stileid.u32;
	s2 =	rddreg [dreg:$0x1];
	s3 =	simm.s32 $0x0  }
0x3: {  	s13 =	simm.s32 $0x80;
	s5 =	sand.u32 $0x1, s1;
	s1 =	rddreg [dreg:$0x2]  }
0x4: {  	s14 =	simm.s32 $0x0;
	s30 =	sshll.u32 s0, $0x1;
	[smem:$0x7FF] =	sst s3  }
0x5: {  	s10 =	smul.u32 $0x2800, s0;
	s31 =	sshll.u32 s0, $0x6;
	s4 =	sor.u32 s5, s30  }
0x6: {  	_ =	strace $0x80000047;
	s8 =	ssub.s32 $0x2, s5;
	p0 =	seq.s32 s5, $0x1  }
0x7: {  	s4 =	smul.u32 $0x500, s4;
	s9 =	sshrl.u32 s8, $0x1;
	s11 =	sshrl.u32 s10, $0x3  }
0x8: {  	s12 =	sadd.s32 s10, s2;
	s10 =	simm.s32 $0x5000;
	s8 =	ssub.s32 s8, s9  }
0x9: {  	s9 =	simm.s32 $0x13E00;
	s12 =	sshrl.u32 s12, $0x3;
	s6 =	sadd.s32 s4, s7  }
0xa: {  	s4 =	sadd.s32 $0xEE00, s7;
	s9 =	simm.s32 @!p0 $0x18E00;
	s5 =	sadd.s32 $0x4E00, s6  }
0xb: {  	s6 =	sadd.s32 s4, s11;
	s9 =	sadd.s32 s9, s7;
	s7 =	smax.u32 s8, $0x1  }
0xc: {  	s8 =	sadd.s32 s9, s11;
	s9 =	simm.s32 $0x1;
	s11 =	sor.u32 $0x1C01, s31  }
.LBB2_1:
0xd: {  	[tilespmem:s3], [sflag:$0x1] =	stream.linear.gather [hbm4b:s5+s3], $0x2800, $0x38;
	[tilespmem:$0x8000] =	vst v63  }
0xe: {  	_ =	swait.ge [sflag:s9], $0x2800  }
0xf: {  	[sflag:s9] =	ssyncset.done $0x0  }
0x10: {  	[sflag:s9] =	ssyncadd.s32 $0xFFFFD800  }
0x11: {  	[tilespmem:s10], [sflag:$0x1] =	stream.linear.gather [hbm4b:s4+s3], $0x800, $0x38;
	[tilespmem:$0x8000] =	vst v63  }
0x12: {  	_ =	swait.ge [sflag:s9], $0x800  }
0x13: {  	[sflag:s9] =	ssyncset.done $0x0  }
0x14: {  	[sflag:s9] =	ssyncadd.s32 $0xFFFFF800  }
0x15: {  	[spmem:s12], [sflag:s11] =	dma.local [hbm:s6], $0x500  }
0x16: {  	_ =	swait.ge [sflag:s9], $0x500  }
0x17: {  	[sflag:s9] =	ssyncset.done $0x0  }
0x18: {  	s16 =	simm.s32 $0x0;
	[sflag:s9] =	ssyncadd.s32 $0xFFFFFB00  }
0x19: {  	v1 =	vld [tilespmem:s16+$0x70]  }
0x1a: {  	v4 =	vld [tilespmem:s16+$0x0]  }
0x1b: {  	v5 =	vld [tilespmem:s16+$0x10]  }
0x1c: {  	v3 =	vld [tilespmem:s16+$0x20]  }
0x1d: {  	v2 =	vld [tilespmem:s16+$0x30]  }
0x1e: {  	v0 =	vld [tilespmem:s16+$0x40];
	v6 =	vshrl.u32 v1, $0xE  }
0x1f: {  	v1 =	vld [tilespmem:s16+$0x50];
	v4 =	vshrl.u32 v4, $0xE;
	[tilespmem:s16+$0x2870] =	vst v6  }
0x20: {  	s15 =	simm.s32 $0x80;
	s17 =	simm.s32 $0x400;
	v5 =	vshrl.u32 v5, $0xE;
	[tilespmem:s16+$0x2800] =	vst v4;
	v4 =	vld [tilespmem:s16+$0x60]  }
.LBB2_2:
0x21: {  	p0 =	sne.s32 s17, $0x9E00;
	v6 =	vld [tilespmem:s15+$0x70];
	[tilespmem:s16+$0x2810] =	vst v5;
	v3 =	vshrl.u32 v3, $0xE  }
0x22: {  	v5 =	vld [tilespmem:s15+$0x0];
	[tilespmem:s16+$0x2820] =	vst v3;
	v2 =	vshrl.u32 v2, $0xE  }
0x23: {  	v7 =	vld [tilespmem:s15+$0x10];
	[tilespmem:s16+$0x2830] =	vst v2;
	v0 =	vshrl.u32 v0, $0xE  }
.Ltmp0:
0x24: {  	v3 =	vld [tilespmem:s15+$0x20];
	[tilespmem:s16+$0x2840] =	vst v0;
	v0 =	vshrl.u32 v1, $0xE;
	(pc) =	sbr.rel @p0 .LBB2_2-.Ltmp0, $4  }
0x25: {  	v2 =	vld [tilespmem:s15+$0x30];
	[tilespmem:s16+$0x2850] =	vst v0;
	v1 =	vshrl.u32 v4, $0xE  }
0x26: {  	v0 =	vld [tilespmem:s15+$0x40];
	v4 =	vshrl.u32 v6, $0xE;
	[tilespmem:s16+$0x2860] =	vst v1;
	s16 =	smov.u32 s15  }
0x27: {  	v5 =	vshrl.u32 v5, $0xE;
	v1 =	vld [tilespmem:s16+$0x50];
	[tilespmem:s16+$0x2870] =	vst v4  }
0x28: {  	s15 =	sshra.s32 s17, $0x2;
	s17 =	sadd.s32 $0x200, s17;
	[tilespmem:s16+$0x2800] =	vst v5;
	v5 =	vshrl.u32 v7, $0xE;
	v4 =	vld [tilespmem:s16+$0x60]  }
0x29: {  	v6 =	vld [tilespmem:s15+$0x70];
	[tilespmem:s16+$0x2810] =	vst v5;
	v3 =	vshrl.u32 v3, $0xE  }
0x2a: {  	v5 =	vld [tilespmem:s15+$0x0];
	[tilespmem:s16+$0x2820] =	vst v3;
	v2 =	vshrl.u32 v2, $0xE  }
0x2b: {  	v3 =	vld [tilespmem:s15+$0x10];
	[tilespmem:s16+$0x2830] =	vst v2;
	v0 =	vshrl.u32 v0, $0xE  }
0x2c: {  	v2 =	vld [tilespmem:s15+$0x20];
	[tilespmem:s16+$0x2840] =	vst v0;
	v51 =	vshrl.u32 v1, $0xE  }
0x2d: {  	v52 =	vld [tilespmem:s15+$0x30];
	[tilespmem:s16+$0x2850] =	vst v51;
	v53 =	vshrl.u32 v4, $0xE  }
0x2e: {  	v54 =	vld [tilespmem:s15+$0x40];
	[tilespmem:s16+$0x2860] =	vst v53;
	v55 =	vshrl.u32 v6, $0xE  }
0x2f: {  	v56 =	vld [tilespmem:s15+$0x50];
	v5 =	vshrl.u32 v5, $0xE;
	[tilespmem:s15+$0x2870] =	vst v55  }
0x30: {  	v58 =	vld [tilespmem:s15+$0x60];
	[tilespmem:s15+$0x2800] =	vst v5;
	v57 =	vshrl.u32 v3, $0xE  }
0x31: {  	[tilespmem:s15+$0x2810] =	vst v57;
	v59 =	vshrl.u32 v2, $0xE  }
0x32: {  	[tilespmem:s15+$0x2820] =	vst v59;
	v60 =	vshrl.u32 v52, $0xE  }
0x33: {  	[tilespmem:s15+$0x2830] =	vst v60;
	v61 =	vshrl.u32 v54, $0xE  }
0x34: {  	[tilespmem:s15+$0x2840] =	vst v61;
	v62 =	vshrl.u32 v56, $0xE  }
0x35: {  	v63 =	vshrl.u32 v58, $0xE;
	[tilespmem:s15+$0x2850] =	vst v62  }
0x36: {  	[tilespmem:s15+$0x2860] =	vst v63  }
0x37: {  	s31 =	simm.s32 $0x2800;
	[bflag:$0x0] =	sbarrier.arrive $0xFFFF  }
0x38: {  	[spmem:s2] =	stream.indirect.scatter.add.f32 [tilespmem:s10], [sflag:$0x1], $0x10, s31, s13, $0xb8;
	[tilespmem:$0x8000] =	vst v63  }
0x39: {  	s15 =	simm.s32 $0x200;
	_ =	swait.ge [sflag:s9], $0x800  }
.LBB2_4:
0x3a: {  	s16 =	sshra.s32 s15, $0x2;
	[sflag:s9] =	ssyncset.done $0x0;
	p0 =	sne.s32 s15, $0x9E00  }
.Ltmp1:
0x3b: {  	s16 =	sadd.s32 $0x2800, s16;
	[sflag:s9] =	ssyncadd.s32 $0xFFFFF800;
	(pc) =	sbr.rel @p0 .LBB2_4-.Ltmp1, $3  }
0x3c: {  	[spmem:s2] =	stream.indirect.scatter.add.f32 [tilespmem:s10], [sflag:$0x1], $0x10, s16, s13, $0xb8;
	[tilespmem:$0x8000] =	vst v63  }
0x3d: {  	s15 =	sadd.s32 $0x200, s15;
	_ =	sdelay $0x1  }
0x3e: {  	_ =	swait.ge [sflag:s9], $0x800  }
0x3f: {  	[sflag:s9] =	ssyncset.done $0x0;
	s14 =	sadd.s32 $0x1, s14  }
0x40: {  	[sflag:s9] =	ssyncadd.s32 $0xFFFFF800;
	p0 =	sne.s32 s14, s7  }
.Ltmp2:
0x41: {  	[bflag:$0x0] =	sbarrier.arrive $0xFFFF;
	(pc) =	sbr.rel @p0 .LBB2_1-.Ltmp2, $4  }
0x42: {  	[hbm:s8], [sflag:s11] =	dma.local [spmem:s12], $0x500  }
0x43: {  	_ =	swait.ge [sflag:s9], $0x500  }
0x44: {  	[sflag:s9] =	ssyncset.done $0x0  }
0x45: {  	[sflag:s9] =	ssyncadd.s32 $0xFFFFFB00  }
0x46: {  	_ =	sfence.sel $0x180000  }
0x47: {  	[bflag:$0x0] =	sbarrier.arrive $0xFFFF  }
0x48: {  	p0 =	sne.s32 s0, $0x0;
	_ =	strace $0x90000047  }
0x49: {  	s0 =	sadd.s32 @!p0 $0x100000, s1;
	[bflag:$0x2] =	sbarrier.arrive $0xFFFF  }
0x4a: {  	[sflag:s0] =	ssyncadd.tile.s32 @!p0 $0x1;
	_ =	shalt  }
.Lfunc_end2:
_tile_overlayer_lowered:
.L_overlay_start_2:
0x4b: {  	(tag) =	ssettag $0x2  }
0x4c: {  	s0 =	rddreg [dreg:$0x0];
	s2 =	stileid.u32  }
0x4d: {  	s1 =	rddreg [dreg:$0x1];
	p0 =	sne.s32 s2, $0x0  }
0x4e: {  	s3 =	rddreg [dreg:$0x2];
	[bflag:$0x3] =	sbarrier.arrive $0xFFFF;
	s2 =	simm.s32 @!p0 $0x1C01  }
0x4f: {  	[timem:s3], [sflag:s2] =	dma.local @!p0 [hbm:s0], s1  }
0x50: {  	s0 =	simm.s32 @!p0 $0x1  }
0x51: {  	_ =	swait.ge @!p0 [sflag:s0], s1  }
0x52: {  	s1 =	ssub.s32 @!p0 $0x0, s1;
	[sflag:s0] =	ssyncset.done @!p0 $0x0  }
0x53: {  	[sflag:s0] =	ssyncadd.s32 @!p0 s1  }
0x54: {  	[bflag:$0x3] =	sbarrier.arrive $0xFFFF  }
0x55: {  	_ =	shalt  }

</sc_bundles>
